<compile_context>
chip_gen: v7x
topology: tpu7x:2x2x1
jax: 0.10.2.dev20260603
libtpu: 0.0.44.dev20260713+nightly
codegen_flags: <defaults>
</compile_context>

<pallas_src>
import functools

import jax
import jax.numpy as jnp
from jax import lax
from jax.experimental import pallas as pl
from jax.experimental.pallas import tpu as pltpu
from jax.experimental.pallas import tpu_sc as plsc

E = 8192
N = 2048
D = 128
U = 128
NN = N * N
LANES = 16
NTILES = 32
ROWS = E // 128
RPT = ROWS // NTILES
CPT = D // NTILES

_mesh = plsc.VectorSubcoreMesh(core_axis_name="c", subcore_axis_name="s")
_SC_PARAMS = pltpu.CompilerParams(needs_layout_passes=False)


def _wid():
    return lax.axis_index("c") * 16 + lax.axis_index("s")


@functools.partial(
    pl.kernel,
    out_type=jax.ShapeDtypeStruct((NN,), jnp.int32),
    mesh=_mesh,
    compiler_params=_SC_PARAMS,
    scratch_types=[
        pltpu.VMEM((RPT, 128), jnp.int32),
        pltpu.VMEM((RPT, 128), jnp.int32),
        pltpu.VMEM((RPT, 128), jnp.int32),
        pltpu.VMEM((RPT, 128), jnp.int32),
        pltpu.SemaphoreType.DMA,
    ],
)
def _elect(src_hbm, dst_hbm, rep_table, src_v, dst_v, keys_v, ids_v, sem):
    row0 = _wid() * RPT
    pltpu.sync_copy(src_hbm.at[pl.ds(row0, RPT), :], src_v)
    pltpu.sync_copy(dst_hbm.at[pl.ds(row0, RPT), :], dst_v)
    iota = lax.broadcasted_iota(jnp.int32, (LANES,), 0)
    ebase = row0 * 128
    for j in range(RPT):
        for k in range(128 // LANES):
            s16 = src_v[j, pl.ds(k * LANES, LANES)]
            d16 = dst_v[j, pl.ds(k * LANES, LANES)]
            keys_v[j, pl.ds(k * LANES, LANES)] = d16 * N + s16
            ids_v[j, pl.ds(k * LANES, LANES)] = (
                ebase + j * 128 + k * LANES) + iota
    for j in range(RPT):
        pltpu.async_copy(ids_v.at[j], rep_table.at[keys_v.at[j]], sem).wait()


RPS = ROWS // 16


@functools.partial(
    pl.kernel,
    out_type=jax.ShapeDtypeStruct((D, E), jnp.float32),
    mesh=_mesh,
    compiler_params=_SC_PARAMS,
    scratch_types=[
        pltpu.VMEM((ROWS, 128), jnp.int32),
        pltpu.VMEM((ROWS, 128), jnp.int32),
        pltpu.VMEM((CPT, E), jnp.float32),
        pltpu.VMEM((N,), jnp.float32),
        pltpu.VMEM((N,), jnp.float32),
        pltpu.VMEM((N,), jnp.float32),
        pltpu.VMEM((N,), jnp.float32),
        pltpu.VMEM((E,), jnp.float32),
        pltpu.VMEM((E,), jnp.float32),
        pltpu.VMEM((E,), jnp.float32),
        pltpu.VMEM((E,), jnp.float32),
        pltpu.VMEM((RPS, 128), jnp.int32),
        pltpu.VMEM((RPS, 128), jnp.int32),
        pltpu.VMEM_SHARED((ROWS, 128), jnp.int32),
        pltpu.SemaphoreType.DMA,
    ],
)
def _messages(featT_hbm, src_hbm, dst_hbm, rep_table_hbm, msgT_out,
              buf_v, rep_v, feat_v, agg0, agg1, agg2, agg3, tmp0, tmp1,
              tmp2, tmp3, kbuf_v, rbuf_v, rep_sh, sem):
    aggs = (agg0, agg1, agg2, agg3)
    tmps = (tmp0, tmp1, tmp2, tmp3)
    s = lax.axis_index("s")
    c0 = _wid() * CPT
    cp_f = pltpu.async_copy(featT_hbm.at[pl.ds(c0, CPT), :], feat_v, sem)
    pltpu.sync_copy(dst_hbm, buf_v)
    pltpu.sync_copy(src_hbm, rep_v)
    r0 = s * RPS
    for j in range(RPS):
        for k in range(128 // LANES):
            d16 = buf_v[r0 + j, pl.ds(k * LANES, LANES)]
            s16 = rep_v[r0 + j, pl.ds(k * LANES, LANES)]
            kbuf_v[j, pl.ds(k * LANES, LANES)] = d16 * N + s16
    gcs = [
        pltpu.async_copy(rep_table_hbm.at[kbuf_v.at[j]], rbuf_v.at[j], sem)
        for j in range(RPS)
    ]
    z = jnp.zeros((LANES,), jnp.float32)

    def zb_t(i, _):
        for d in range(CPT):
            tmps[d][pl.ds(i * LANES, LANES)] = z
        return 0
    lax.fori_loop(0, E // LANES, zb_t, 0)

    def zb_a(i, _):
        for d in range(CPT):
            aggs[d][pl.ds(i * LANES, LANES)] = z
        return 0
    lax.fori_loop(0, N // LANES, zb_a, 0)

    for g in gcs:
        g.wait()
    pltpu.sync_copy(rbuf_v, rep_sh.at[pl.ds(r0, RPS), :])
    plsc.subcore_barrier()
    pltpu.sync_copy(rep_sh, rep_v)
    cp_f.wait()

    def p1(r, _):
        col0 = r * 128
        for k in range(128 // LANES):
            dst16 = buf_v[r, pl.ds(k * LANES, LANES)]
            rep16 = rep_v[r, pl.ds(k * LANES, LANES)]
            for d in range(CPT):
                f = feat_v[d, pl.ds(col0 + k * LANES, LANES)]
                plsc.addupdate_scatter(aggs[d], [dst16], f)
                plsc.addupdate_scatter(tmps[d], [rep16], f)
        return 0
    lax.fori_loop(0, ROWS, p1, 0)

    pltpu.sync_copy(src_hbm, buf_v)

    def p2(r, _):
        col0 = r * 128
        for k in range(128 // LANES):
            src16 = buf_v[r, pl.ds(k * LANES, LANES)]
            rep16 = rep_v[r, pl.ds(k * LANES, LANES)]
            for d in range(CPT):
                m = (plsc.load_gather(aggs[d], [src16])
                     - plsc.load_gather(tmps[d], [rep16]))
                feat_v[d, pl.ds(col0 + k * LANES, LANES)] = m
        return 0
    lax.fori_loop(0, ROWS, p2, 0)

    pltpu.sync_copy(feat_v, msgT_out.at[pl.ds(c0, CPT), :])


BLK = 2048


def _pre_body(feat_ref, featT_ref):
    featT_ref[...] = feat_ref[...].T


def _pre(feat):
    return pl.pallas_call(
        _pre_body,
        grid=(E // BLK,),
        in_specs=[pl.BlockSpec((BLK, D), lambda i: (i, 0))],
        out_specs=pl.BlockSpec((D, BLK), lambda i: (0, i)),
        out_shape=jax.ShapeDtypeStruct((D, E), jnp.float32),
    )(feat)


def _post_body(feat_ref, msgT_ref, w_ref, out_ref):
    acc = jnp.dot(feat_ref[...], w_ref[:D, :],
                  preferred_element_type=jnp.float32)
    acc = acc + lax.dot_general(
        msgT_ref[...], w_ref[D:, :], (((0,), (0,)), ((), ())),
        preferred_element_type=jnp.float32)
    out_ref[...] = jnp.maximum(acc, 0.0)


def _post(feat, msgT, W):
    return pl.pallas_call(
        _post_body,
        grid=(E // BLK,),
        in_specs=[
            pl.BlockSpec((BLK, D), lambda i: (i, 0)),
            pl.BlockSpec((D, BLK), lambda i: (0, i)),
            pl.BlockSpec((2 * D, U), lambda i: (0, 0)),
        ],
        out_specs=pl.BlockSpec((BLK, U), lambda i: (i, 0)),
        out_shape=jax.ShapeDtypeStruct((E, U), jnp.float32),
    )(feat, msgT, W)


def kernel(edge_feature, edge_src, edge_dst, graph_indicator, W):
    del graph_indicator
    src2d = edge_src.astype(jnp.int32).reshape(ROWS, 128)
    dst2d = edge_dst.astype(jnp.int32).reshape(ROWS, 128)
    featT = _pre(edge_feature)
    rep_table = _elect(src2d, dst2d)
    msgT = _messages(featT, src2d, dst2d, rep_table)
    return _post(edge_feature, msgT, W)

# --- scband reference (transcript-rebuilt; emitter-appended) ---
"""Pipeline reference for scband-edge-conv-71116068488000 (READ-ONLY COPY).

The authoritative reference and input builder live on the scoring server;
editing this copy changes nothing except your own understanding.
"""

import jax, jax.numpy as jnp
import numpy as np

E = 8192
N = 2048
D = 128
U = 128


def setup_inputs(seed: int = 0) -> dict:
    key = jax.random.key(seed)
    k1, k2, k3, k4, k5 = jax.random.split(key, 5)
    edge_feature = jax.random.normal(k1, (E, D), dtype=jnp.float32)
    edge_src = jax.random.randint(k2, (E,), 0, N, dtype=jnp.int32)
    edge_dst = jax.random.randint(k3, (E,), 0, N, dtype=jnp.int32)
    graph_indicator = jnp.sort(jax.random.randint(k4, (N,), 0, 64, dtype=jnp.int32))
    # Dense update kernel: concat([edge_feature_prev, message], axis=1) @ W -> units
    # Keras default for this layer (dense mode): TruncatedNormal(stddev=0.005); approximate with scaled normal.
    W = jax.random.normal(k5, (2 * D, U), dtype=jnp.float32) * 0.005
    return {
        "edge_feature": edge_feature,
        "edge_src": edge_src,
        "edge_dst": edge_dst,
        "graph_indicator": graph_indicator,
        "W": W,
    }


def reference(edge_feature, edge_src, edge_dst, graph_indicator, W):
    # --- edge_message_step (reduce_memory_usage=False path) ---
    num_nodes = graph_indicator.shape[0]
    # unsorted_segment_sum over destination nodes
    agg = jax.ops.segment_sum(edge_feature, edge_dst, num_segments=num_nodes)
    message = jnp.take(agg, edge_src, axis=0)
    # _get_reverse_edge_features: pairwise match on (edge_dst, edge_src), faithful to TF code
    pair_key = edge_dst * num_nodes + edge_src
    pair_sum = jax.ops.segment_sum(
        edge_feature, pair_key, num_segments=num_nodes * num_nodes
    )
    reverse_feat = jnp.take(pair_sum, pair_key, axis=0)
    message = message - reverse_feat
    # --- edge_update_step (Dense update: concat prev edge states with message) ---
    out = jax.nn.relu(jnp.concatenate([edge_feature, message], axis=1) @ W)
    return out

if __name__ == "__main__":
    import jax
    _d = setup_inputs()
    print(jax.jit(kernel)(*tuple(_d.values())))

</pallas_src>

<mosaic_0001>
#map = affine_map<(d0, d1) -> (0, 0)>
#map1 = affine_map<(d0, d1) -> (0)>
module attributes {stable_mosaic.version = 14 : i64} {
  func.func @_messages(%arg0: i32, %arg1: i32, %arg2: memref<128x8192xf32, #tpu.memory_space<hbm>>, %arg3: memref<64x128xi32, #tpu.memory_space<hbm>>, %arg4: memref<64x128xi32, #tpu.memory_space<hbm>>, %arg5: memref<4194304xi32, #tpu.memory_space<hbm>>, %arg6: memref<128x8192xf32, #tpu.memory_space<hbm>>, %arg7: memref<64x128xi32, #tpu.memory_space<vmem>>, %arg8: memref<64x128xi32, #tpu.memory_space<vmem>>, %arg9: memref<4x8192xf32, #tpu.memory_space<vmem>>, %arg10: memref<2048xf32, #tpu.memory_space<vmem>>, %arg11: memref<2048xf32, #tpu.memory_space<vmem>>, %arg12: memref<2048xf32, #tpu.memory_space<vmem>>, %arg13: memref<2048xf32, #tpu.memory_space<vmem>>, %arg14: memref<8192xf32, #tpu.memory_space<vmem>>, %arg15: memref<8192xf32, #tpu.memory_space<vmem>>, %arg16: memref<8192xf32, #tpu.memory_space<vmem>>, %arg17: memref<8192xf32, #tpu.memory_space<vmem>>, %arg18: memref<4x128xi32, #tpu.memory_space<vmem>>, %arg19: memref<4x128xi32, #tpu.memory_space<vmem>>, %arg20: memref<64x128xi32, #tpu.memory_space<vmem_shared>>, %arg21: memref<!tpu.dma_semaphore, #tpu.memory_space<semaphore_mem>>) attributes {dimension_semantics = [#tpu.dimension_semantics<core_parallel>, #tpu.dimension_semantics<subcore_parallel>], iteration_bounds = array<i64: 2, 16>, scalar_prefetch = 0 : i64, scratch_operands = 15 : i64, tpu.core_type = #tpu.core_type<sc_vector_subcore>, window_params = [{transform_indices = #map}, {transform_indices = #map}, {transform_indices = #map}, {transform_indices = #map1}, {transform_indices = #map}]} {
    %mul3A = arith.constant 16 : i32
    %mul3A_0 = arith.muli %arg0, %mul3A : i32
    %add3A = arith.addi %mul3A_0, %arg1 : i32
    %mul3A_1 = arith.constant 4 : i32
    %mul3A_2 = arith.muli %add3A, %mul3A_1 : i32
    %dma_start3A = arith.constant 0 : i32
    %dma_start3A_3 = tpu.memref_slice %arg2[%mul3A_2, %dma_start3A] : memref<128x8192xf32, #tpu.memory_space<hbm>> -> memref<4x8192xf32, #tpu.memory_space<hbm>>
    %dma_start3A_4 = arith.constant 0 : i32
    %dma_start3A_5 = tpu.memref_slice %arg2[%mul3A_2, %dma_start3A_4] : memref<128x8192xf32, #tpu.memory_space<hbm>> -> memref<4x8192xf32, #tpu.memory_space<hbm>>
    tpu.enqueue_dma source(%dma_start3A_5 : memref<4x8192xf32, #tpu.memory_space<hbm>>) target(%arg9 : memref<4x8192xf32, #tpu.memory_space<vmem>>) target_semaphore(%arg21 : memref<!tpu.dma_semaphore, #tpu.memory_space<semaphore_mem>>)
    "tpu.region"() ({
      %run_scoped3A = tpu.sem_alloc : memref<!tpu.dma_semaphore, #tpu.memory_space<semaphore_mem>>
      tpu.enqueue_dma source(%arg4 : memref<64x128xi32, #tpu.memory_space<hbm>>) target(%arg7 : memref<64x128xi32, #tpu.memory_space<vmem>>) target_semaphore(%run_scoped3A : memref<!tpu.dma_semaphore, #tpu.memory_space<semaphore_mem>>)
      tpu.wait_dma2 semaphore(%run_scoped3A : memref<!tpu.dma_semaphore, #tpu.memory_space<semaphore_mem>>) src(%arg4 : memref<64x128xi32, #tpu.memory_space<hbm>>) dst(%arg7 : memref<64x128xi32, #tpu.memory_space<vmem>>)
      tpu.yield
    }) : () -> ()
    "tpu.region"() ({
      %run_scoped3A = tpu.sem_alloc : memref<!tpu.dma_semaphore, #tpu.memory_space<semaphore_mem>>
      tpu.enqueue_dma source(%arg3 : memref<64x128xi32, #tpu.memory_space<hbm>>) target(%arg8 : memref<64x128xi32, #tpu.memory_space<vmem>>) target_semaphore(%run_scoped3A : memref<!tpu.dma_semaphore, #tpu.memory_space<semaphore_mem>>)
      tpu.wait_dma2 semaphore(%run_scoped3A : memref<!tpu.dma_semaphore, #tpu.memory_space<semaphore_mem>>) src(%arg3 : memref<64x128xi32, #tpu.memory_space<hbm>>) dst(%arg8 : memref<64x128xi32, #tpu.memory_space<vmem>>)
      tpu.yield
    }) : () -> ()
    %mul3A_6 = arith.constant 4 : i32
    %mul3A_7 = arith.muli %arg1, %mul3A_6 : i32
    %add3A_8 = arith.constant 0 : i32
    %add3A_9 = arith.addi %mul3A_7, %add3A_8 : i32
    %get3A = arith.index_cast %add3A_9 : i32 to index
    %get3A_10 = arith.constant 0 : index
    %get3A_11 = tpu.vector_load %arg7[%get3A, %get3A_10] {strides = array<i32>} : memref<64x128xi32, #tpu.memory_space<vmem>>, vector<16xi32>,
    %add3A_12 = arith.constant 0 : i32
    %add3A_13 = arith.addi %mul3A_7, %add3A_12 : i32
    %get3A_14 = arith.index_cast %add3A_13 : i32 to index
    %get3A_15 = arith.constant 0 : index
    %get3A_16 = tpu.vector_load %arg8[%get3A_14, %get3A_15] {strides = array<i32>} : memref<64x128xi32, #tpu.memory_space<vmem>>, vector<16xi32>,
    %mul3A_17 = arith.constant 2048 : i32
    %mul3A_18 = vector.broadcast %mul3A_17 : i32 to vector<16xi32>
    %mul3A_19 = arith.muli %get3A_11, %mul3A_18 : vector<16xi32>
    %add3A_20 = arith.addi %mul3A_19, %get3A_16 : vector<16xi32>
    %swap3A = arith.constant 0 : i32
    %swap3A_21 = arith.index_cast %swap3A : i32 to index
    %swap3A_22 = arith.constant 0 : index
    %swap3A_23 = tpu.vector_load %arg18[%swap3A_21, %swap3A_22] {strides = array<i32>} : memref<4x128xi32, #tpu.memory_space<vmem>>, vector<16xi32>,
    tpu.vector_store %arg18[%swap3A_21, %swap3A_22], %add3A_20 {strides = array<i32>} : memref<4x128xi32, #tpu.memory_space<vmem>>, vector<16xi32>,
    %add3A_24 = arith.constant 0 : i32
    %add3A_25 = arith.addi %mul3A_7, %add3A_24 : i32
    %get3A_26 = arith.index_cast %add3A_25 : i32 to index
    %get3A_27 = arith.constant 16 : index
    %get3A_28 = tpu.vector_load %arg7[%get3A_26, %get3A_27] {strides = array<i32>} : memref<64x128xi32, #tpu.memory_space<vmem>>, vector<16xi32>,
    %add3A_29 = arith.constant 0 : i32
    %add3A_30 = arith.addi %mul3A_7, %add3A_29 : i32
    %get3A_31 = arith.index_cast %add3A_30 : i32 to index
    %get3A_32 = arith.constant 16 : index
    %get3A_33 = tpu.vector_load %arg8[%get3A_31, %get3A_32] {strides = array<i32>} : memref<64x128xi32, #tpu.memory_space<vmem>>, vector<16xi32>,
    %mul3A_34 = arith.constant 2048 : i32
    %mul3A_35 = vector.broadcast %mul3A_34 : i32 to vector<16xi32>
    %mul3A_36 = arith.muli %get3A_28, %mul3A_35 : vector<16xi32>
    %add3A_37 = arith.addi %mul3A_36, %get3A_33 : vector<16xi32>
    %swap3A_38 = arith.constant 0 : i32
    %swap3A_39 = arith.index_cast %swap3A_38 : i32 to index
    %swap3A_40 = arith.constant 16 : index
    %swap3A_41 = tpu.vector_load %arg18[%swap3A_39, %swap3A_40] {strides = array<i32>} : memref<4x128xi32, #tpu.memory_space<vmem>>, vector<16xi32>,
    tpu.vector_store %arg18[%swap3A_39, %swap3A_40], %add3A_37 {strides = array<i32>} : memref<4x128xi32, #tpu.memory_space<vmem>>, vector<16xi32>,
    %add3A_42 = arith.constant 0 : i32
    %add3A_43 = arith.addi %mul3A_7, %add3A_42 : i32
    %get3A_44 = arith.index_cast %add3A_43 : i32 to index
    %get3A_45 = arith.constant 32 : index
    %get3A_46 = tpu.vector_load %arg7[%get3A_44, %get3A_45] {strides = array<i32>} : memref<64x128xi32, #tpu.memory_space<vmem>>, vector<16xi32>,
    %add3A_47 = arith.constant 0 : i32
    %add3A_48 = arith.addi %mul3A_7, %add3A_47 : i32
    %get3A_49 = arith.index_cast %add3A_48 : i32 to index
    %get3A_50 = arith.constant 32 : index
    %get3A_51 = tpu.vector_load %arg8[%get3A_49, %get3A_50] {strides = array<i32>} : memref<64x128xi32, #tpu.memory_space<vmem>>, vector<16xi32>,
    %mul3A_52 = arith.constant 2048 : i32
    %mul3A_53 = vector.broadcast %mul3A_52 : i32 to vector<16xi32>
    %mul3A_54 = arith.muli %get3A_46, %mul3A_53 : vector<16xi32>
    %add3A_55 = arith.addi %mul3A_54, %get3A_51 : vector<16xi32>
    %swap3A_56 = arith.constant 0 : i32
    %swap3A_57 = arith.index_cast %swap3A_56 : i32 to index
    %swap3A_58 = arith.constant 32 : index
    %swap3A_59 = tpu.vector_load %arg18[%swap3A_57, %swap3A_58] {strides = array<i32>} : memref<4x128xi32, #tpu.memory_space<vmem>>, vector<16xi32>,
    tpu.vector_store %arg18[%swap3A_57, %swap3A_58], %add3A_55 {strides = array<i32>} : memref<4x128xi32, #tpu.memory_space<vmem>>, vector<16xi32>,
    %add3A_60 = arith.constant 0 : i32
    %add3A_61 = arith.addi %mul3A_7, %add3A_60 : i32
    %get3A_62 = arith.index_cast %add3A_61 : i32 to index
    %get3A_63 = arith.constant 48 : index
    %get3A_64 = tpu.vector_load %arg7[%get3A_62, %get3A_63] {strides = array<i32>} : memref<64x128xi32, #tpu.memory_space<vmem>>, vector<16xi32>,
    %add3A_65 = arith.constant 0 : i32
    %add3A_66 = arith.addi %mul3A_7, %add3A_65 : i32
    %get3A_67 = arith.index_cast %add3A_66 : i32 to index
    %get3A_68 = arith.constant 48 : index
    %get3A_69 = tpu.vector_load %arg8[%get3A_67, %get3A_68] {strides = array<i32>} : memref<64x128xi32, #tpu.memory_space<vmem>>, vector<16xi32>,
    %mul3A_70 = arith.constant 2048 : i32
    %mul3A_71 = vector.broadcast %mul3A_70 : i32 to vector<16xi32>
    %mul3A_72 = arith.muli %get3A_64, %mul3A_71 : vector<16xi32>
    %add3A_73 = arith.addi %mul3A_72, %get3A_69 : vector<16xi32>
    %swap3A_74 = arith.constant 0 : i32
    %swap3A_75 = arith.index_cast %swap3A_74 : i32 to index
    %swap3A_76 = arith.constant 48 : index
    %swap3A_77 = tpu.vector_load %arg18[%swap3A_75, %swap3A_76] {strides = array<i32>} : memref<4x128xi32, #tpu.memory_space<vmem>>, vector<16xi32>,
    tpu.vector_store %arg18[%swap3A_75, %swap3A_76], %add3A_73 {strides = array<i32>} : memref<4x128xi32, #tpu.memory_space<vmem>>, vector<16xi32>,
    %add3A_78 = arith.constant 0 : i32
    %add3A_79 = arith.addi %mul3A_7, %add3A_78 : i32
    %get3A_80 = arith.index_cast %add3A_79 : i32 to index
    %get3A_81 = arith.constant 64 : index
    %get3A_82 = tpu.vector_load %arg7[%get3A_80, %get3A_81] {strides = array<i32>} : memref<64x128xi32, #tpu.memory_space<vmem>>, vector<16xi32>,
    %add3A_83 = arith.constant 0 : i32
    %add3A_84 = arith.addi %mul3A_7, %add3A_83 : i32
    %get3A_85 = arith.index_cast %add3A_84 : i32 to index
    %get3A_86 = arith.constant 64 : index
    %get3A_87 = tpu.vector_load %arg8[%get3A_85, %get3A_86] {strides = array<i32>} : memref<64x128xi32, #tpu.memory_space<vmem>>, vector<16xi32>,
    %mul3A_88 = arith.constant 2048 : i32
    %mul3A_89 = vector.broadcast %mul3A_88 : i32 to vector<16xi32>
    %mul3A_90 = arith.muli %get3A_82, %mul3A_89 : vector<16xi32>
    %add3A_91 = arith.addi %mul3A_90, %get3A_87 : vector<16xi32>
    %swap3A_92 = arith.constant 0 : i32
    %swap3A_93 = arith.index_cast %swap3A_92 : i32 to index
    %swap3A_94 = arith.constant 64 : index
    %swap3A_95 = tpu.vector_load %arg18[%swap3A_93, %swap3A_94] {strides = array<i32>} : memref<4x128xi32, #tpu.memory_space<vmem>>, vector<16xi32>,
    tpu.vector_store %arg18[%swap3A_93, %swap3A_94], %add3A_91 {strides = array<i32>} : memref<4x128xi32, #tpu.memory_space<vmem>>, vector<16xi32>,
    %add3A_96 = arith.constant 0 : i32
    %add3A_97 = arith.addi %mul3A_7, %add3A_96 : i32
    %get3A_98 = arith.index_cast %add3A_97 : i32 to index
    %get3A_99 = arith.constant 80 : index
    %get3A_100 = tpu.vector_load %arg7[%get3A_98, %get3A_99] {strides = array<i32>} : memref<64x128xi32, #tpu.memory_space<vmem>>, vector<16xi32>,
    %add3A_101 = arith.constant 0 : i32
    %add3A_102 = arith.addi %mul3A_7, %add3A_101 : i32
    %get3A_103 = arith.index_cast %add3A_102 : i32 to index
    %get3A_104 = arith.constant 80 : index
    %get3A_105 = tpu.vector_load %arg8[%get3A_103, %get3A_104] {strides = array<i32>} : memref<64x128xi32, #tpu.memory_space<vmem>>, vector<16xi32>,
    %mul3A_106 = arith.constant 2048 : i32
    %mul3A_107 = vector.broadcast %mul3A_106 : i32 to vector<16xi32>
    %mul3A_108 = arith.muli %get3A_100, %mul3A_107 : vector<16xi32>
    %add3A_109 = arith.addi %mul3A_108, %get3A_105 : vector<16xi32>
    %swap3A_110 = arith.constant 0 : i32
    %swap3A_111 = arith.index_cast %swap3A_110 : i32 to index
    %swap3A_112 = arith.constant 80 : index
    %swap3A_113 = tpu.vector_load %arg18[%swap3A_111, %swap3A_112] {strides = array<i32>} : memref<4x128xi32, #tpu.memory_space<vmem>>, vector<16xi32>,
    tpu.vector_store %arg18[%swap3A_111, %swap3A_112], %add3A_109 {strides = array<i32>} : memref<4x128xi32, #tpu.memory_space<vmem>>, vector<16xi32>,
    %add3A_114 = arith.constant 0 : i32
    %add3A_115 = arith.addi %mul3A_7, %add3A_114 : i32
    %get3A_116 = arith.index_cast %add3A_115 : i32 to index
    %get3A_117 = arith.constant 96 : index
    %get3A_118 = tpu.vector_load %arg7[%get3A_116, %get3A_117] {strides = array<i32>} : memref<64x128xi32, #tpu.memory_space<vmem>>, vector<16xi32>,
    %add3A_119 = arith.constant 0 : i32
    %add3A_120 = arith.addi %mul3A_7, %add3A_119 : i32
    %get3A_121 = arith.index_cast %add3A_120 : i32 to index
    %get3A_122 = arith.constant 96 : index
    %get3A_123 = tpu.vector_load %arg8[%get3A_121, %get3A_122] {strides = array<i32>} : memref<64x128xi32, #tpu.memory_space<vmem>>, vector<16xi32>,
    %mul3A_124 = arith.constant 2048 : i32
    %mul3A_125 = vector.broadcast %mul3A_124 : i32 to vector<16xi32>
    %mul3A_126 = arith.muli %get3A_118, %mul3A_125 : vector<16xi32>
    %add3A_127 = arith.addi %mul3A_126, %get3A_123 : vector<16xi32>
    %swap3A_128 = arith.constant 0 : i32
    %swap3A_129 = arith.index_cast %swap3A_128 : i32 to index
    %swap3A_130 = arith.constant 96 : index
    %swap3A_131 = tpu.vector_load %arg18[%swap3A_129, %swap3A_130] {strides = array<i32>} : memref<4x128xi32, #tpu.memory_space<vmem>>, vector<16xi32>,
    tpu.vector_store %arg18[%swap3A_129, %swap3A_130], %add3A_127 {strides = array<i32>} : memref<4x128xi32, #tpu.memory_space<vmem>>, vector<16xi32>,
    %add3A_132 = arith.constant 0 : i32
    %add3A_133 = arith.addi %mul3A_7, %add3A_132 : i32
    %get3A_134 = arith.index_cast %add3A_133 : i32 to index
    %get3A_135 = arith.constant 112 : index
    %get3A_136 = tpu.vector_load %arg7[%get3A_134, %get3A_135] {strides = array<i32>} : memref<64x128xi32, #tpu.memory_space<vmem>>, vector<16xi32>,
    %add3A_137 = arith.constant 0 : i32
    %add3A_138 = arith.addi %mul3A_7, %add3A_137 : i32
    %get3A_139 = arith.index_cast %add3A_138 : i32 to index
    %get3A_140 = arith.constant 112 : index
    %get3A_141 = tpu.vector_load %arg8[%get3A_139, %get3A_140] {strides = array<i32>} : memref<64x128xi32, #tpu.memory_space<vmem>>, vector<16xi32>,
    %mul3A_142 = arith.constant 2048 : i32
    %mul3A_143 = vector.broadcast %mul3A_142 : i32 to vector<16xi32>
    %mul3A_144 = arith.muli %get3A_136, %mul3A_143 : vector<16xi32>
    %add3A_145 = arith.addi %mul3A_144, %get3A_141 : vector<16xi32>
    %swap3A_146 = arith.constant 0 : i32
    %swap3A_147 = arith.index_cast %swap3A_146 : i32 to index
    %swap3A_148 = arith.constant 112 : index
    %swap3A_149 = tpu.vector_load %arg18[%swap3A_147, %swap3A_148] {strides = array<i32>} : memref<4x128xi32, #tpu.memory_space<vmem>>, vector<16xi32>,
    tpu.vector_store %arg18[%swap3A_147, %swap3A_148], %add3A_145 {strides = array<i32>} : memref<4x128xi32, #tpu.memory_space<vmem>>, vector<16xi32>,
    %add3A_150 = arith.constant 1 : i32
    %add3A_151 = arith.addi %mul3A_7, %add3A_150 : i32
    %get3A_152 = arith.index_cast %add3A_151 : i32 to index
    %get3A_153 = arith.constant 0 : index
    %get3A_154 = tpu.vector_load %arg7[%get3A_152, %get3A_153] {strides = array<i32>} : memref<64x128xi32, #tpu.memory_space<vmem>>, vector<16xi32>,
    %add3A_155 = arith.constant 1 : i32
    %add3A_156 = arith.addi %mul3A_7, %add3A_155 : i32
    %get3A_157 = arith.index_cast %add3A_156 : i32 to index
    %get3A_158 = arith.constant 0 : index
    %get3A_159 = tpu.vector_load %arg8[%get3A_157, %get3A_158] {strides = array<i32>} : memref<64x128xi32, #tpu.memory_space<vmem>>, vector<16xi32>,
    %mul3A_160 = arith.constant 2048 : i32
    %mul3A_161 = vector.broadcast %mul3A_160 : i32 to vector<16xi32>
    %mul3A_162 = arith.muli %get3A_154, %mul3A_161 : vector<16xi32>
    %add3A_163 = arith.addi %mul3A_162, %get3A_159 : vector<16xi32>
    %swap3A_164 = arith.constant 1 : i32
    %swap3A_165 = arith.index_cast %swap3A_164 : i32 to index
    %swap3A_166 = arith.constant 0 : index
    %swap3A_167 = tpu.vector_load %arg18[%swap3A_165, %swap3A_166] {strides = array<i32>} : memref<4x128xi32, #tpu.memory_space<vmem>>, vector<16xi32>,
    tpu.vector_store %arg18[%swap3A_165, %swap3A_166], %add3A_163 {strides = array<i32>} : memref<4x128xi32, #tpu.memory_space<vmem>>, vector<16xi32>,
    %add3A_168 = arith.constant 1 : i32
    %add3A_169 = arith.addi %mul3A_7, %add3A_168 : i32
    %get3A_170 = arith.index_cast %add3A_169 : i32 to index
    %get3A_171 = arith.constant 16 : index
    %get3A_172 = tpu.vector_load %arg7[%get3A_170, %get3A_171] {strides = array<i32>} : memref<64x128xi32, #tpu.memory_space<vmem>>, vector<16xi32>,
    %add3A_173 = arith.constant 1 : i32
    %add3A_174 = arith.addi %mul3A_7, %add3A_173 : i32
    %get3A_175 = arith.index_cast %add3A_174 : i32 to index
    %get3A_176 = arith.constant 16 : index
    %get3A_177 = tpu.vector_load %arg8[%get3A_175, %get3A_176] {strides = array<i32>} : memref<64x128xi32, #tpu.memory_space<vmem>>, vector<16xi32>,
    %mul3A_178 = arith.constant 2048 : i32
    %mul3A_179 = vector.broadcast %mul3A_178 : i32 to vector<16xi32>
    %mul3A_180 = arith.muli %get3A_172, %mul3A_179 : vector<16xi32>
    %add3A_181 = arith.addi %mul3A_180, %get3A_177 : vector<16xi32>
    %swap3A_182 = arith.constant 1 : i32
    %swap3A_183 = arith.index_cast %swap3A_182 : i32 to index
    %swap3A_184 = arith.constant 16 : index
    %swap3A_185 = tpu.vector_load %arg18[%swap3A_183, %swap3A_184] {strides = array<i32>} : memref<4x128xi32, #tpu.memory_space<vmem>>, vector<16xi32>,
    tpu.vector_store %arg18[%swap3A_183, %swap3A_184], %add3A_181 {strides = array<i32>} : memref<4x128xi32, #tpu.memory_space<vmem>>, vector<16xi32>,
    %add3A_186 = arith.constant 1 : i32
    %add3A_187 = arith.addi %mul3A_7, %add3A_186 : i32
    %get3A_188 = arith.index_cast %add3A_187 : i32 to index
    %get3A_189 = arith.constant 32 : index
    %get3A_190 = tpu.vector_load %arg7[%get3A_188, %get3A_189] {strides = array<i32>} : memref<64x128xi32, #tpu.memory_space<vmem>>, vector<16xi32>,
    %add3A_191 = arith.constant 1 : i32
    %add3A_192 = arith.addi %mul3A_7, %add3A_191 : i32
    %get3A_193 = arith.index_cast %add3A_192 : i32 to index
    %get3A_194 = arith.constant 32 : index
    %get3A_195 = tpu.vector_load %arg8[%get3A_193, %get3A_194] {strides = array<i32>} : memref<64x128xi32, #tpu.memory_space<vmem>>, vector<16xi32>,
    %mul3A_196 = arith.constant 2048 : i32
    %mul3A_197 = vector.broadcast %mul3A_196 : i32 to vector<16xi32>
    %mul3A_198 = arith.muli %get3A_190, %mul3A_197 : vector<16xi32>
    %add3A_199 = arith.addi %mul3A_198, %get3A_195 : vector<16xi32>
    %swap3A_200 = arith.constant 1 : i32
    %swap3A_201 = arith.index_cast %swap3A_200 : i32 to index
    %swap3A_202 = arith.constant 32 : index
    %swap3A_203 = tpu.vector_load %arg18[%swap3A_201, %swap3A_202] {strides = array<i32>} : memref<4x128xi32, #tpu.memory_space<vmem>>, vector<16xi32>,
    tpu.vector_store %arg18[%swap3A_201, %swap3A_202], %add3A_199 {strides = array<i32>} : memref<4x128xi32, #tpu.memory_space<vmem>>, vector<16xi32>,
    %add3A_204 = arith.constant 1 : i32
    %add3A_205 = arith.addi %mul3A_7, %add3A_204 : i32
    %get3A_206 = arith.index_cast %add3A_205 : i32 to index
    %get3A_207 = arith.constant 48 : index
    %get3A_208 = tpu.vector_load %arg7[%get3A_206, %get3A_207] {strides = array<i32>} : memref<64x128xi32, #tpu.memory_space<vmem>>, vector<16xi32>,
    %add3A_209 = arith.constant 1 : i32
    %add3A_210 = arith.addi %mul3A_7, %add3A_209 : i32
    %get3A_211 = arith.index_cast %add3A_210 : i32 to index
    %get3A_212 = arith.constant 48 : index
    %get3A_213 = tpu.vector_load %arg8[%get3A_211, %get3A_212] {strides = array<i32>} : memref<64x128xi32, #tpu.memory_space<vmem>>, vector<16xi32>,
    %mul3A_214 = arith.constant 2048 : i32
    %mul3A_215 = vector.broadcast %mul3A_214 : i32 to vector<16xi32>
    %mul3A_216 = arith.muli %get3A_208, %mul3A_215 : vector<16xi32>
    %add3A_217 = arith.addi %mul3A_216, %get3A_213 : vector<16xi32>
    %swap3A_218 = arith.constant 1 : i32
    %swap3A_219 = arith.index_cast %swap3A_218 : i32 to index
    %swap3A_220 = arith.constant 48 : index
    %swap3A_221 = tpu.vector_load %arg18[%swap3A_219, %swap3A_220] {strides = array<i32>} : memref<4x128xi32, #tpu.memory_space<vmem>>, vector<16xi32>,
    tpu.vector_store %arg18[%swap3A_219, %swap3A_220], %add3A_217 {strides = array<i32>} : memref<4x128xi32, #tpu.memory_space<vmem>>, vector<16xi32>,
    %add3A_222 = arith.constant 1 : i32
    %add3A_223 = arith.addi %mul3A_7, %add3A_222 : i32
    %get3A_224 = arith.index_cast %add3A_223 : i32 to index
    %get3A_225 = arith.constant 64 : index
    %get3A_226 = tpu.vector_load %arg7[%get3A_224, %get3A_225] {strides = array<i32>} : memref<64x128xi32, #tpu.memory_space<vmem>>, vector<16xi32>,
    %add3A_227 = arith.constant 1 : i32
    %add3A_228 = arith.addi %mul3A_7, %add3A_227 : i32
    %get3A_229 = arith.index_cast %add3A_228 : i32 to index
    %get3A_230 = arith.constant 64 : index
    %get3A_231 = tpu.vector_load %arg8[%get3A_229, %get3A_230] {strides = array<i32>} : memref<64x128xi32, #tpu.memory_space<vmem>>, vector<16xi32>,
    %mul3A_232 = arith.constant 2048 : i32
    %mul3A_233 = vector.broadcast %mul3A_232 : i32 to vector<16xi32>
    %mul3A_234 = arith.muli %get3A_226, %mul3A_233 : vector<16xi32>
    %add3A_235 = arith.addi %mul3A_234, %get3A_231 : vector<16xi32>
    %swap3A_236 = arith.constant 1 : i32
    %swap3A_237 = arith.index_cast %swap3A_236 : i32 to index
    %swap3A_238 = arith.constant 64 : index
    %swap3A_239 = tpu.vector_load %arg18[%swap3A_237, %swap3A_238] {strides = array<i32>} : memref<4x128xi32, #tpu.memory_space<vmem>>, vector<16xi32>,
    tpu.vector_store %arg18[%swap3A_237, %swap3A_238], %add3A_235 {strides = array<i32>} : memref<4x128xi32, #tpu.memory_space<vmem>>, vector<16xi32>,
    %add3A_240 = arith.constant 1 : i32
    %add3A_241 = arith.addi %mul3A_7, %add3A_240 : i32
    %get3A_242 = arith.index_cast %add3A_241 : i32 to index
    %get3A_243 = arith.constant 80 : index
    %get3A_244 = tpu.vector_load %arg7[%get3A_242, %get3A_243] {strides = array<i32>} : memref<64x128xi32, #tpu.memory_space<vmem>>, vector<16xi32>,
    %add3A_245 = arith.constant 1 : i32
    %add3A_246 = arith.addi %mul3A_7, %add3A_245 : i32
    %get3A_247 = arith.index_cast %add3A_246 : i32 to index
    %get3A_248 = arith.constant 80 : index
    %get3A_249 = tpu.vector_load %arg8[%get3A_247, %get3A_248] {strides = array<i32>} : memref<64x128xi32, #tpu.memory_space<vmem>>, vector<16xi32>,
    %mul3A_250 = arith.constant 2048 : i32
    %mul3A_251 = vector.broadcast %mul3A_250 : i32 to vector<16xi32>
    %mul3A_252 = arith.muli %get3A_244, %mul3A_251 : vector<16xi32>
    %add3A_253 = arith.addi %mul3A_252, %get3A_249 : vector<16xi32>
    %swap3A_254 = arith.constant 1 : i32
    %swap3A_255 = arith.index_cast %swap3A_254 : i32 to index
    %swap3A_256 = arith.constant 80 : index
    %swap3A_257 = tpu.vector_load %arg18[%swap3A_255, %swap3A_256] {strides = array<i32>} : memref<4x128xi32, #tpu.memory_space<vmem>>, vector<16xi32>,
    tpu.vector_store %arg18[%swap3A_255, %swap3A_256], %add3A_253 {strides = array<i32>} : memref<4x128xi32, #tpu.memory_space<vmem>>, vector<16xi32>,
    %add3A_258 = arith.constant 1 : i32
    %add3A_259 = arith.addi %mul3A_7, %add3A_258 : i32
    %get3A_260 = arith.index_cast %add3A_259 : i32 to index
    %get3A_261 = arith.constant 96 : index
    %get3A_262 = tpu.vector_load %arg7[%get3A_260, %get3A_261] {strides = array<i32>} : memref<64x128xi32, #tpu.memory_space<vmem>>, vector<16xi32>,
    %add3A_263 = arith.constant 1 : i32
    %add3A_264 = arith.addi %mul3A_7, %add3A_263 : i32
    %get3A_265 = arith.index_cast %add3A_264 : i32 to index
    %get3A_266 = arith.constant 96 : index
    %get3A_267 = tpu.vector_load %arg8[%get3A_265, %get3A_266] {strides = array<i32>} : memref<64x128xi32, #tpu.memory_space<vmem>>, vector<16xi32>,
    %mul3A_268 = arith.constant 2048 : i32
    %mul3A_269 = vector.broadcast %mul3A_268 : i32 to vector<16xi32>
    %mul3A_270 = arith.muli %get3A_262, %mul3A_269 : vector<16xi32>
    %add3A_271 = arith.addi %mul3A_270, %get3A_267 : vector<16xi32>
    %swap3A_272 = arith.constant 1 : i32
    %swap3A_273 = arith.index_cast %swap3A_272 : i32 to index
    %swap3A_274 = arith.constant 96 : index
    %swap3A_275 = tpu.vector_load %arg18[%swap3A_273, %swap3A_274] {strides = array<i32>} : memref<4x128xi32, #tpu.memory_space<vmem>>, vector<16xi32>,
    tpu.vector_store %arg18[%swap3A_273, %swap3A_274], %add3A_271 {strides = array<i32>} : memref<4x128xi32, #tpu.memory_space<vmem>>, vector<16xi32>,
    %add3A_276 = arith.constant 1 : i32
    %add3A_277 = arith.addi %mul3A_7, %add3A_276 : i32
    %get3A_278 = arith.index_cast %add3A_277 : i32 to index
    %get3A_279 = arith.constant 112 : index
    %get3A_280 = tpu.vector_load %arg7[%get3A_278, %get3A_279] {strides = array<i32>} : memref<64x128xi32, #tpu.memory_space<vmem>>, vector<16xi32>,
    %add3A_281 = arith.constant 1 : i32
    %add3A_282 = arith.addi %mul3A_7, %add3A_281 : i32
    %get3A_283 = arith.index_cast %add3A_282 : i32 to index
    %get3A_284 = arith.constant 112 : index
    %get3A_285 = tpu.vector_load %arg8[%get3A_283, %get3A_284] {strides = array<i32>} : memref<64x128xi32, #tpu.memory_space<vmem>>, vector<16xi32>,
    %mul3A_286 = arith.constant 2048 : i32
    %mul3A_287 = vector.broadcast %mul3A_286 : i32 to vector<16xi32>
    %mul3A_288 = arith.muli %get3A_280, %mul3A_287 : vector<16xi32>
    %add3A_289 = arith.addi %mul3A_288, %get3A_285 : vector<16xi32>
    %swap3A_290 = arith.constant 1 : i32
    %swap3A_291 = arith.index_cast %swap3A_290 : i32 to index
    %swap3A_292 = arith.constant 112 : index
    %swap3A_293 = tpu.vector_load %arg18[%swap3A_291, %swap3A_292] {strides = array<i32>} : memref<4x128xi32, #tpu.memory_space<vmem>>, vector<16xi32>,
    tpu.vector_store %arg18[%swap3A_291, %swap3A_292], %add3A_289 {strides = array<i32>} : memref<4x128xi32, #tpu.memory_space<vmem>>, vector<16xi32>,
    %add3A_294 = arith.constant 2 : i32
    %add3A_295 = arith.addi %mul3A_7, %add3A_294 : i32
    %get3A_296 = arith.index_cast %add3A_295 : i32 to index
    %get3A_297 = arith.constant 0 : index
    %get3A_298 = tpu.vector_load %arg7[%get3A_296, %get3A_297] {strides = array<i32>} : memref<64x128xi32, #tpu.memory_space<vmem>>, vector<16xi32>,
    %add3A_299 = arith.constant 2 : i32
    %add3A_300 = arith.addi %mul3A_7, %add3A_299 : i32
    %get3A_301 = arith.index_cast %add3A_300 : i32 to index
    %get3A_302 = arith.constant 0 : index
    %get3A_303 = tpu.vector_load %arg8[%get3A_301, %get3A_302] {strides = array<i32>} : memref<64x128xi32, #tpu.memory_space<vmem>>, vector<16xi32>,
    %mul3A_304 = arith.constant 2048 : i32
    %mul3A_305 = vector.broadcast %mul3A_304 : i32 to vector<16xi32>
    %mul3A_306 = arith.muli %get3A_298, %mul3A_305 : vector<16xi32>
    %add3A_307 = arith.addi %mul3A_306, %get3A_303 : vector<16xi32>
    %swap3A_308 = arith.constant 2 : i32
    %swap3A_309 = arith.index_cast %swap3A_308 : i32 to index
    %swap3A_310 = arith.constant 0 : index
    %swap3A_311 = tpu.vector_load %arg18[%swap3A_309, %swap3A_310] {strides = array<i32>} : memref<4x128xi32, #tpu.memory_space<vmem>>, vector<16xi32>,
    tpu.vector_store %arg18[%swap3A_309, %swap3A_310], %add3A_307 {strides = array<i32>} : memref<4x128xi32, #tpu.memory_space<vmem>>, vector<16xi32>,
    %add3A_312 = arith.constant 2 : i32
    %add3A_313 = arith.addi %mul3A_7, %add3A_312 : i32
    %get3A_314 = arith.index_cast %add3A_313 : i32 to index
    %get3A_315 = arith.constant 16 : index
    %get3A_316 = tpu.vector_load %arg7[%get3A_314, %get3A_315] {strides = array<i32>} : memref<64x128xi32, #tpu.memory_space<vmem>>, vector<16xi32>,
    %add3A_317 = arith.constant 2 : i32
    %add3A_318 = arith.addi %mul3A_7, %add3A_317 : i32
    %get3A_319 = arith.index_cast %add3A_318 : i32 to index
    %get3A_320 = arith.constant 16 : index
    %get3A_321 = tpu.vector_load %arg8[%get3A_319, %get3A_320] {strides = array<i32>} : memref<64x128xi32, #tpu.memory_space<vmem>>, vector<16xi32>,
    %mul3A_322 = arith.constant 2048 : i32
    %mul3A_323 = vector.broadcast %mul3A_322 : i32 to vector<16xi32>
    %mul3A_324 = arith.muli %get3A_316, %mul3A_323 : vector<16xi32>
    %add3A_325 = arith.addi %mul3A_324, %get3A_321 : vector<16xi32>
    %swap3A_326 = arith.constant 2 : i32
    %swap3A_327 = arith.index_cast %swap3A_326 : i32 to index
    %swap3A_328 = arith.constant 16 : index
    %swap3A_329 = tpu.vector_load %arg18[%swap3A_327, %swap3A_328] {strides = array<i32>} : memref<4x128xi32, #tpu.memory_space<vmem>>, vector<16xi32>,
    tpu.vector_store %arg18[%swap3A_327, %swap3A_328], %add3A_325 {strides = array<i32>} : memref<4x128xi32, #tpu.memory_space<vmem>>, vector<16xi32>,
    %add3A_330 = arith.constant 2 : i32
    %add3A_331 = arith.addi %mul3A_7, %add3A_330 : i32
    %get3A_332 = arith.index_cast %add3A_331 : i32 to index
    %get3A_333 = arith.constant 32 : index
    %get3A_334 = tpu.vector_load %arg7[%get3A_332, %get3A_333] {strides = array<i32>} : memref<64x128xi32, #tpu.memory_space<vmem>>, vector<16xi32>,
    %add3A_335 = arith.constant 2 : i32
    %add3A_336 = arith.addi %mul3A_7, %add3A_335 : i32
    %get3A_337 = arith.index_cast %add3A_336 : i32 to index
    %get3A_338 = arith.constant 32 : index
    %get3A_339 = tpu.vector_load %arg8[%get3A_337, %get3A_338] {strides = array<i32>} : memref<64x128xi32, #tpu.memory_space<vmem>>, vector<16xi32>,
    %mul3A_340 = arith.constant 2048 : i32
    %mul3A_341 = vector.broadcast %mul3A_340 : i32 to vector<16xi32>
    %mul3A_342 = arith.muli %get3A_334, %mul3A_341 : vector<16xi32>
    %add3A_343 = arith.addi %mul3A_342, %get3A_339 : vector<16xi32>
    %swap3A_344 = arith.constant 2 : i32
    %swap3A_345 = arith.index_cast %swap3A_344 : i32 to index
    %swap3A_346 = arith.constant 32 : index
    %swap3A_347 = tpu.vector_load %arg18[%swap3A_345, %swap3A_346] {strides = array<i32>} : memref<4x128xi32, #tpu.memory_space<vmem>>, vector<16xi32>,
    tpu.vector_store %arg18[%swap3A_345, %swap3A_346], %add3A_343 {strides = array<i32>} : memref<4x128xi32, #tpu.memory_space<vmem>>, vector<16xi32>,
    %add3A_348 = arith.constant 2 : i32
    %add3A_349 = arith.addi %mul3A_7, %add3A_348 : i32
    %get3A_350 = arith.index_cast %add3A_349 : i32 to index
    %get3A_351 = arith.constant 48 : index
    %get3A_352 = tpu.vector_load %arg7[%get3A_350, %get3A_351] {strides = array<i32>} : memref<64x128xi32, #tpu.memory_space<vmem>>, vector<16xi32>,
    %add3A_353 = arith.constant 2 : i32
    %add3A_354 = arith.addi %mul3A_7, %add3A_353 : i32
    %get3A_355 = arith.index_cast %add3A_354 : i32 to index
    %get3A_356 = arith.constant 48 : index
    %get3A_357 = tpu.vector_load %arg8[%get3A_355, %get3A_356] {strides = array<i32>} : memref<64x128xi32, #tpu.memory_space<vmem>>, vector<16xi32>,
    %mul3A_358 = arith.constant 2048 : i32
    %mul3A_359 = vector.broadcast %mul3A_358 : i32 to vector<16xi32>
    %mul3A_360 = arith.muli %get3A_352, %mul3A_359 : vector<16xi32>
    %add3A_361 = arith.addi %mul3A_360, %get3A_357 : vector<16xi32>
    %swap3A_362 = arith.constant 2 : i32
    %swap3A_363 = arith.index_cast %swap3A_362 : i32 to index
    %swap3A_364 = arith.constant 48 : index
    %swap3A_365 = tpu.vector_load %arg18[%swap3A_363, %swap3A_364] {strides = array<i32>} : memref<4x128xi32, #tpu.memory_space<vmem>>, vector<16xi32>,
    tpu.vector_store %arg18[%swap3A_363, %swap3A_364], %add3A_361 {strides = array<i32>} : memref<4x128xi32, #tpu.memory_space<vmem>>, vector<16xi32>,
    %add3A_366 = arith.constant 2 : i32
    %add3A_367 = arith.addi %mul3A_7, %add3A_366 : i32
    %get3A_368 = arith.index_cast %add3A_367 : i32 to index
    %get3A_369 = arith.constant 64 : index
    %get3A_370 = tpu.vector_load %arg7[%get3A_368, %get3A_369] {strides = array<i32>} : memref<64x128xi32, #tpu.memory_space<vmem>>, vector<16xi32>,
    %add3A_371 = arith.constant 2 : i32
    %add3A_372 = arith.addi %mul3A_7, %add3A_371 : i32
    %get3A_373 = arith.index_cast %add3A_372 : i32 to index
    %get3A_374 = arith.constant 64 : index
    %get3A_375 = tpu.vector_load %arg8[%get3A_373, %get3A_374] {strides = array<i32>} : memref<64x128xi32, #tpu.memory_space<vmem>>, vector<16xi32>,
    %mul3A_376 = arith.constant 2048 : i32
    %mul3A_377 = vector.broadcast %mul3A_376 : i32 to vector<16xi32>
    %mul3A_378 = arith.muli %get3A_370, %mul3A_377 : vector<16xi32>
    %add3A_379 = arith.addi %mul3A_378, %get3A_375 : vector<16xi32>
    %swap3A_380 = arith.constant 2 : i32
    %swap3A_381 = arith.index_cast %swap3A_380 : i32 to index
    %swap3A_382 = arith.constant 64 : index
    %swap3A_383 = tpu.vector_load %arg18[%swap3A_381, %swap3A_382] {strides = array<i32>} : memref<4x128xi32, #tpu.memory_space<vmem>>, vector<16xi32>,
    tpu.vector_store %arg18[%swap3A_381, %swap3A_382], %add3A_379 {strides = array<i32>} : memref<4x128xi32, #tpu.memory_space<vmem>>, vector<16xi32>,
    %add3A_384 = arith.constant 2 : i32
    %add3A_385 = arith.addi %mul3A_7, %add3A_384 : i32
    %get3A_386 = arith.index_cast %add3A_385 : i32 to index
    %get3A_387 = arith.constant 80 : index
    %get3A_388 = tpu.vector_load %arg7[%get3A_386, %get3A_387] {strides = array<i32>} : memref<64x128xi32, #tpu.memory_space<vmem>>, vector<16xi32>,
    %add3A_389 = arith.constant 2 : i32
    %add3A_390 = arith.addi %mul3A_7, %add3A_389 : i32
    %get3A_391 = arith.index_cast %add3A_390 : i32 to index
    %get3A_392 = arith.constant 80 : index
    %get3A_393 = tpu.vector_load %arg8[%get3A_391, %get3A_392] {strides = array<i32>} : memref<64x128xi32, #tpu.memory_space<vmem>>, vector<16xi32>,
    %mul3A_394 = arith.constant 2048 : i32
    %mul3A_395 = vector.broadcast %mul3A_394 : i32 to vector<16xi32>
    %mul3A_396 = arith.muli %get3A_388, %mul3A_395 : vector<16xi32>
    %add3A_397 = arith.addi %mul3A_396, %get3A_393 : vector<16xi32>
    %swap3A_398 = arith.constant 2 : i32
    %swap3A_399 = arith.index_cast %swap3A_398 : i32 to index
    %swap3A_400 = arith.constant 80 : index
    %swap3A_401 = tpu.vector_load %arg18[%swap3A_399, %swap3A_400] {strides = array<i32>} : memref<4x128xi32, #tpu.memory_space<vmem>>, vector<16xi32>,
    tpu.vector_store %arg18[%swap3A_399, %swap3A_400], %add3A_397 {strides = array<i32>} : memref<4x128xi32, #tpu.memory_space<vmem>>, vector<16xi32>,
    %add3A_402 = arith.constant 2 : i32
    %add3A_403 = arith.addi %mul3A_7, %add3A_402 : i32
    %get3A_404 = arith.index_cast %add3A_403 : i32 to index
    %get3A_405 = arith.constant 96 : index
    %get3A_406 = tpu.vector_load %arg7[%get3A_404, %get3A_405] {strides = array<i32>} : memref<64x128xi32, #tpu.memory_space<vmem>>, vector<16xi32>,
    %add3A_407 = arith.constant 2 : i32
    %add3A_408 = arith.addi %mul3A_7, %add3A_407 : i32
    %get3A_409 = arith.index_cast %add3A_408 : i32 to index
    %get3A_410 = arith.constant 96 : index
    %get3A_411 = tpu.vector_load %arg8[%get3A_409, %get3A_410] {strides = array<i32>} : memref<64x128xi32, #tpu.memory_space<vmem>>, vector<16xi32>,
    %mul3A_412 = arith.constant 2048 : i32
    %mul3A_413 = vector.broadcast %mul3A_412 : i32 to vector<16xi32>
    %mul3A_414 = arith.muli %get3A_406, %mul3A_413 : vector<16xi32>
    %add3A_415 = arith.addi %mul3A_414, %get3A_411 : vector<16xi32>
    %swap3A_416 = arith.constant 2 : i32
    %swap3A_417 = arith.index_cast %swap3A_416 : i32 to index
    %swap3A_418 = arith.constant 96 : index
    %swap3A_419 = tpu.vector_load %arg18[%swap3A_417, %swap3A_418] {strides = array<i32>} : memref<4x128xi32, #tpu.memory_space<vmem>>, vector<16xi32>,
    tpu.vector_store %arg18[%swap3A_417, %swap3A_418], %add3A_415 {strides = array<i32>} : memref<4x128xi32, #tpu.memory_space<vmem>>, vector<16xi32>,
    %add3A_420 = arith.constant 2 : i32
    %add3A_421 = arith.addi %mul3A_7, %add3A_420 : i32
    %get3A_422 = arith.index_cast %add3A_421 : i32 to index
    %get3A_423 = arith.constant 112 : index
    %get3A_424 = tpu.vector_load %arg7[%get3A_422, %get3A_423] {strides = array<i32>} : memref<64x128xi32, #tpu.memory_space<vmem>>, vector<16xi32>,
    %add3A_425 = arith.constant 2 : i32
    %add3A_426 = arith.addi %mul3A_7, %add3A_425 : i32
    %get3A_427 = arith.index_cast %add3A_426 : i32 to index
    %get3A_428 = arith.constant 112 : index
    %get3A_429 = tpu.vector_load %arg8[%get3A_427, %get3A_428] {strides = array<i32>} : memref<64x128xi32, #tpu.memory_space<vmem>>, vector<16xi32>,
    %mul3A_430 = arith.constant 2048 : i32
    %mul3A_431 = vector.broadcast %mul3A_430 : i32 to vector<16xi32>
    %mul3A_432 = arith.muli %get3A_424, %mul3A_431 : vector<16xi32>
    %add3A_433 = arith.addi %mul3A_432, %get3A_429 : vector<16xi32>
    %swap3A_434 = arith.constant 2 : i32
    %swap3A_435 = arith.index_cast %swap3A_434 : i32 to index
    %swap3A_436 = arith.constant 112 : index
    %swap3A_437 = tpu.vector_load %arg18[%swap3A_435, %swap3A_436] {strides = array<i32>} : memref<4x128xi32, #tpu.memory_space<vmem>>, vector<16xi32>,
    tpu.vector_store %arg18[%swap3A_435, %swap3A_436], %add3A_433 {strides = array<i32>} : memref<4x128xi32, #tpu.memory_space<vmem>>, vector<16xi32>,
    %add3A_438 = arith.constant 3 : i32
    %add3A_439 = arith.addi %mul3A_7, %add3A_438 : i32
    %get3A_440 = arith.index_cast %add3A_439 : i32 to index
    %get3A_441 = arith.constant 0 : index
    %get3A_442 = tpu.vector_load %arg7[%get3A_440, %get3A_441] {strides = array<i32>} : memref<64x128xi32, #tpu.memory_space<vmem>>, vector<16xi32>,
    %add3A_443 = arith.constant 3 : i32
    %add3A_444 = arith.addi %mul3A_7, %add3A_443 : i32
    %get3A_445 = arith.index_cast %add3A_444 : i32 to index
    %get3A_446 = arith.constant 0 : index
    %get3A_447 = tpu.vector_load %arg8[%get3A_445, %get3A_446] {strides = array<i32>} : memref<64x128xi32, #tpu.memory_space<vmem>>, vector<16xi32>,
    %mul3A_448 = arith.constant 2048 : i32
    %mul3A_449 = vector.broadcast %mul3A_448 : i32 to vector<16xi32>
    %mul3A_450 = arith.muli %get3A_442, %mul3A_449 : vector<16xi32>
    %add3A_451 = arith.addi %mul3A_450, %get3A_447 : vector<16xi32>
    %swap3A_452 = arith.constant 3 : i32
    %swap3A_453 = arith.index_cast %swap3A_452 : i32 to index
    %swap3A_454 = arith.constant 0 : index
    %swap3A_455 = tpu.vector_load %arg18[%swap3A_453, %swap3A_454] {strides = array<i32>} : memref<4x128xi32, #tpu.memory_space<vmem>>, vector<16xi32>,
    tpu.vector_store %arg18[%swap3A_453, %swap3A_454], %add3A_451 {strides = array<i32>} : memref<4x128xi32, #tpu.memory_space<vmem>>, vector<16xi32>,
    %add3A_456 = arith.constant 3 : i32
    %add3A_457 = arith.addi %mul3A_7, %add3A_456 : i32
    %get3A_458 = arith.index_cast %add3A_457 : i32 to index
    %get3A_459 = arith.constant 16 : index
    %get3A_460 = tpu.vector_load %arg7[%get3A_458, %get3A_459] {strides = array<i32>} : memref<64x128xi32, #tpu.memory_space<vmem>>, vector<16xi32>,
    %add3A_461 = arith.constant 3 : i32
    %add3A_462 = arith.addi %mul3A_7, %add3A_461 : i32
    %get3A_463 = arith.index_cast %add3A_462 : i32 to index
    %get3A_464 = arith.constant 16 : index
    %get3A_465 = tpu.vector_load %arg8[%get3A_463, %get3A_464] {strides = array<i32>} : memref<64x128xi32, #tpu.memory_space<vmem>>, vector<16xi32>,
    %mul3A_466 = arith.constant 2048 : i32
    %mul3A_467 = vector.broadcast %mul3A_466 : i32 to vector<16xi32>
    %mul3A_468 = arith.muli %get3A_460, %mul3A_467 : vector<16xi32>
    %add3A_469 = arith.addi %mul3A_468, %get3A_465 : vector<16xi32>
    %swap3A_470 = arith.constant 3 : i32
    %swap3A_471 = arith.index_cast %swap3A_470 : i32 to index
    %swap3A_472 = arith.constant 16 : index
    %swap3A_473 = tpu.vector_load %arg18[%swap3A_471, %swap3A_472] {strides = array<i32>} : memref<4x128xi32, #tpu.memory_space<vmem>>, vector<16xi32>,
    tpu.vector_store %arg18[%swap3A_471, %swap3A_472], %add3A_469 {strides = array<i32>} : memref<4x128xi32, #tpu.memory_space<vmem>>, vector<16xi32>,
    %add3A_474 = arith.constant 3 : i32
    %add3A_475 = arith.addi %mul3A_7, %add3A_474 : i32
    %get3A_476 = arith.index_cast %add3A_475 : i32 to index
    %get3A_477 = arith.constant 32 : index
    %get3A_478 = tpu.vector_load %arg7[%get3A_476, %get3A_477] {strides = array<i32>} : memref<64x128xi32, #tpu.memory_space<vmem>>, vector<16xi32>,
    %add3A_479 = arith.constant 3 : i32
    %add3A_480 = arith.addi %mul3A_7, %add3A_479 : i32
    %get3A_481 = arith.index_cast %add3A_480 : i32 to index
    %get3A_482 = arith.constant 32 : index
    %get3A_483 = tpu.vector_load %arg8[%get3A_481, %get3A_482] {strides = array<i32>} : memref<64x128xi32, #tpu.memory_space<vmem>>, vector<16xi32>,
    %mul3A_484 = arith.constant 2048 : i32
    %mul3A_485 = vector.broadcast %mul3A_484 : i32 to vector<16xi32>
    %mul3A_486 = arith.muli %get3A_478, %mul3A_485 : vector<16xi32>
    %add3A_487 = arith.addi %mul3A_486, %get3A_483 : vector<16xi32>
    %swap3A_488 = arith.constant 3 : i32
    %swap3A_489 = arith.index_cast %swap3A_488 : i32 to index
    %swap3A_490 = arith.constant 32 : index
    %swap3A_491 = tpu.vector_load %arg18[%swap3A_489, %swap3A_490] {strides = array<i32>} : memref<4x128xi32, #tpu.memory_space<vmem>>, vector<16xi32>,
    tpu.vector_store %arg18[%swap3A_489, %swap3A_490], %add3A_487 {strides = array<i32>} : memref<4x128xi32, #tpu.memory_space<vmem>>, vector<16xi32>,
    %add3A_492 = arith.constant 3 : i32
    %add3A_493 = arith.addi %mul3A_7, %add3A_492 : i32
    %get3A_494 = arith.index_cast %add3A_493 : i32 to index
    %get3A_495 = arith.constant 48 : index
    %get3A_496 = tpu.vector_load %arg7[%get3A_494, %get3A_495] {strides = array<i32>} : memref<64x128xi32, #tpu.memory_space<vmem>>, vector<16xi32>,
    %add3A_497 = arith.constant 3 : i32
    %add3A_498 = arith.addi %mul3A_7, %add3A_497 : i32
    %get3A_499 = arith.index_cast %add3A_498 : i32 to index
    %get3A_500 = arith.constant 48 : index
    %get3A_501 = tpu.vector_load %arg8[%get3A_499, %get3A_500] {strides = array<i32>} : memref<64x128xi32, #tpu.memory_space<vmem>>, vector<16xi32>,
    %mul3A_502 = arith.constant 2048 : i32
    %mul3A_503 = vector.broadcast %mul3A_502 : i32 to vector<16xi32>
    %mul3A_504 = arith.muli %get3A_496, %mul3A_503 : vector<16xi32>
    %add3A_505 = arith.addi %mul3A_504, %get3A_501 : vector<16xi32>
    %swap3A_506 = arith.constant 3 : i32
    %swap3A_507 = arith.index_cast %swap3A_506 : i32 to index
    %swap3A_508 = arith.constant 48 : index
    %swap3A_509 = tpu.vector_load %arg18[%swap3A_507, %swap3A_508] {strides = array<i32>} : memref<4x128xi32, #tpu.memory_space<vmem>>, vector<16xi32>,
    tpu.vector_store %arg18[%swap3A_507, %swap3A_508], %add3A_505 {strides = array<i32>} : memref<4x128xi32, #tpu.memory_space<vmem>>, vector<16xi32>,
    %add3A_510 = arith.constant 3 : i32
    %add3A_511 = arith.addi %mul3A_7, %add3A_510 : i32
    %get3A_512 = arith.index_cast %add3A_511 : i32 to index
    %get3A_513 = arith.constant 64 : index
    %get3A_514 = tpu.vector_load %arg7[%get3A_512, %get3A_513] {strides = array<i32>} : memref<64x128xi32, #tpu.memory_space<vmem>>, vector<16xi32>,
    %add3A_515 = arith.constant 3 : i32
    %add3A_516 = arith.addi %mul3A_7, %add3A_515 : i32
    %get3A_517 = arith.index_cast %add3A_516 : i32 to index
    %get3A_518 = arith.constant 64 : index
    %get3A_519 = tpu.vector_load %arg8[%get3A_517, %get3A_518] {strides = array<i32>} : memref<64x128xi32, #tpu.memory_space<vmem>>, vector<16xi32>,
    %mul3A_520 = arith.constant 2048 : i32
    %mul3A_521 = vector.broadcast %mul3A_520 : i32 to vector<16xi32>
    %mul3A_522 = arith.muli %get3A_514, %mul3A_521 : vector<16xi32>
    %add3A_523 = arith.addi %mul3A_522, %get3A_519 : vector<16xi32>
    %swap3A_524 = arith.constant 3 : i32
    %swap3A_525 = arith.index_cast %swap3A_524 : i32 to index
    %swap3A_526 = arith.constant 64 : index
    %swap3A_527 = tpu.vector_load %arg18[%swap3A_525, %swap3A_526] {strides = array<i32>} : memref<4x128xi32, #tpu.memory_space<vmem>>, vector<16xi32>,
    tpu.vector_store %arg18[%swap3A_525, %swap3A_526], %add3A_523 {strides = array<i32>} : memref<4x128xi32, #tpu.memory_space<vmem>>, vector<16xi32>,
    %add3A_528 = arith.constant 3 : i32
    %add3A_529 = arith.addi %mul3A_7, %add3A_528 : i32
    %get3A_530 = arith.index_cast %add3A_529 : i32 to index
    %get3A_531 = arith.constant 80 : index
    %get3A_532 = tpu.vector_load %arg7[%get3A_530, %get3A_531] {strides = array<i32>} : memref<64x128xi32, #tpu.memory_space<vmem>>, vector<16xi32>,
    %add3A_533 = arith.constant 3 : i32
    %add3A_534 = arith.addi %mul3A_7, %add3A_533 : i32
    %get3A_535 = arith.index_cast %add3A_534 : i32 to index
    %get3A_536 = arith.constant 80 : index
    %get3A_537 = tpu.vector_load %arg8[%get3A_535, %get3A_536] {strides = array<i32>} : memref<64x128xi32, #tpu.memory_space<vmem>>, vector<16xi32>,
    %mul3A_538 = arith.constant 2048 : i32
    %mul3A_539 = vector.broadcast %mul3A_538 : i32 to vector<16xi32>
    %mul3A_540 = arith.muli %get3A_532, %mul3A_539 : vector<16xi32>
    %add3A_541 = arith.addi %mul3A_540, %get3A_537 : vector<16xi32>
    %swap3A_542 = arith.constant 3 : i32
    %swap3A_543 = arith.index_cast %swap3A_542 : i32 to index
    %swap3A_544 = arith.constant 80 : index
    %swap3A_545 = tpu.vector_load %arg18[%swap3A_543, %swap3A_544] {strides = array<i32>} : memref<4x128xi32, #tpu.memory_space<vmem>>, vector<16xi32>,
    tpu.vector_store %arg18[%swap3A_543, %swap3A_544], %add3A_541 {strides = array<i32>} : memref<4x128xi32, #tpu.memory_space<vmem>>, vector<16xi32>,
    %add3A_546 = arith.constant 3 : i32
    %add3A_547 = arith.addi %mul3A_7, %add3A_546 : i32
    %get3A_548 = arith.index_cast %add3A_547 : i32 to index
    %get3A_549 = arith.constant 96 : index
    %get3A_550 = tpu.vector_load %arg7[%get3A_548, %get3A_549] {strides = array<i32>} : memref<64x128xi32, #tpu.memory_space<vmem>>, vector<16xi32>,
    %add3A_551 = arith.constant 3 : i32
    %add3A_552 = arith.addi %mul3A_7, %add3A_551 : i32
    %get3A_553 = arith.index_cast %add3A_552 : i32 to index
    %get3A_554 = arith.constant 96 : index
    %get3A_555 = tpu.vector_load %arg8[%get3A_553, %get3A_554] {strides = array<i32>} : memref<64x128xi32, #tpu.memory_space<vmem>>, vector<16xi32>,
    %mul3A_556 = arith.constant 2048 : i32
    %mul3A_557 = vector.broadcast %mul3A_556 : i32 to vector<16xi32>
    %mul3A_558 = arith.muli %get3A_550, %mul3A_557 : vector<16xi32>
    %add3A_559 = arith.addi %mul3A_558, %get3A_555 : vector<16xi32>
    %swap3A_560 = arith.constant 3 : i32
    %swap3A_561 = arith.index_cast %swap3A_560 : i32 to index
    %swap3A_562 = arith.constant 96 : index
    %swap3A_563 = tpu.vector_load %arg18[%swap3A_561, %swap3A_562] {strides = array<i32>} : memref<4x128xi32, #tpu.memory_space<vmem>>, vector<16xi32>,
    tpu.vector_store %arg18[%swap3A_561, %swap3A_562], %add3A_559 {strides = array<i32>} : memref<4x128xi32, #tpu.memory_space<vmem>>, vector<16xi32>,
    %add3A_564 = arith.constant 3 : i32
    %add3A_565 = arith.addi %mul3A_7, %add3A_564 : i32
    %get3A_566 = arith.index_cast %add3A_565 : i32 to index
    %get3A_567 = arith.constant 112 : index
    %get3A_568 = tpu.vector_load %arg7[%get3A_566, %get3A_567] {strides = array<i32>} : memref<64x128xi32, #tpu.memory_space<vmem>>, vector<16xi32>,
    %add3A_569 = arith.constant 3 : i32
    %add3A_570 = arith.addi %mul3A_7, %add3A_569 : i32
    %get3A_571 = arith.index_cast %add3A_570 : i32 to index
    %get3A_572 = arith.constant 112 : index
    %get3A_573 = tpu.vector_load %arg8[%get3A_571, %get3A_572] {strides = array<i32>} : memref<64x128xi32, #tpu.memory_space<vmem>>, vector<16xi32>,
    %mul3A_574 = arith.constant 2048 : i32
    %mul3A_575 = vector.broadcast %mul3A_574 : i32 to vector<16xi32>
    %mul3A_576 = arith.muli %get3A_568, %mul3A_575 : vector<16xi32>
    %add3A_577 = arith.addi %mul3A_576, %get3A_573 : vector<16xi32>
    %swap3A_578 = arith.constant 3 : i32
    %swap3A_579 = arith.index_cast %swap3A_578 : i32 to index
    %swap3A_580 = arith.constant 112 : index
    %swap3A_581 = tpu.vector_load %arg18[%swap3A_579, %swap3A_580] {strides = array<i32>} : memref<4x128xi32, #tpu.memory_space<vmem>>, vector<16xi32>,
    tpu.vector_store %arg18[%swap3A_579, %swap3A_580], %add3A_577 {strides = array<i32>} : memref<4x128xi32, #tpu.memory_space<vmem>>, vector<16xi32>,
    %dma_start3A_582 = arith.constant 0 : i32
    %dma_start3A_583 = arith.constant 0 : i32
    %dma_start3A_584 = arith.constant 0 : i32
    %dma_start3A_585 = tpu.memref_slice %arg19[%dma_start3A_583, %dma_start3A_584] : memref<4x128xi32, #tpu.memory_space<vmem>> -> memref<1x128xi32, #tpu.memory_space<vmem>>
    %dma_start3A_586 = tpu.memref_squeeze %dma_start3A_585 : memref<1x128xi32, #tpu.memory_space<vmem>> -> memref<128xi32, #tpu.memory_space<vmem>>
    %dma_start3A_587 = arith.constant 0 : i32
    %dma_start3A_588 = tpu.memref_slice %arg18[%dma_start3A_582, %dma_start3A_587] : memref<4x128xi32, #tpu.memory_space<vmem>> -> memref<1x128xi32, #tpu.memory_space<vmem>>
    %dma_start3A_589 = tpu.memref_squeeze %dma_start3A_588 : memref<1x128xi32, #tpu.memory_space<vmem>> -> memref<128xi32, #tpu.memory_space<vmem>>
    %dma_start3A_590 = arith.constant 0 : i32
    %dma_start3A_591 = tpu.memref_slice %arg5[%dma_start3A_590] : memref<4194304xi32, #tpu.memory_space<hbm>> -> memref<4194304xi32, #tpu.memory_space<hbm>>
    tpu.enqueue_indirect_dma source(%dma_start3A_591 : memref<4194304xi32, #tpu.memory_space<hbm>>) target(%dma_start3A_586 : memref<128xi32, #tpu.memory_space<vmem>>) offsets(%dma_start3A_589 : memref<128xi32, #tpu.memory_space<vmem>>) semaphore(%arg21 : memref<!tpu.dma_semaphore, #tpu.memory_space<semaphore_mem>>)
    %dma_start3A_592 = arith.constant 1 : i32
    %dma_start3A_593 = arith.constant 1 : i32
    %dma_start3A_594 = arith.constant 0 : i32
    %dma_start3A_595 = tpu.memref_slice %arg19[%dma_start3A_593, %dma_start3A_594] : memref<4x128xi32, #tpu.memory_space<vmem>> -> memref<1x128xi32, #tpu.memory_space<vmem>>
    %dma_start3A_596 = tpu.memref_squeeze %dma_start3A_595 : memref<1x128xi32, #tpu.memory_space<vmem>> -> memref<128xi32, #tpu.memory_space<vmem>>
    %dma_start3A_597 = arith.constant 0 : i32
    %dma_start3A_598 = tpu.memref_slice %arg18[%dma_start3A_592, %dma_start3A_597] : memref<4x128xi32, #tpu.memory_space<vmem>> -> memref<1x128xi32, #tpu.memory_space<vmem>>
    %dma_start3A_599 = tpu.memref_squeeze %dma_start3A_598 : memref<1x128xi32, #tpu.memory_space<vmem>> -> memref<128xi32, #tpu.memory_space<vmem>>
    %dma_start3A_600 = arith.constant 0 : i32
    %dma_start3A_601 = tpu.memref_slice %arg5[%dma_start3A_600] : memref<4194304xi32, #tpu.memory_space<hbm>> -> memref<4194304xi32, #tpu.memory_space<hbm>>
    tpu.enqueue_indirect_dma source(%dma_start3A_601 : memref<4194304xi32, #tpu.memory_space<hbm>>) target(%dma_start3A_596 : memref<128xi32, #tpu.memory_space<vmem>>) offsets(%dma_start3A_599 : memref<128xi32, #tpu.memory_space<vmem>>) semaphore(%arg21 : memref<!tpu.dma_semaphore, #tpu.memory_space<semaphore_mem>>)
    %dma_start3A_602 = arith.constant 2 : i32
    %dma_start3A_603 = arith.constant 2 : i32
    %dma_start3A_604 = arith.constant 0 : i32
    %dma_start3A_605 = tpu.memref_slice %arg19[%dma_start3A_603, %dma_start3A_604] : memref<4x128xi32, #tpu.memory_space<vmem>> -> memref<1x128xi32, #tpu.memory_space<vmem>>
    %dma_start3A_606 = tpu.memref_squeeze %dma_start3A_605 : memref<1x128xi32, #tpu.memory_space<vmem>> -> memref<128xi32, #tpu.memory_space<vmem>>
    %dma_start3A_607 = arith.constant 0 : i32
    %dma_start3A_608 = tpu.memref_slice %arg18[%dma_start3A_602, %dma_start3A_607] : memref<4x128xi32, #tpu.memory_space<vmem>> -> memref<1x128xi32, #tpu.memory_space<vmem>>
    %dma_start3A_609 = tpu.memref_squeeze %dma_start3A_608 : memref<1x128xi32, #tpu.memory_space<vmem>> -> memref<128xi32, #tpu.memory_space<vmem>>
    %dma_start3A_610 = arith.constant 0 : i32
    %dma_start3A_611 = tpu.memref_slice %arg5[%dma_start3A_610] : memref<4194304xi32, #tpu.memory_space<hbm>> -> memref<4194304xi32, #tpu.memory_space<hbm>>
    tpu.enqueue_indirect_dma source(%dma_start3A_611 : memref<4194304xi32, #tpu.memory_space<hbm>>) target(%dma_start3A_606 : memref<128xi32, #tpu.memory_space<vmem>>) offsets(%dma_start3A_609 : memref<128xi32, #tpu.memory_space<vmem>>) semaphore(%arg21 : memref<!tpu.dma_semaphore, #tpu.memory_space<semaphore_mem>>)
    %dma_start3A_612 = arith.constant 3 : i32
    %dma_start3A_613 = arith.constant 3 : i32
    %dma_start3A_614 = arith.constant 0 : i32
    %dma_start3A_615 = tpu.memref_slice %arg19[%dma_start3A_613, %dma_start3A_614] : memref<4x128xi32, #tpu.memory_space<vmem>> -> memref<1x128xi32, #tpu.memory_space<vmem>>
    %dma_start3A_616 = tpu.memref_squeeze %dma_start3A_615 : memref<1x128xi32, #tpu.memory_space<vmem>> -> memref<128xi32, #tpu.memory_space<vmem>>
    %dma_start3A_617 = arith.constant 0 : i32
    %dma_start3A_618 = tpu.memref_slice %arg18[%dma_start3A_612, %dma_start3A_617] : memref<4x128xi32, #tpu.memory_space<vmem>> -> memref<1x128xi32, #tpu.memory_space<vmem>>
    %dma_start3A_619 = tpu.memref_squeeze %dma_start3A_618 : memref<1x128xi32, #tpu.memory_space<vmem>> -> memref<128xi32, #tpu.memory_space<vmem>>
    %dma_start3A_620 = arith.constant 0 : i32
    %dma_start3A_621 = tpu.memref_slice %arg5[%dma_start3A_620] : memref<4194304xi32, #tpu.memory_space<hbm>> -> memref<4194304xi32, #tpu.memory_space<hbm>>
    tpu.enqueue_indirect_dma source(%dma_start3A_621 : memref<4194304xi32, #tpu.memory_space<hbm>>) target(%dma_start3A_616 : memref<128xi32, #tpu.memory_space<vmem>>) offsets(%dma_start3A_619 : memref<128xi32, #tpu.memory_space<vmem>>) semaphore(%arg21 : memref<!tpu.dma_semaphore, #tpu.memory_space<semaphore_mem>>)
    %broadcast_in_dim3A = arith.constant 0.000000e+00 : f32
    %broadcast_in_dim3A_622 = vector.broadcast %broadcast_in_dim3A : f32 to vector<16xf32>
    %scan3A = arith.constant 0 : i32
    %scan3A_623 = arith.constant 0 : i32
    %scan3A_624 = arith.constant 512 : i32
    %scan3A_625 = arith.addi %scan3A_623, %scan3A_624 : i32
    %scan3A_626 = arith.constant 1 : i32
    %scan3A_627 = scf.for %scan3A_693 = %scan3A_623 to %scan3A_625 step %scan3A_626 iter_args(%scan3A_694 = %scan3A) -> (i32)  : i32 {
      %mul3A_695 = arith.constant 16 : i32
      %mul3A_696 = arith.muli %scan3A_693, %mul3A_695 : i32
      %swap3A_697 = arith.index_cast %mul3A_696 : i32 to index
      %swap3A_698 = tpu.vector_load %arg14[%swap3A_697] {strides = array<i32>} : memref<8192xf32, #tpu.memory_space<vmem>>, vector<16xf32>,
      tpu.vector_store %arg14[%swap3A_697], %broadcast_in_dim3A_622 {strides = array<i32>} : memref<8192xf32, #tpu.memory_space<vmem>>, vector<16xf32>,
      %mul3A_699 = arith.constant 16 : i32
      %mul3A_700 = arith.muli %scan3A_693, %mul3A_699 : i32
      %swap3A_701 = arith.index_cast %mul3A_700 : i32 to index
      %swap3A_702 = tpu.vector_load %arg15[%swap3A_701] {strides = array<i32>} : memref<8192xf32, #tpu.memory_space<vmem>>, vector<16xf32>,
      tpu.vector_store %arg15[%swap3A_701], %broadcast_in_dim3A_622 {strides = array<i32>} : memref<8192xf32, #tpu.memory_space<vmem>>, vector<16xf32>,
      %mul3A_703 = arith.constant 16 : i32
      %mul3A_704 = arith.muli %scan3A_693, %mul3A_703 : i32
      %swap3A_705 = arith.index_cast %mul3A_704 : i32 to index
      %swap3A_706 = tpu.vector_load %arg16[%swap3A_705] {strides = array<i32>} : memref<8192xf32, #tpu.memory_space<vmem>>, vector<16xf32>,
      tpu.vector_store %arg16[%swap3A_705], %broadcast_in_dim3A_622 {strides = array<i32>} : memref<8192xf32, #tpu.memory_space<vmem>>, vector<16xf32>,
      %mul3A_707 = arith.constant 16 : i32
      %mul3A_708 = arith.muli %scan3A_693, %mul3A_707 : i32
      %swap3A_709 = arith.index_cast %mul3A_708 : i32 to index
      %swap3A_710 = tpu.vector_load %arg17[%swap3A_709] {strides = array<i32>} : memref<8192xf32, #tpu.memory_space<vmem>>, vector<16xf32>,
      tpu.vector_store %arg17[%swap3A_709], %broadcast_in_dim3A_622 {strides = array<i32>} : memref<8192xf32, #tpu.memory_space<vmem>>, vector<16xf32>,
      %scan3A_711 = arith.constant 0 : i32
      scf.yield %scan3A_711 : i32
    }
    %scan3A_628 = arith.constant 512 : i32
    %scan3A_629 = arith.constant 0 : i32
    %scan3A_630 = arith.constant 0 : i32
    %scan3A_631 = arith.constant 128 : i32
    %scan3A_632 = arith.addi %scan3A_630, %scan3A_631 : i32
    %scan3A_633 = arith.constant 1 : i32
    %scan3A_634 = scf.for %scan3A_693 = %scan3A_630 to %scan3A_632 step %scan3A_633 iter_args(%scan3A_694 = %scan3A_629) -> (i32)  : i32 {
      %mul3A_695 = arith.constant 16 : i32
      %mul3A_696 = arith.muli %scan3A_693, %mul3A_695 : i32
      %swap3A_697 = arith.index_cast %mul3A_696 : i32 to index
      %swap3A_698 = tpu.vector_load %arg10[%swap3A_697] {strides = array<i32>} : memref<2048xf32, #tpu.memory_space<vmem>>, vector<16xf32>,
      tpu.vector_store %arg10[%swap3A_697], %broadcast_in_dim3A_622 {strides = array<i32>} : memref<2048xf32, #tpu.memory_space<vmem>>, vector<16xf32>,
      %mul3A_699 = arith.constant 16 : i32
      %mul3A_700 = arith.muli %scan3A_693, %mul3A_699 : i32
      %swap3A_701 = arith.index_cast %mul3A_700 : i32 to index
      %swap3A_702 = tpu.vector_load %arg11[%swap3A_701] {strides = array<i32>} : memref<2048xf32, #tpu.memory_space<vmem>>, vector<16xf32>,
      tpu.vector_store %arg11[%swap3A_701], %broadcast_in_dim3A_622 {strides = array<i32>} : memref<2048xf32, #tpu.memory_space<vmem>>, vector<16xf32>,
      %mul3A_703 = arith.constant 16 : i32
      %mul3A_704 = arith.muli %scan3A_693, %mul3A_703 : i32
      %swap3A_705 = arith.index_cast %mul3A_704 : i32 to index
      %swap3A_706 = tpu.vector_load %arg12[%swap3A_705] {strides = array<i32>} : memref<2048xf32, #tpu.memory_space<vmem>>, vector<16xf32>,
      tpu.vector_store %arg12[%swap3A_705], %broadcast_in_dim3A_622 {strides = array<i32>} : memref<2048xf32, #tpu.memory_space<vmem>>, vector<16xf32>,
      %mul3A_707 = arith.constant 16 : i32
      %mul3A_708 = arith.muli %scan3A_693, %mul3A_707 : i32
      %swap3A_709 = arith.index_cast %mul3A_708 : i32 to index
      %swap3A_710 = tpu.vector_load %arg13[%swap3A_709] {strides = array<i32>} : memref<2048xf32, #tpu.memory_space<vmem>>, vector<16xf32>,
      tpu.vector_store %arg13[%swap3A_709], %broadcast_in_dim3A_622 {strides = array<i32>} : memref<2048xf32, #tpu.memory_space<vmem>>, vector<16xf32>,
      %scan3A_711 = arith.constant 0 : i32
      scf.yield %scan3A_711 : i32
    }
    %scan3A_635 = arith.constant 128 : i32
    %dma_wait3A = arith.constant 0 : i32
    %dma_wait3A_636 = arith.constant 0 : i32
    %dma_wait3A_637 = arith.constant 0 : i32
    %dma_wait3A_638 = tpu.memref_slice %arg19[%dma_wait3A_636, %dma_wait3A_637] : memref<4x128xi32, #tpu.memory_space<vmem>> -> memref<1x128xi32, #tpu.memory_space<vmem>>
    %dma_wait3A_639 = tpu.memref_squeeze %dma_wait3A_638 : memref<1x128xi32, #tpu.memory_space<vmem>> -> memref<128xi32, #tpu.memory_space<vmem>>
    %dma_wait3A_640 = arith.constant 0 : i32
    %dma_wait3A_641 = tpu.memref_slice %arg18[%dma_wait3A, %dma_wait3A_640] : memref<4x128xi32, #tpu.memory_space<vmem>> -> memref<1x128xi32, #tpu.memory_space<vmem>>
    %dma_wait3A_642 = tpu.memref_squeeze %dma_wait3A_641 : memref<1x128xi32, #tpu.memory_space<vmem>> -> memref<128xi32, #tpu.memory_space<vmem>>
    %dma_wait3A_643 = arith.constant 0 : i32
    %dma_wait3A_644 = tpu.memref_slice %arg5[%dma_wait3A_643] : memref<4194304xi32, #tpu.memory_space<hbm>> -> memref<4194304xi32, #tpu.memory_space<hbm>>
    tpu.wait_indirect_dma semaphore(%arg21 : memref<!tpu.dma_semaphore, #tpu.memory_space<semaphore_mem>>) src(%dma_wait3A_644 : memref<4194304xi32, #tpu.memory_space<hbm>>) dst(%dma_wait3A_639 : memref<128xi32, #tpu.memory_space<vmem>>)
    %dma_wait3A_645 = arith.constant 1 : i32
    %dma_wait3A_646 = arith.constant 1 : i32
    %dma_wait3A_647 = arith.constant 0 : i32
    %dma_wait3A_648 = tpu.memref_slice %arg19[%dma_wait3A_646, %dma_wait3A_647] : memref<4x128xi32, #tpu.memory_space<vmem>> -> memref<1x128xi32, #tpu.memory_space<vmem>>
    %dma_wait3A_649 = tpu.memref_squeeze %dma_wait3A_648 : memref<1x128xi32, #tpu.memory_space<vmem>> -> memref<128xi32, #tpu.memory_space<vmem>>
    %dma_wait3A_650 = arith.constant 0 : i32
    %dma_wait3A_651 = tpu.memref_slice %arg18[%dma_wait3A_645, %dma_wait3A_650] : memref<4x128xi32, #tpu.memory_space<vmem>> -> memref<1x128xi32, #tpu.memory_space<vmem>>
    %dma_wait3A_652 = tpu.memref_squeeze %dma_wait3A_651 : memref<1x128xi32, #tpu.memory_space<vmem>> -> memref<128xi32, #tpu.memory_space<vmem>>
    %dma_wait3A_653 = arith.constant 0 : i32
    %dma_wait3A_654 = tpu.memref_slice %arg5[%dma_wait3A_653] : memref<4194304xi32, #tpu.memory_space<hbm>> -> memref<4194304xi32, #tpu.memory_space<hbm>>
    tpu.wait_indirect_dma semaphore(%arg21 : memref<!tpu.dma_semaphore, #tpu.memory_space<semaphore_mem>>) src(%dma_wait3A_654 : memref<4194304xi32, #tpu.memory_space<hbm>>) dst(%dma_wait3A_649 : memref<128xi32, #tpu.memory_space<vmem>>)
    %dma_wait3A_655 = arith.constant 2 : i32
    %dma_wait3A_656 = arith.constant 2 : i32
    %dma_wait3A_657 = arith.constant 0 : i32
    %dma_wait3A_658 = tpu.memref_slice %arg19[%dma_wait3A_656, %dma_wait3A_657] : memref<4x128xi32, #tpu.memory_space<vmem>> -> memref<1x128xi32, #tpu.memory_space<vmem>>
    %dma_wait3A_659 = tpu.memref_squeeze %dma_wait3A_658 : memref<1x128xi32, #tpu.memory_space<vmem>> -> memref<128xi32, #tpu.memory_space<vmem>>
    %dma_wait3A_660 = arith.constant 0 : i32
    %dma_wait3A_661 = tpu.memref_slice %arg18[%dma_wait3A_655, %dma_wait3A_660] : memref<4x128xi32, #tpu.memory_space<vmem>> -> memref<1x128xi32, #tpu.memory_space<vmem>>
    %dma_wait3A_662 = tpu.memref_squeeze %dma_wait3A_661 : memref<1x128xi32, #tpu.memory_space<vmem>> -> memref<128xi32, #tpu.memory_space<vmem>>
    %dma_wait3A_663 = arith.constant 0 : i32
    %dma_wait3A_664 = tpu.memref_slice %arg5[%dma_wait3A_663] : memref<4194304xi32, #tpu.memory_space<hbm>> -> memref<4194304xi32, #tpu.memory_space<hbm>>
    tpu.wait_indirect_dma semaphore(%arg21 : memref<!tpu.dma_semaphore, #tpu.memory_space<semaphore_mem>>) src(%dma_wait3A_664 : memref<4194304xi32, #tpu.memory_space<hbm>>) dst(%dma_wait3A_659 : memref<128xi32, #tpu.memory_space<vmem>>)
    %dma_wait3A_665 = arith.constant 3 : i32
    %dma_wait3A_666 = arith.constant 3 : i32
    %dma_wait3A_667 = arith.constant 0 : i32
    %dma_wait3A_668 = tpu.memref_slice %arg19[%dma_wait3A_666, %dma_wait3A_667] : memref<4x128xi32, #tpu.memory_space<vmem>> -> memref<1x128xi32, #tpu.memory_space<vmem>>
    %dma_wait3A_669 = tpu.memref_squeeze %dma_wait3A_668 : memref<1x128xi32, #tpu.memory_space<vmem>> -> memref<128xi32, #tpu.memory_space<vmem>>
    %dma_wait3A_670 = arith.constant 0 : i32
    %dma_wait3A_671 = tpu.memref_slice %arg18[%dma_wait3A_665, %dma_wait3A_670] : memref<4x128xi32, #tpu.memory_space<vmem>> -> memref<1x128xi32, #tpu.memory_space<vmem>>
    %dma_wait3A_672 = tpu.memref_squeeze %dma_wait3A_671 : memref<1x128xi32, #tpu.memory_space<vmem>> -> memref<128xi32, #tpu.memory_space<vmem>>
    %dma_wait3A_673 = arith.constant 0 : i32
    %dma_wait3A_674 = tpu.memref_slice %arg5[%dma_wait3A_673] : memref<4194304xi32, #tpu.memory_space<hbm>> -> memref<4194304xi32, #tpu.memory_space<hbm>>
    tpu.wait_indirect_dma semaphore(%arg21 : memref<!tpu.dma_semaphore, #tpu.memory_space<semaphore_mem>>) src(%dma_wait3A_674 : memref<4194304xi32, #tpu.memory_space<hbm>>) dst(%dma_wait3A_669 : memref<128xi32, #tpu.memory_space<vmem>>)
    "tpu.region"() ({
      %run_scoped3A = tpu.sem_alloc : memref<!tpu.dma_semaphore, #tpu.memory_space<semaphore_mem>>
      %dma_start3A_693 = arith.constant 0 : i32
      %dma_start3A_694 = tpu.memref_slice %arg20[%mul3A_7, %dma_start3A_693] : memref<64x128xi32, #tpu.memory_space<vmem_shared>> -> memref<4x128xi32, #tpu.memory_space<vmem_shared>>
      %dma_start3A_695 = arith.constant 0 : i32
      %dma_start3A_696 = tpu.memref_slice %arg20[%mul3A_7, %dma_start3A_695] : memref<64x128xi32, #tpu.memory_space<vmem_shared>> -> memref<4x128xi32, #tpu.memory_space<vmem_shared>>
      tpu.enqueue_dma source(%arg19 : memref<4x128xi32, #tpu.memory_space<vmem>>) target(%dma_start3A_696 : memref<4x128xi32, #tpu.memory_space<vmem_shared>>) target_semaphore(%run_scoped3A : memref<!tpu.dma_semaphore, #tpu.memory_space<semaphore_mem>>)
      %dma_wait3A_697 = arith.constant 0 : i32
      %dma_wait3A_698 = tpu.memref_slice %arg20[%mul3A_7, %dma_wait3A_697] : memref<64x128xi32, #tpu.memory_space<vmem_shared>> -> memref<4x128xi32, #tpu.memory_space<vmem_shared>>
      %dma_wait3A_699 = arith.constant 0 : i32
      %dma_wait3A_700 = tpu.memref_slice %arg20[%mul3A_7, %dma_wait3A_699] : memref<64x128xi32, #tpu.memory_space<vmem_shared>> -> memref<4x128xi32, #tpu.memory_space<vmem_shared>>
      tpu.wait_dma2 semaphore(%run_scoped3A : memref<!tpu.dma_semaphore, #tpu.memory_space<semaphore_mem>>) src(%arg19 : memref<4x128xi32, #tpu.memory_space<vmem>>) dst(%dma_wait3A_700 : memref<4x128xi32, #tpu.memory_space<vmem_shared>>)
      tpu.yield
    }) : () -> ()
    %barrier3A = arith.constant 0 : index
    tpu.barrier barrier_id(%barrier3A)
    "tpu.region"() ({
      %run_scoped3A = tpu.sem_alloc : memref<!tpu.dma_semaphore, #tpu.memory_space<semaphore_mem>>
      tpu.enqueue_dma source(%arg20 : memref<64x128xi32, #tpu.memory_space<vmem_shared>>) target(%arg8 : memref<64x128xi32, #tpu.memory_space<vmem>>) target_semaphore(%run_scoped3A : memref<!tpu.dma_semaphore, #tpu.memory_space<semaphore_mem>>)
      tpu.wait_dma2 semaphore(%run_scoped3A : memref<!tpu.dma_semaphore, #tpu.memory_space<semaphore_mem>>) src(%arg20 : memref<64x128xi32, #tpu.memory_space<vmem_shared>>) dst(%arg8 : memref<64x128xi32, #tpu.memory_space<vmem>>)
      tpu.yield
    }) : () -> ()
    %dma_wait3A_675 = arith.constant 0 : i32
    %dma_wait3A_676 = tpu.memref_slice %arg2[%mul3A_2, %dma_wait3A_675] : memref<128x8192xf32, #tpu.memory_space<hbm>> -> memref<4x8192xf32, #tpu.memory_space<hbm>>
    %dma_wait3A_677 = arith.constant 0 : i32
    %dma_wait3A_678 = tpu.memref_slice %arg2[%mul3A_2, %dma_wait3A_677] : memref<128x8192xf32, #tpu.memory_space<hbm>> -> memref<4x8192xf32, #tpu.memory_space<hbm>>
    tpu.wait_dma2 semaphore(%arg21 : memref<!tpu.dma_semaphore, #tpu.memory_space<semaphore_mem>>) src(%dma_wait3A_678 : memref<4x8192xf32, #tpu.memory_space<hbm>>) dst(%arg9 : memref<4x8192xf32, #tpu.memory_space<vmem>>)
    %scan3A_679 = arith.constant 0 : i32
    %scan3A_680 = arith.constant 0 : i32
    %scan3A_681 = arith.constant 64 : i32
    %scan3A_682 = arith.addi %scan3A_680, %scan3A_681 : i32
    %scan3A_683 = arith.constant 1 : i32
    %scan3A_684 = scf.for %scan3A_693 = %scan3A_680 to %scan3A_682 step %scan3A_683 iter_args(%scan3A_694 = %scan3A_679) -> (i32)  : i32 {
      %mul3A_695 = arith.constant 128 : i32
      %mul3A_696 = arith.muli %scan3A_693, %mul3A_695 : i32
      %get3A_697 = arith.index_cast %scan3A_693 : i32 to index
      %get3A_698 = arith.constant 0 : index
      %get3A_699 = tpu.vector_load %arg7[%get3A_697, %get3A_698] {strides = array<i32>} : memref<64x128xi32, #tpu.memory_space<vmem>>, vector<16xi32>,
      %get3A_700 = arith.index_cast %scan3A_693 : i32 to index
      %get3A_701 = arith.constant 0 : index
      %get3A_702 = tpu.vector_load %arg8[%get3A_700, %get3A_701] {strides = array<i32>} : memref<64x128xi32, #tpu.memory_space<vmem>>, vector<16xi32>,
      %add3A_703 = arith.constant 0 : i32
      %add3A_704 = arith.addi %mul3A_696, %add3A_703 : i32
      %get3A_705 = arith.constant 0 : i32
      %get3A_706 = arith.index_cast %get3A_705 : i32 to index
      %get3A_707 = arith.index_cast %add3A_704 : i32 to index
      %get3A_708 = tpu.vector_load %arg9[%get3A_706, %get3A_707] {strides = array<i32>} : memref<4x8192xf32, #tpu.memory_space<vmem>>, vector<16xf32>,
      tpu.vector_store_idx %arg10[%get3A_699], %get3A_708 {add = true} : memref<2048xf32, #tpu.memory_space<vmem>>[vector<16xi32>], vector<16xf32>,
      tpu.vector_store_idx %arg14[%get3A_702], %get3A_708 {add = true} : memref<8192xf32, #tpu.memory_space<vmem>>[vector<16xi32>], vector<16xf32>,
      %add3A_709 = arith.constant 0 : i32
      %add3A_710 = arith.addi %mul3A_696, %add3A_709 : i32
      %get3A_711 = arith.constant 1 : i32
      %get3A_712 = arith.index_cast %get3A_711 : i32 to index
      %get3A_713 = arith.index_cast %add3A_710 : i32 to index
      %get3A_714 = tpu.vector_load %arg9[%get3A_712, %get3A_713] {strides = array<i32>} : memref<4x8192xf32, #tpu.memory_space<vmem>>, vector<16xf32>,
      tpu.vector_store_idx %arg11[%get3A_699], %get3A_714 {add = true} : memref<2048xf32, #tpu.memory_space<vmem>>[vector<16xi32>], vector<16xf32>,
      tpu.vector_store_idx %arg15[%get3A_702], %get3A_714 {add = true} : memref<8192xf32, #tpu.memory_space<vmem>>[vector<16xi32>], vector<16xf32>,
      %add3A_715 = arith.constant 0 : i32
      %add3A_716 = arith.addi %mul3A_696, %add3A_715 : i32
      %get3A_717 = arith.constant 2 : i32
      %get3A_718 = arith.index_cast %get3A_717 : i32 to index
      %get3A_719 = arith.index_cast %add3A_716 : i32 to index
      %get3A_720 = tpu.vector_load %arg9[%get3A_718, %get3A_719] {strides = array<i32>} : memref<4x8192xf32, #tpu.memory_space<vmem>>, vector<16xf32>,
      tpu.vector_store_idx %arg12[%get3A_699], %get3A_720 {add = true} : memref<2048xf32, #tpu.memory_space<vmem>>[vector<16xi32>], vector<16xf32>,
      tpu.vector_store_idx %arg16[%get3A_702], %get3A_720 {add = true} : memref<8192xf32, #tpu.memory_space<vmem>>[vector<16xi32>], vector<16xf32>,
      %add3A_721 = arith.constant 0 : i32
      %add3A_722 = arith.addi %mul3A_696, %add3A_721 : i32
      %get3A_723 = arith.constant 3 : i32
      %get3A_724 = arith.index_cast %get3A_723 : i32 to index
      %get3A_725 = arith.index_cast %add3A_722 : i32 to index
      %get3A_726 = tpu.vector_load %arg9[%get3A_724, %get3A_725] {strides = array<i32>} : memref<4x8192xf32, #tpu.memory_space<vmem>>, vector<16xf32>,
      tpu.vector_store_idx %arg13[%get3A_699], %get3A_726 {add = true} : memref<2048xf32, #tpu.memory_space<vmem>>[vector<16xi32>], vector<16xf32>,
      tpu.vector_store_idx %arg17[%get3A_702], %get3A_726 {add = true} : memref<8192xf32, #tpu.memory_space<vmem>>[vector<16xi32>], vector<16xf32>,
      %get3A_727 = arith.index_cast %scan3A_693 : i32 to index
      %get3A_728 = arith.constant 16 : index
      %get3A_729 = tpu.vector_load %arg7[%get3A_727, %get3A_728] {strides = array<i32>} : memref<64x128xi32, #tpu.memory_space<vmem>>, vector<16xi32>,
      %get3A_730 = arith.index_cast %scan3A_693 : i32 to index
      %get3A_731 = arith.constant 16 : index
      %get3A_732 = tpu.vector_load %arg8[%get3A_730, %get3A_731] {strides = array<i32>} : memref<64x128xi32, #tpu.memory_space<vmem>>, vector<16xi32>,
      %add3A_733 = arith.constant 16 : i32
      %add3A_734 = arith.addi %mul3A_696, %add3A_733 : i32
      %get3A_735 = arith.constant 0 : i32
      %get3A_736 = arith.index_cast %get3A_735 : i32 to index
      %get3A_737 = arith.index_cast %add3A_734 : i32 to index
      %get3A_738 = tpu.vector_load %arg9[%get3A_736, %get3A_737] {strides = array<i32>} : memref<4x8192xf32, #tpu.memory_space<vmem>>, vector<16xf32>,
      tpu.vector_store_idx %arg10[%get3A_729], %get3A_738 {add = true} : memref<2048xf32, #tpu.memory_space<vmem>>[vector<16xi32>], vector<16xf32>,
      tpu.vector_store_idx %arg14[%get3A_732], %get3A_738 {add = true} : memref<8192xf32, #tpu.memory_space<vmem>>[vector<16xi32>], vector<16xf32>,
      %add3A_739 = arith.constant 16 : i32
      %add3A_740 = arith.addi %mul3A_696, %add3A_739 : i32
      %get3A_741 = arith.constant 1 : i32
      %get3A_742 = arith.index_cast %get3A_741 : i32 to index
      %get3A_743 = arith.index_cast %add3A_740 : i32 to index
      %get3A_744 = tpu.vector_load %arg9[%get3A_742, %get3A_743] {strides = array<i32>} : memref<4x8192xf32, #tpu.memory_space<vmem>>, vector<16xf32>,
      tpu.vector_store_idx %arg11[%get3A_729], %get3A_744 {add = true} : memref<2048xf32, #tpu.memory_space<vmem>>[vector<16xi32>], vector<16xf32>,
      tpu.vector_store_idx %arg15[%get3A_732], %get3A_744 {add = true} : memref<8192xf32, #tpu.memory_space<vmem>>[vector<16xi32>], vector<16xf32>,
      %add3A_745 = arith.constant 16 : i32
      %add3A_746 = arith.addi %mul3A_696, %add3A_745 : i32
      %get3A_747 = arith.constant 2 : i32
      %get3A_748 = arith.index_cast %get3A_747 : i32 to index
      %get3A_749 = arith.index_cast %add3A_746 : i32 to index
      %get3A_750 = tpu.vector_load %arg9[%get3A_748, %get3A_749] {strides = array<i32>} : memref<4x8192xf32, #tpu.memory_space<vmem>>, vector<16xf32>,
      tpu.vector_store_idx %arg12[%get3A_729], %get3A_750 {add = true} : memref<2048xf32, #tpu.memory_space<vmem>>[vector<16xi32>], vector<16xf32>,
      tpu.vector_store_idx %arg16[%get3A_732], %get3A_750 {add = true} : memref<8192xf32, #tpu.memory_space<vmem>>[vector<16xi32>], vector<16xf32>,
      %add3A_751 = arith.constant 16 : i32
      %add3A_752 = arith.addi %mul3A_696, %add3A_751 : i32
      %get3A_753 = arith.constant 3 : i32
      %get3A_754 = arith.index_cast %get3A_753 : i32 to index
      %get3A_755 = arith.index_cast %add3A_752 : i32 to index
      %get3A_756 = tpu.vector_load %arg9[%get3A_754, %get3A_755] {strides = array<i32>} : memref<4x8192xf32, #tpu.memory_space<vmem>>, vector<16xf32>,
      tpu.vector_store_idx %arg13[%get3A_729], %get3A_756 {add = true} : memref<2048xf32, #tpu.memory_space<vmem>>[vector<16xi32>], vector<16xf32>,
      tpu.vector_store_idx %arg17[%get3A_732], %get3A_756 {add = true} : memref<8192xf32, #tpu.memory_space<vmem>>[vector<16xi32>], vector<16xf32>,
      %get3A_757 = arith.index_cast %scan3A_693 : i32 to index
      %get3A_758 = arith.constant 32 : index
      %get3A_759 = tpu.vector_load %arg7[%get3A_757, %get3A_758] {strides = array<i32>} : memref<64x128xi32, #tpu.memory_space<vmem>>, vector<16xi32>,
      %get3A_760 = arith.index_cast %scan3A_693 : i32 to index
      %get3A_761 = arith.constant 32 : index
      %get3A_762 = tpu.vector_load %arg8[%get3A_760, %get3A_761] {strides = array<i32>} : memref<64x128xi32, #tpu.memory_space<vmem>>, vector<16xi32>,
      %add3A_763 = arith.constant 32 : i32
      %add3A_764 = arith.addi %mul3A_696, %add3A_763 : i32
      %get3A_765 = arith.constant 0 : i32
      %get3A_766 = arith.index_cast %get3A_765 : i32 to index
      %get3A_767 = arith.index_cast %add3A_764 : i32 to index
      %get3A_768 = tpu.vector_load %arg9[%get3A_766, %get3A_767] {strides = array<i32>} : memref<4x8192xf32, #tpu.memory_space<vmem>>, vector<16xf32>,
      tpu.vector_store_idx %arg10[%get3A_759], %get3A_768 {add = true} : memref<2048xf32, #tpu.memory_space<vmem>>[vector<16xi32>], vector<16xf32>,
      tpu.vector_store_idx %arg14[%get3A_762], %get3A_768 {add = true} : memref<8192xf32, #tpu.memory_space<vmem>>[vector<16xi32>], vector<16xf32>,
      %add3A_769 = arith.constant 32 : i32
      %add3A_770 = arith.addi %mul3A_696, %add3A_769 : i32
      %get3A_771 = arith.constant 1 : i32
      %get3A_772 = arith.index_cast %get3A_771 : i32 to index
      %get3A_773 = arith.index_cast %add3A_770 : i32 to index
      %get3A_774 = tpu.vector_load %arg9[%get3A_772, %get3A_773] {strides = array<i32>} : memref<4x8192xf32, #tpu.memory_space<vmem>>, vector<16xf32>,
      tpu.vector_store_idx %arg11[%get3A_759], %get3A_774 {add = true} : memref<2048xf32, #tpu.memory_space<vmem>>[vector<16xi32>], vector<16xf32>,
      tpu.vector_store_idx %arg15[%get3A_762], %get3A_774 {add = true} : memref<8192xf32, #tpu.memory_space<vmem>>[vector<16xi32>], vector<16xf32>,
      %add3A_775 = arith.constant 32 : i32
      %add3A_776 = arith.addi %mul3A_696, %add3A_775 : i32
      %get3A_777 = arith.constant 2 : i32
      %get3A_778 = arith.index_cast %get3A_777 : i32 to index
      %get3A_779 = arith.index_cast %add3A_776 : i32 to index
      %get3A_780 = tpu.vector_load %arg9[%get3A_778, %get3A_779] {strides = array<i32>} : memref<4x8192xf32, #tpu.memory_space<vmem>>, vector<16xf32>,
      tpu.vector_store_idx %arg12[%get3A_759], %get3A_780 {add = true} : memref<2048xf32, #tpu.memory_space<vmem>>[vector<16xi32>], vector<16xf32>,
      tpu.vector_store_idx %arg16[%get3A_762], %get3A_780 {add = true} : memref<8192xf32, #tpu.memory_space<vmem>>[vector<16xi32>], vector<16xf32>,
      %add3A_781 = arith.constant 32 : i32
      %add3A_782 = arith.addi %mul3A_696, %add3A_781 : i32
      %get3A_783 = arith.constant 3 : i32
      %get3A_784 = arith.index_cast %get3A_783 : i32 to index
      %get3A_785 = arith.index_cast %add3A_782 : i32 to index
      %get3A_786 = tpu.vector_load %arg9[%get3A_784, %get3A_785] {strides = array<i32>} : memref<4x8192xf32, #tpu.memory_space<vmem>>, vector<16xf32>,
      tpu.vector_store_idx %arg13[%get3A_759], %get3A_786 {add = true} : memref<2048xf32, #tpu.memory_space<vmem>>[vector<16xi32>], vector<16xf32>,
      tpu.vector_store_idx %arg17[%get3A_762], %get3A_786 {add = true} : memref<8192xf32, #tpu.memory_space<vmem>>[vector<16xi32>], vector<16xf32>,
      %get3A_787 = arith.index_cast %scan3A_693 : i32 to index
      %get3A_788 = arith.constant 48 : index
      %get3A_789 = tpu.vector_load %arg7[%get3A_787, %get3A_788] {strides = array<i32>} : memref<64x128xi32, #tpu.memory_space<vmem>>, vector<16xi32>,
      %get3A_790 = arith.index_cast %scan3A_693 : i32 to index
      %get3A_791 = arith.constant 48 : index
      %get3A_792 = tpu.vector_load %arg8[%get3A_790, %get3A_791] {strides = array<i32>} : memref<64x128xi32, #tpu.memory_space<vmem>>, vector<16xi32>,
      %add3A_793 = arith.constant 48 : i32
      %add3A_794 = arith.addi %mul3A_696, %add3A_793 : i32
      %get3A_795 = arith.constant 0 : i32
      %get3A_796 = arith.index_cast %get3A_795 : i32 to index
      %get3A_797 = arith.index_cast %add3A_794 : i32 to index
      %get3A_798 = tpu.vector_load %arg9[%get3A_796, %get3A_797] {strides = array<i32>} : memref<4x8192xf32, #tpu.memory_space<vmem>>, vector<16xf32>,
      tpu.vector_store_idx %arg10[%get3A_789], %get3A_798 {add = true} : memref<2048xf32, #tpu.memory_space<vmem>>[vector<16xi32>], vector<16xf32>,
      tpu.vector_store_idx %arg14[%get3A_792], %get3A_798 {add = true} : memref<8192xf32, #tpu.memory_space<vmem>>[vector<16xi32>], vector<16xf32>,
      %add3A_799 = arith.constant 48 : i32
      %add3A_800 = arith.addi %mul3A_696, %add3A_799 : i32
      %get3A_801 = arith.constant 1 : i32
      %get3A_802 = arith.index_cast %get3A_801 : i32 to index
      %get3A_803 = arith.index_cast %add3A_800 : i32 to index
      %get3A_804 = tpu.vector_load %arg9[%get3A_802, %get3A_803] {strides = array<i32>} : memref<4x8192xf32, #tpu.memory_space<vmem>>, vector<16xf32>,
      tpu.vector_store_idx %arg11[%get3A_789], %get3A_804 {add = true} : memref<2048xf32, #tpu.memory_space<vmem>>[vector<16xi32>], vector<16xf32>,
      tpu.vector_store_idx %arg15[%get3A_792], %get3A_804 {add = true} : memref<8192xf32, #tpu.memory_space<vmem>>[vector<16xi32>], vector<16xf32>,
      %add3A_805 = arith.constant 48 : i32
      %add3A_806 = arith.addi %mul3A_696, %add3A_805 : i32
      %get3A_807 = arith.constant 2 : i32
      %get3A_808 = arith.index_cast %get3A_807 : i32 to index
      %get3A_809 = arith.index_cast %add3A_806 : i32 to index
      %get3A_810 = tpu.vector_load %arg9[%get3A_808, %get3A_809] {strides = array<i32>} : memref<4x8192xf32, #tpu.memory_space<vmem>>, vector<16xf32>,
      tpu.vector_store_idx %arg12[%get3A_789], %get3A_810 {add = true} : memref<2048xf32, #tpu.memory_space<vmem>>[vector<16xi32>], vector<16xf32>,
      tpu.vector_store_idx %arg16[%get3A_792], %get3A_810 {add = true} : memref<8192xf32, #tpu.memory_space<vmem>>[vector<16xi32>], vector<16xf32>,
      %add3A_811 = arith.constant 48 : i32
      %add3A_812 = arith.addi %mul3A_696, %add3A_811 : i32
      %get3A_813 = arith.constant 3 : i32
      %get3A_814 = arith.index_cast %get3A_813 : i32 to index
      %get3A_815 = arith.index_cast %add3A_812 : i32 to index
      %get3A_816 = tpu.vector_load %arg9[%get3A_814, %get3A_815] {strides = array<i32>} : memref<4x8192xf32, #tpu.memory_space<vmem>>, vector<16xf32>,
      tpu.vector_store_idx %arg13[%get3A_789], %get3A_816 {add = true} : memref<2048xf32, #tpu.memory_space<vmem>>[vector<16xi32>], vector<16xf32>,
      tpu.vector_store_idx %arg17[%get3A_792], %get3A_816 {add = true} : memref<8192xf32, #tpu.memory_space<vmem>>[vector<16xi32>], vector<16xf32>,
      %get3A_817 = arith.index_cast %scan3A_693 : i32 to index
      %get3A_818 = arith.constant 64 : index
      %get3A_819 = tpu.vector_load %arg7[%get3A_817, %get3A_818] {strides = array<i32>} : memref<64x128xi32, #tpu.memory_space<vmem>>, vector<16xi32>,
      %get3A_820 = arith.index_cast %scan3A_693 : i32 to index
      %get3A_821 = arith.constant 64 : index
      %get3A_822 = tpu.vector_load %arg8[%get3A_820, %get3A_821] {strides = array<i32>} : memref<64x128xi32, #tpu.memory_space<vmem>>, vector<16xi32>,
      %add3A_823 = arith.constant 64 : i32
      %add3A_824 = arith.addi %mul3A_696, %add3A_823 : i32
      %get3A_825 = arith.constant 0 : i32
      %get3A_826 = arith.index_cast %get3A_825 : i32 to index
      %get3A_827 = arith.index_cast %add3A_824 : i32 to index
      %get3A_828 = tpu.vector_load %arg9[%get3A_826, %get3A_827] {strides = array<i32>} : memref<4x8192xf32, #tpu.memory_space<vmem>>, vector<16xf32>,
      tpu.vector_store_idx %arg10[%get3A_819], %get3A_828 {add = true} : memref<2048xf32, #tpu.memory_space<vmem>>[vector<16xi32>], vector<16xf32>,
      tpu.vector_store_idx %arg14[%get3A_822], %get3A_828 {add = true} : memref<8192xf32, #tpu.memory_space<vmem>>[vector<16xi32>], vector<16xf32>,
      %add3A_829 = arith.constant 64 : i32
      %add3A_830 = arith.addi %mul3A_696, %add3A_829 : i32
      %get3A_831 = arith.constant 1 : i32
      %get3A_832 = arith.index_cast %get3A_831 : i32 to index
      %get3A_833 = arith.index_cast %add3A_830 : i32 to index
      %get3A_834 = tpu.vector_load %arg9[%get3A_832, %get3A_833] {strides = array<i32>} : memref<4x8192xf32, #tpu.memory_space<vmem>>, vector<16xf32>,
      tpu.vector_store_idx %arg11[%get3A_819], %get3A_834 {add = true} : memref<2048xf32, #tpu.memory_space<vmem>>[vector<16xi32>], vector<16xf32>,
      tpu.vector_store_idx %arg15[%get3A_822], %get3A_834 {add = true} : memref<8192xf32, #tpu.memory_space<vmem>>[vector<16xi32>], vector<16xf32>,
      %add3A_835 = arith.constant 64 : i32
      %add3A_836 = arith.addi %mul3A_696, %add3A_835 : i32
      %get3A_837 = arith.constant 2 : i32
      %get3A_838 = arith.index_cast %get3A_837 : i32 to index
      %get3A_839 = arith.index_cast %add3A_836 : i32 to index
      %get3A_840 = tpu.vector_load %arg9[%get3A_838, %get3A_839] {strides = array<i32>} : memref<4x8192xf32, #tpu.memory_space<vmem>>, vector<16xf32>,
      tpu.vector_store_idx %arg12[%get3A_819], %get3A_840 {add = true} : memref<2048xf32, #tpu.memory_space<vmem>>[vector<16xi32>], vector<16xf32>,
      tpu.vector_store_idx %arg16[%get3A_822], %get3A_840 {add = true} : memref<8192xf32, #tpu.memory_space<vmem>>[vector<16xi32>], vector<16xf32>,
      %add3A_841 = arith.constant 64 : i32
      %add3A_842 = arith.addi %mul3A_696, %add3A_841 : i32
      %get3A_843 = arith.constant 3 : i32
      %get3A_844 = arith.index_cast %get3A_843 : i32 to index
      %get3A_845 = arith.index_cast %add3A_842 : i32 to index
      %get3A_846 = tpu.vector_load %arg9[%get3A_844, %get3A_845] {strides = array<i32>} : memref<4x8192xf32, #tpu.memory_space<vmem>>, vector<16xf32>,
      tpu.vector_store_idx %arg13[%get3A_819], %get3A_846 {add = true} : memref<2048xf32, #tpu.memory_space<vmem>>[vector<16xi32>], vector<16xf32>,
      tpu.vector_store_idx %arg17[%get3A_822], %get3A_846 {add = true} : memref<8192xf32, #tpu.memory_space<vmem>>[vector<16xi32>], vector<16xf32>,
      %get3A_847 = arith.index_cast %scan3A_693 : i32 to index
      %get3A_848 = arith.constant 80 : index
      %get3A_849 = tpu.vector_load %arg7[%get3A_847, %get3A_848] {strides = array<i32>} : memref<64x128xi32, #tpu.memory_space<vmem>>, vector<16xi32>,
      %get3A_850 = arith.index_cast %scan3A_693 : i32 to index
      %get3A_851 = arith.constant 80 : index
      %get3A_852 = tpu.vector_load %arg8[%get3A_850, %get3A_851] {strides = array<i32>} : memref<64x128xi32, #tpu.memory_space<vmem>>, vector<16xi32>,
      %add3A_853 = arith.constant 80 : i32
      %add3A_854 = arith.addi %mul3A_696, %add3A_853 : i32
      %get3A_855 = arith.constant 0 : i32
      %get3A_856 = arith.index_cast %get3A_855 : i32 to index
      %get3A_857 = arith.index_cast %add3A_854 : i32 to index
      %get3A_858 = tpu.vector_load %arg9[%get3A_856, %get3A_857] {strides = array<i32>} : memref<4x8192xf32, #tpu.memory_space<vmem>>, vector<16xf32>,
      tpu.vector_store_idx %arg10[%get3A_849], %get3A_858 {add = true} : memref<2048xf32, #tpu.memory_space<vmem>>[vector<16xi32>], vector<16xf32>,
      tpu.vector_store_idx %arg14[%get3A_852], %get3A_858 {add = true} : memref<8192xf32, #tpu.memory_space<vmem>>[vector<16xi32>], vector<16xf32>,
      %add3A_859 = arith.constant 80 : i32
      %add3A_860 = arith.addi %mul3A_696, %add3A_859 : i32
      %get3A_861 = arith.constant 1 : i32
      %get3A_862 = arith.index_cast %get3A_861 : i32 to index
      %get3A_863 = arith.index_cast %add3A_860 : i32 to index
      %get3A_864 = tpu.vector_load %arg9[%get3A_862, %get3A_863] {strides = array<i32>} : memref<4x8192xf32, #tpu.memory_space<vmem>>, vector<16xf32>,
      tpu.vector_store_idx %arg11[%get3A_849], %get3A_864 {add = true} : memref<2048xf32, #tpu.memory_space<vmem>>[vector<16xi32>], vector<16xf32>,
      tpu.vector_store_idx %arg15[%get3A_852], %get3A_864 {add = true} : memref<8192xf32, #tpu.memory_space<vmem>>[vector<16xi32>], vector<16xf32>,
      %add3A_865 = arith.constant 80 : i32
      %add3A_866 = arith.addi %mul3A_696, %add3A_865 : i32
      %get3A_867 = arith.constant 2 : i32
      %get3A_868 = arith.index_cast %get3A_867 : i32 to index
      %get3A_869 = arith.index_cast %add3A_866 : i32 to index
      %get3A_870 = tpu.vector_load %arg9[%get3A_868, %get3A_869] {strides = array<i32>} : memref<4x8192xf32, #tpu.memory_space<vmem>>, vector<16xf32>,
      tpu.vector_store_idx %arg12[%get3A_849], %get3A_870 {add = true} : memref<2048xf32, #tpu.memory_space<vmem>>[vector<16xi32>], vector<16xf32>,
      tpu.vector_store_idx %arg16[%get3A_852], %get3A_870 {add = true} : memref<8192xf32, #tpu.memory_space<vmem>>[vector<16xi32>], vector<16xf32>,
      %add3A_871 = arith.constant 80 : i32
      %add3A_872 = arith.addi %mul3A_696, %add3A_871 : i32
      %get3A_873 = arith.constant 3 : i32
      %get3A_874 = arith.index_cast %get3A_873 : i32 to index
      %get3A_875 = arith.index_cast %add3A_872 : i32 to index
      %get3A_876 = tpu.vector_load %arg9[%get3A_874, %get3A_875] {strides = array<i32>} : memref<4x8192xf32, #tpu.memory_space<vmem>>, vector<16xf32>,
      tpu.vector_store_idx %arg13[%get3A_849], %get3A_876 {add = true} : memref<2048xf32, #tpu.memory_space<vmem>>[vector<16xi32>], vector<16xf32>,
      tpu.vector_store_idx %arg17[%get3A_852], %get3A_876 {add = true} : memref<8192xf32, #tpu.memory_space<vmem>>[vector<16xi32>], vector<16xf32>,
      %get3A_877 = arith.index_cast %scan3A_693 : i32 to index
      %get3A_878 = arith.constant 96 : index
      %get3A_879 = tpu.vector_load %arg7[%get3A_877, %get3A_878] {strides = array<i32>} : memref<64x128xi32, #tpu.memory_space<vmem>>, vector<16xi32>,
      %get3A_880 = arith.index_cast %scan3A_693 : i32 to index
      %get3A_881 = arith.constant 96 : index
      %get3A_882 = tpu.vector_load %arg8[%get3A_880, %get3A_881] {strides = array<i32>} : memref<64x128xi32, #tpu.memory_space<vmem>>, vector<16xi32>,
      %add3A_883 = arith.constant 96 : i32
      %add3A_884 = arith.addi %mul3A_696, %add3A_883 : i32
      %get3A_885 = arith.constant 0 : i32
      %get3A_886 = arith.index_cast %get3A_885 : i32 to index
      %get3A_887 = arith.index_cast %add3A_884 : i32 to index
      %get3A_888 = tpu.vector_load %arg9[%get3A_886, %get3A_887] {strides = array<i32>} : memref<4x8192xf32, #tpu.memory_space<vmem>>, vector<16xf32>,
      tpu.vector_store_idx %arg10[%get3A_879], %get3A_888 {add = true} : memref<2048xf32, #tpu.memory_space<vmem>>[vector<16xi32>], vector<16xf32>,
      tpu.vector_store_idx %arg14[%get3A_882], %get3A_888 {add = true} : memref<8192xf32, #tpu.memory_space<vmem>>[vector<16xi32>], vector<16xf32>,
      %add3A_889 = arith.constant 96 : i32
      %add3A_890 = arith.addi %mul3A_696, %add3A_889 : i32
      %get3A_891 = arith.constant 1 : i32
      %get3A_892 = arith.index_cast %get3A_891 : i32 to index
      %get3A_893 = arith.index_cast %add3A_890 : i32 to index
      %get3A_894 = tpu.vector_load %arg9[%get3A_892, %get3A_893] {strides = array<i32>} : memref<4x8192xf32, #tpu.memory_space<vmem>>, vector<16xf32>,
      tpu.vector_store_idx %arg11[%get3A_879], %get3A_894 {add = true} : memref<2048xf32, #tpu.memory_space<vmem>>[vector<16xi32>], vector<16xf32>,
      tpu.vector_store_idx %arg15[%get3A_882], %get3A_894 {add = true} : memref<8192xf32, #tpu.memory_space<vmem>>[vector<16xi32>], vector<16xf32>,
      %add3A_895 = arith.constant 96 : i32
      %add3A_896 = arith.addi %mul3A_696, %add3A_895 : i32
      %get3A_897 = arith.constant 2 : i32
      %get3A_898 = arith.index_cast %get3A_897 : i32 to index
      %get3A_899 = arith.index_cast %add3A_896 : i32 to index
      %get3A_900 = tpu.vector_load %arg9[%get3A_898, %get3A_899] {strides = array<i32>} : memref<4x8192xf32, #tpu.memory_space<vmem>>, vector<16xf32>,
      tpu.vector_store_idx %arg12[%get3A_879], %get3A_900 {add = true} : memref<2048xf32, #tpu.memory_space<vmem>>[vector<16xi32>], vector<16xf32>,
      tpu.vector_store_idx %arg16[%get3A_882], %get3A_900 {add = true} : memref<8192xf32, #tpu.memory_space<vmem>>[vector<16xi32>], vector<16xf32>,
      %add3A_901 = arith.constant 96 : i32
      %add3A_902 = arith.addi %mul3A_696, %add3A_901 : i32
      %get3A_903 = arith.constant 3 : i32
      %get3A_904 = arith.index_cast %get3A_903 : i32 to index
      %get3A_905 = arith.index_cast %add3A_902 : i32 to index
      %get3A_906 = tpu.vector_load %arg9[%get3A_904, %get3A_905] {strides = array<i32>} : memref<4x8192xf32, #tpu.memory_space<vmem>>, vector<16xf32>,
      tpu.vector_store_idx %arg13[%get3A_879], %get3A_906 {add = true} : memref<2048xf32, #tpu.memory_space<vmem>>[vector<16xi32>], vector<16xf32>,
      tpu.vector_store_idx %arg17[%get3A_882], %get3A_906 {add = true} : memref<8192xf32, #tpu.memory_space<vmem>>[vector<16xi32>], vector<16xf32>,
      %get3A_907 = arith.index_cast %scan3A_693 : i32 to index
      %get3A_908 = arith.constant 112 : index
      %get3A_909 = tpu.vector_load %arg7[%get3A_907, %get3A_908] {strides = array<i32>} : memref<64x128xi32, #tpu.memory_space<vmem>>, vector<16xi32>,
      %get3A_910 = arith.index_cast %scan3A_693 : i32 to index
      %get3A_911 = arith.constant 112 : index
      %get3A_912 = tpu.vector_load %arg8[%get3A_910, %get3A_911] {strides = array<i32>} : memref<64x128xi32, #tpu.memory_space<vmem>>, vector<16xi32>,
      %add3A_913 = arith.constant 112 : i32
      %add3A_914 = arith.addi %mul3A_696, %add3A_913 : i32
      %get3A_915 = arith.constant 0 : i32
      %get3A_916 = arith.index_cast %get3A_915 : i32 to index
      %get3A_917 = arith.index_cast %add3A_914 : i32 to index
      %get3A_918 = tpu.vector_load %arg9[%get3A_916, %get3A_917] {strides = array<i32>} : memref<4x8192xf32, #tpu.memory_space<vmem>>, vector<16xf32>,
      tpu.vector_store_idx %arg10[%get3A_909], %get3A_918 {add = true} : memref<2048xf32, #tpu.memory_space<vmem>>[vector<16xi32>], vector<16xf32>,
      tpu.vector_store_idx %arg14[%get3A_912], %get3A_918 {add = true} : memref<8192xf32, #tpu.memory_space<vmem>>[vector<16xi32>], vector<16xf32>,
      %add3A_919 = arith.constant 112 : i32
      %add3A_920 = arith.addi %mul3A_696, %add3A_919 : i32
      %get3A_921 = arith.constant 1 : i32
      %get3A_922 = arith.index_cast %get3A_921 : i32 to index
      %get3A_923 = arith.index_cast %add3A_920 : i32 to index
      %get3A_924 = tpu.vector_load %arg9[%get3A_922, %get3A_923] {strides = array<i32>} : memref<4x8192xf32, #tpu.memory_space<vmem>>, vector<16xf32>,
      tpu.vector_store_idx %arg11[%get3A_909], %get3A_924 {add = true} : memref<2048xf32, #tpu.memory_space<vmem>>[vector<16xi32>], vector<16xf32>,
      tpu.vector_store_idx %arg15[%get3A_912], %get3A_924 {add = true} : memref<8192xf32, #tpu.memory_space<vmem>>[vector<16xi32>], vector<16xf32>,
      %add3A_925 = arith.constant 112 : i32
      %add3A_926 = arith.addi %mul3A_696, %add3A_925 : i32
      %get3A_927 = arith.constant 2 : i32
      %get3A_928 = arith.index_cast %get3A_927 : i32 to index
      %get3A_929 = arith.index_cast %add3A_926 : i32 to index
      %get3A_930 = tpu.vector_load %arg9[%get3A_928, %get3A_929] {strides = array<i32>} : memref<4x8192xf32, #tpu.memory_space<vmem>>, vector<16xf32>,
      tpu.vector_store_idx %arg12[%get3A_909], %get3A_930 {add = true} : memref<2048xf32, #tpu.memory_space<vmem>>[vector<16xi32>], vector<16xf32>,
      tpu.vector_store_idx %arg16[%get3A_912], %get3A_930 {add = true} : memref<8192xf32, #tpu.memory_space<vmem>>[vector<16xi32>], vector<16xf32>,
      %add3A_931 = arith.constant 112 : i32
      %add3A_932 = arith.addi %mul3A_696, %add3A_931 : i32
      %get3A_933 = arith.constant 3 : i32
      %get3A_934 = arith.index_cast %get3A_933 : i32 to index
      %get3A_935 = arith.index_cast %add3A_932 : i32 to index
      %get3A_936 = tpu.vector_load %arg9[%get3A_934, %get3A_935] {strides = array<i32>} : memref<4x8192xf32, #tpu.memory_space<vmem>>, vector<16xf32>,
      tpu.vector_store_idx %arg13[%get3A_909], %get3A_936 {add = true} : memref<2048xf32, #tpu.memory_space<vmem>>[vector<16xi32>], vector<16xf32>,
      tpu.vector_store_idx %arg17[%get3A_912], %get3A_936 {add = true} : memref<8192xf32, #tpu.memory_space<vmem>>[vector<16xi32>], vector<16xf32>,
      %scan3A_937 = arith.constant 0 : i32
      scf.yield %scan3A_937 : i32
    }
    %scan3A_685 = arith.constant 64 : i32
    "tpu.region"() ({
      %run_scoped3A = tpu.sem_alloc : memref<!tpu.dma_semaphore, #tpu.memory_space<semaphore_mem>>
      tpu.enqueue_dma source(%arg3 : memref<64x128xi32, #tpu.memory_space<hbm>>) target(%arg7 : memref<64x128xi32, #tpu.memory_space<vmem>>) target_semaphore(%run_scoped3A : memref<!tpu.dma_semaphore, #tpu.memory_space<semaphore_mem>>)
      tpu.wait_dma2 semaphore(%run_scoped3A : memref<!tpu.dma_semaphore, #tpu.memory_space<semaphore_mem>>) src(%arg3 : memref<64x128xi32, #tpu.memory_space<hbm>>) dst(%arg7 : memref<64x128xi32, #tpu.memory_space<vmem>>)
      tpu.yield
    }) : () -> ()
    %scan3A_686 = arith.constant 0 : i32
    %scan3A_687 = arith.constant 0 : i32
    %scan3A_688 = arith.constant 64 : i32
    %scan3A_689 = arith.addi %scan3A_687, %scan3A_688 : i32
    %scan3A_690 = arith.constant 1 : i32
    %scan3A_691 = scf.for %scan3A_693 = %scan3A_687 to %scan3A_689 step %scan3A_690 iter_args(%scan3A_694 = %scan3A_686) -> (i32)  : i32 {
      %mul3A_695 = arith.constant 128 : i32
      %mul3A_696 = arith.muli %scan3A_693, %mul3A_695 : i32
      %get3A_697 = arith.index_cast %scan3A_693 : i32 to index
      %get3A_698 = arith.constant 0 : index
      %get3A_699 = tpu.vector_load %arg7[%get3A_697, %get3A_698] {strides = array<i32>} : memref<64x128xi32, #tpu.memory_space<vmem>>, vector<16xi32>,
      %get3A_700 = arith.index_cast %scan3A_693 : i32 to index
      %get3A_701 = arith.constant 0 : index
      %get3A_702 = tpu.vector_load %arg8[%get3A_700, %get3A_701] {strides = array<i32>} : memref<64x128xi32, #tpu.memory_space<vmem>>, vector<16xi32>,
      %gather3A = tpu.vector_load_idx %arg10[%get3A_699] : memref<2048xf32, #tpu.memory_space<vmem>>[vector<16xi32>], vector<16xf32>,
      %gather3A_703 = tpu.vector_load_idx %arg14[%get3A_702] : memref<8192xf32, #tpu.memory_space<vmem>>[vector<16xi32>], vector<16xf32>,
      %sub3A = arith.subf %gather3A, %gather3A_703 : vector<16xf32>
      %add3A_704 = arith.constant 0 : i32
      %add3A_705 = arith.addi %mul3A_696, %add3A_704 : i32
      %swap3A_706 = arith.constant 0 : i32
      %swap3A_707 = arith.index_cast %swap3A_706 : i32 to index
      %swap3A_708 = arith.index_cast %add3A_705 : i32 to index
      %swap3A_709 = tpu.vector_load %arg9[%swap3A_707, %swap3A_708] {strides = array<i32>} : memref<4x8192xf32, #tpu.memory_space<vmem>>, vector<16xf32>,
      tpu.vector_store %arg9[%swap3A_707, %swap3A_708], %sub3A {strides = array<i32>} : memref<4x8192xf32, #tpu.memory_space<vmem>>, vector<16xf32>,
      %gather3A_710 = tpu.vector_load_idx %arg11[%get3A_699] : memref<2048xf32, #tpu.memory_space<vmem>>[vector<16xi32>], vector<16xf32>,
      %gather3A_711 = tpu.vector_load_idx %arg15[%get3A_702] : memref<8192xf32, #tpu.memory_space<vmem>>[vector<16xi32>], vector<16xf32>,
      %sub3A_712 = arith.subf %gather3A_710, %gather3A_711 : vector<16xf32>
      %add3A_713 = arith.constant 0 : i32
      %add3A_714 = arith.addi %mul3A_696, %add3A_713 : i32
      %swap3A_715 = arith.constant 1 : i32
      %swap3A_716 = arith.index_cast %swap3A_715 : i32 to index
      %swap3A_717 = arith.index_cast %add3A_714 : i32 to index
      %swap3A_718 = tpu.vector_load %arg9[%swap3A_716, %swap3A_717] {strides = array<i32>} : memref<4x8192xf32, #tpu.memory_space<vmem>>, vector<16xf32>,
      tpu.vector_store %arg9[%swap3A_716, %swap3A_717], %sub3A_712 {strides = array<i32>} : memref<4x8192xf32, #tpu.memory_space<vmem>>, vector<16xf32>,
      %gather3A_719 = tpu.vector_load_idx %arg12[%get3A_699] : memref<2048xf32, #tpu.memory_space<vmem>>[vector<16xi32>], vector<16xf32>,
      %gather3A_720 = tpu.vector_load_idx %arg16[%get3A_702] : memref<8192xf32, #tpu.memory_space<vmem>>[vector<16xi32>], vector<16xf32>,
      %sub3A_721 = arith.subf %gather3A_719, %gather3A_720 : vector<16xf32>
      %add3A_722 = arith.constant 0 : i32
      %add3A_723 = arith.addi %mul3A_696, %add3A_722 : i32
      %swap3A_724 = arith.constant 2 : i32
      %swap3A_725 = arith.index_cast %swap3A_724 : i32 to index
      %swap3A_726 = arith.index_cast %add3A_723 : i32 to index
      %swap3A_727 = tpu.vector_load %arg9[%swap3A_725, %swap3A_726] {strides = array<i32>} : memref<4x8192xf32, #tpu.memory_space<vmem>>, vector<16xf32>,
      tpu.vector_store %arg9[%swap3A_725, %swap3A_726], %sub3A_721 {strides = array<i32>} : memref<4x8192xf32, #tpu.memory_space<vmem>>, vector<16xf32>,
      %gather3A_728 = tpu.vector_load_idx %arg13[%get3A_699] : memref<2048xf32, #tpu.memory_space<vmem>>[vector<16xi32>], vector<16xf32>,
      %gather3A_729 = tpu.vector_load_idx %arg17[%get3A_702] : memref<8192xf32, #tpu.memory_space<vmem>>[vector<16xi32>], vector<16xf32>,
      %sub3A_730 = arith.subf %gather3A_728, %gather3A_729 : vector<16xf32>
      %add3A_731 = arith.constant 0 : i32
      %add3A_732 = arith.addi %mul3A_696, %add3A_731 : i32
      %swap3A_733 = arith.constant 3 : i32
      %swap3A_734 = arith.index_cast %swap3A_733 : i32 to index
      %swap3A_735 = arith.index_cast %add3A_732 : i32 to index
      %swap3A_736 = tpu.vector_load %arg9[%swap3A_734, %swap3A_735] {strides = array<i32>} : memref<4x8192xf32, #tpu.memory_space<vmem>>, vector<16xf32>,
      tpu.vector_store %arg9[%swap3A_734, %swap3A_735], %sub3A_730 {strides = array<i32>} : memref<4x8192xf32, #tpu.memory_space<vmem>>, vector<16xf32>,
      %get3A_737 = arith.index_cast %scan3A_693 : i32 to index
      %get3A_738 = arith.constant 16 : index
      %get3A_739 = tpu.vector_load %arg7[%get3A_737, %get3A_738] {strides = array<i32>} : memref<64x128xi32, #tpu.memory_space<vmem>>, vector<16xi32>,
      %get3A_740 = arith.index_cast %scan3A_693 : i32 to index
      %get3A_741 = arith.constant 16 : index
      %get3A_742 = tpu.vector_load %arg8[%get3A_740, %get3A_741] {strides = array<i32>} : memref<64x128xi32, #tpu.memory_space<vmem>>, vector<16xi32>,
      %gather3A_743 = tpu.vector_load_idx %arg10[%get3A_739] : memref<2048xf32, #tpu.memory_space<vmem>>[vector<16xi32>], vector<16xf32>,
      %gather3A_744 = tpu.vector_load_idx %arg14[%get3A_742] : memref<8192xf32, #tpu.memory_space<vmem>>[vector<16xi32>], vector<16xf32>,
      %sub3A_745 = arith.subf %gather3A_743, %gather3A_744 : vector<16xf32>
      %add3A_746 = arith.constant 16 : i32
      %add3A_747 = arith.addi %mul3A_696, %add3A_746 : i32
      %swap3A_748 = arith.constant 0 : i32
      %swap3A_749 = arith.index_cast %swap3A_748 : i32 to index
      %swap3A_750 = arith.index_cast %add3A_747 : i32 to index
      %swap3A_751 = tpu.vector_load %arg9[%swap3A_749, %swap3A_750] {strides = array<i32>} : memref<4x8192xf32, #tpu.memory_space<vmem>>, vector<16xf32>,
      tpu.vector_store %arg9[%swap3A_749, %swap3A_750], %sub3A_745 {strides = array<i32>} : memref<4x8192xf32, #tpu.memory_space<vmem>>, vector<16xf32>,
      %gather3A_752 = tpu.vector_load_idx %arg11[%get3A_739] : memref<2048xf32, #tpu.memory_space<vmem>>[vector<16xi32>], vector<16xf32>,
      %gather3A_753 = tpu.vector_load_idx %arg15[%get3A_742] : memref<8192xf32, #tpu.memory_space<vmem>>[vector<16xi32>], vector<16xf32>,
      %sub3A_754 = arith.subf %gather3A_752, %gather3A_753 : vector<16xf32>
      %add3A_755 = arith.constant 16 : i32
      %add3A_756 = arith.addi %mul3A_696, %add3A_755 : i32
      %swap3A_757 = arith.constant 1 : i32
      %swap3A_758 = arith.index_cast %swap3A_757 : i32 to index
      %swap3A_759 = arith.index_cast %add3A_756 : i32 to index
      %swap3A_760 = tpu.vector_load %arg9[%swap3A_758, %swap3A_759] {strides = array<i32>} : memref<4x8192xf32, #tpu.memory_space<vmem>>, vector<16xf32>,
      tpu.vector_store %arg9[%swap3A_758, %swap3A_759], %sub3A_754 {strides = array<i32>} : memref<4x8192xf32, #tpu.memory_space<vmem>>, vector<16xf32>,
      %gather3A_761 = tpu.vector_load_idx %arg12[%get3A_739] : memref<2048xf32, #tpu.memory_space<vmem>>[vector<16xi32>], vector<16xf32>,
      %gather3A_762 = tpu.vector_load_idx %arg16[%get3A_742] : memref<8192xf32, #tpu.memory_space<vmem>>[vector<16xi32>], vector<16xf32>,
      %sub3A_763 = arith.subf %gather3A_761, %gather3A_762 : vector<16xf32>
      %add3A_764 = arith.constant 16 : i32
      %add3A_765 = arith.addi %mul3A_696, %add3A_764 : i32
      %swap3A_766 = arith.constant 2 : i32
      %swap3A_767 = arith.index_cast %swap3A_766 : i32 to index
      %swap3A_768 = arith.index_cast %add3A_765 : i32 to index
      %swap3A_769 = tpu.vector_load %arg9[%swap3A_767, %swap3A_768] {strides = array<i32>} : memref<4x8192xf32, #tpu.memory_space<vmem>>, vector<16xf32>,
      tpu.vector_store %arg9[%swap3A_767, %swap3A_768], %sub3A_763 {strides = array<i32>} : memref<4x8192xf32, #tpu.memory_space<vmem>>, vector<16xf32>,
      %gather3A_770 = tpu.vector_load_idx %arg13[%get3A_739] : memref<2048xf32, #tpu.memory_space<vmem>>[vector<16xi32>], vector<16xf32>,
      %gather3A_771 = tpu.vector_load_idx %arg17[%get3A_742] : memref<8192xf32, #tpu.memory_space<vmem>>[vector<16xi32>], vector<16xf32>,
      %sub3A_772 = arith.subf %gather3A_770, %gather3A_771 : vector<16xf32>
      %add3A_773 = arith.constant 16 : i32
      %add3A_774 = arith.addi %mul3A_696, %add3A_773 : i32
      %swap3A_775 = arith.constant 3 : i32
      %swap3A_776 = arith.index_cast %swap3A_775 : i32 to index
      %swap3A_777 = arith.index_cast %add3A_774 : i32 to index
      %swap3A_778 = tpu.vector_load %arg9[%swap3A_776, %swap3A_777] {strides = array<i32>} : memref<4x8192xf32, #tpu.memory_space<vmem>>, vector<16xf32>,
      tpu.vector_store %arg9[%swap3A_776, %swap3A_777], %sub3A_772 {strides = array<i32>} : memref<4x8192xf32, #tpu.memory_space<vmem>>, vector<16xf32>,
      %get3A_779 = arith.index_cast %scan3A_693 : i32 to index
      %get3A_780 = arith.constant 32 : index
      %get3A_781 = tpu.vector_load %arg7[%get3A_779, %get3A_780] {strides = array<i32>} : memref<64x128xi32, #tpu.memory_space<vmem>>, vector<16xi32>,
      %get3A_782 = arith.index_cast %scan3A_693 : i32 to index
      %get3A_783 = arith.constant 32 : index
      %get3A_784 = tpu.vector_load %arg8[%get3A_782, %get3A_783] {strides = array<i32>} : memref<64x128xi32, #tpu.memory_space<vmem>>, vector<16xi32>,
      %gather3A_785 = tpu.vector_load_idx %arg10[%get3A_781] : memref<2048xf32, #tpu.memory_space<vmem>>[vector<16xi32>], vector<16xf32>,
      %gather3A_786 = tpu.vector_load_idx %arg14[%get3A_784] : memref<8192xf32, #tpu.memory_space<vmem>>[vector<16xi32>], vector<16xf32>,
      %sub3A_787 = arith.subf %gather3A_785, %gather3A_786 : vector<16xf32>
      %add3A_788 = arith.constant 32 : i32
      %add3A_789 = arith.addi %mul3A_696, %add3A_788 : i32
      %swap3A_790 = arith.constant 0 : i32
      %swap3A_791 = arith.index_cast %swap3A_790 : i32 to index
      %swap3A_792 = arith.index_cast %add3A_789 : i32 to index
      %swap3A_793 = tpu.vector_load %arg9[%swap3A_791, %swap3A_792] {strides = array<i32>} : memref<4x8192xf32, #tpu.memory_space<vmem>>, vector<16xf32>,
      tpu.vector_store %arg9[%swap3A_791, %swap3A_792], %sub3A_787 {strides = array<i32>} : memref<4x8192xf32, #tpu.memory_space<vmem>>, vector<16xf32>,
      %gather3A_794 = tpu.vector_load_idx %arg11[%get3A_781] : memref<2048xf32, #tpu.memory_space<vmem>>[vector<16xi32>], vector<16xf32>,
      %gather3A_795 = tpu.vector_load_idx %arg15[%get3A_784] : memref<8192xf32, #tpu.memory_space<vmem>>[vector<16xi32>], vector<16xf32>,
      %sub3A_796 = arith.subf %gather3A_794, %gather3A_795 : vector<16xf32>
      %add3A_797 = arith.constant 32 : i32
      %add3A_798 = arith.addi %mul3A_696, %add3A_797 : i32
      %swap3A_799 = arith.constant 1 : i32
      %swap3A_800 = arith.index_cast %swap3A_799 : i32 to index
      %swap3A_801 = arith.index_cast %add3A_798 : i32 to index
      %swap3A_802 = tpu.vector_load %arg9[%swap3A_800, %swap3A_801] {strides = array<i32>} : memref<4x8192xf32, #tpu.memory_space<vmem>>, vector<16xf32>,
      tpu.vector_store %arg9[%swap3A_800, %swap3A_801], %sub3A_796 {strides = array<i32>} : memref<4x8192xf32, #tpu.memory_space<vmem>>, vector<16xf32>,
      %gather3A_803 = tpu.vector_load_idx %arg12[%get3A_781] : memref<2048xf32, #tpu.memory_space<vmem>>[vector<16xi32>], vector<16xf32>,
      %gather3A_804 = tpu.vector_load_idx %arg16[%get3A_784] : memref<8192xf32, #tpu.memory_space<vmem>>[vector<16xi32>], vector<16xf32>,
      %sub3A_805 = arith.subf %gather3A_803, %gather3A_804 : vector<16xf32>
      %add3A_806 = arith.constant 32 : i32
      %add3A_807 = arith.addi %mul3A_696, %add3A_806 : i32
      %swap3A_808 = arith.constant 2 : i32
      %swap3A_809 = arith.index_cast %swap3A_808 : i32 to index
      %swap3A_810 = arith.index_cast %add3A_807 : i32 to index
      %swap3A_811 = tpu.vector_load %arg9[%swap3A_809, %swap3A_810] {strides = array<i32>} : memref<4x8192xf32, #tpu.memory_space<vmem>>, vector<16xf32>,
      tpu.vector_store %arg9[%swap3A_809, %swap3A_810], %sub3A_805 {strides = array<i32>} : memref<4x8192xf32, #tpu.memory_space<vmem>>, vector<16xf32>,
      %gather3A_812 = tpu.vector_load_idx %arg13[%get3A_781] : memref<2048xf32, #tpu.memory_space<vmem>>[vector<16xi32>], vector<16xf32>,
      %gather3A_813 = tpu.vector_load_idx %arg17[%get3A_784] : memref<8192xf32, #tpu.memory_space<vmem>>[vector<16xi32>], vector<16xf32>,
      %sub3A_814 = arith.subf %gather3A_812, %gather3A_813 : vector<16xf32>
      %add3A_815 = arith.constant 32 : i32
      %add3A_816 = arith.addi %mul3A_696, %add3A_815 : i32
      %swap3A_817 = arith.constant 3 : i32
      %swap3A_818 = arith.index_cast %swap3A_817 : i32 to index
      %swap3A_819 = arith.index_cast %add3A_816 : i32 to index
      %swap3A_820 = tpu.vector_load %arg9[%swap3A_818, %swap3A_819] {strides = array<i32>} : memref<4x8192xf32, #tpu.memory_space<vmem>>, vector<16xf32>,
      tpu.vector_store %arg9[%swap3A_818, %swap3A_819], %sub3A_814 {strides = array<i32>} : memref<4x8192xf32, #tpu.memory_space<vmem>>, vector<16xf32>,
      %get3A_821 = arith.index_cast %scan3A_693 : i32 to index
      %get3A_822 = arith.constant 48 : index
      %get3A_823 = tpu.vector_load %arg7[%get3A_821, %get3A_822] {strides = array<i32>} : memref<64x128xi32, #tpu.memory_space<vmem>>, vector<16xi32>,
      %get3A_824 = arith.index_cast %scan3A_693 : i32 to index
      %get3A_825 = arith.constant 48 : index
      %get3A_826 = tpu.vector_load %arg8[%get3A_824, %get3A_825] {strides = array<i32>} : memref<64x128xi32, #tpu.memory_space<vmem>>, vector<16xi32>,
      %gather3A_827 = tpu.vector_load_idx %arg10[%get3A_823] : memref<2048xf32, #tpu.memory_space<vmem>>[vector<16xi32>], vector<16xf32>,
      %gather3A_828 = tpu.vector_load_idx %arg14[%get3A_826] : memref<8192xf32, #tpu.memory_space<vmem>>[vector<16xi32>], vector<16xf32>,
      %sub3A_829 = arith.subf %gather3A_827, %gather3A_828 : vector<16xf32>
      %add3A_830 = arith.constant 48 : i32
      %add3A_831 = arith.addi %mul3A_696, %add3A_830 : i32
      %swap3A_832 = arith.constant 0 : i32
      %swap3A_833 = arith.index_cast %swap3A_832 : i32 to index
      %swap3A_834 = arith.index_cast %add3A_831 : i32 to index
      %swap3A_835 = tpu.vector_load %arg9[%swap3A_833, %swap3A_834] {strides = array<i32>} : memref<4x8192xf32, #tpu.memory_space<vmem>>, vector<16xf32>,
      tpu.vector_store %arg9[%swap3A_833, %swap3A_834], %sub3A_829 {strides = array<i32>} : memref<4x8192xf32, #tpu.memory_space<vmem>>, vector<16xf32>,
      %gather3A_836 = tpu.vector_load_idx %arg11[%get3A_823] : memref<2048xf32, #tpu.memory_space<vmem>>[vector<16xi32>], vector<16xf32>,
      %gather3A_837 = tpu.vector_load_idx %arg15[%get3A_826] : memref<8192xf32, #tpu.memory_space<vmem>>[vector<16xi32>], vector<16xf32>,
      %sub3A_838 = arith.subf %gather3A_836, %gather3A_837 : vector<16xf32>
      %add3A_839 = arith.constant 48 : i32
      %add3A_840 = arith.addi %mul3A_696, %add3A_839 : i32
      %swap3A_841 = arith.constant 1 : i32
      %swap3A_842 = arith.index_cast %swap3A_841 : i32 to index
      %swap3A_843 = arith.index_cast %add3A_840 : i32 to index
      %swap3A_844 = tpu.vector_load %arg9[%swap3A_842, %swap3A_843] {strides = array<i32>} : memref<4x8192xf32, #tpu.memory_space<vmem>>, vector<16xf32>,
      tpu.vector_store %arg9[%swap3A_842, %swap3A_843], %sub3A_838 {strides = array<i32>} : memref<4x8192xf32, #tpu.memory_space<vmem>>, vector<16xf32>,
      %gather3A_845 = tpu.vector_load_idx %arg12[%get3A_823] : memref<2048xf32, #tpu.memory_space<vmem>>[vector<16xi32>], vector<16xf32>,
      %gather3A_846 = tpu.vector_load_idx %arg16[%get3A_826] : memref<8192xf32, #tpu.memory_space<vmem>>[vector<16xi32>], vector<16xf32>,
      %sub3A_847 = arith.subf %gather3A_845, %gather3A_846 : vector<16xf32>
      %add3A_848 = arith.constant 48 : i32
      %add3A_849 = arith.addi %mul3A_696, %add3A_848 : i32
      %swap3A_850 = arith.constant 2 : i32
      %swap3A_851 = arith.index_cast %swap3A_850 : i32 to index
      %swap3A_852 = arith.index_cast %add3A_849 : i32 to index
      %swap3A_853 = tpu.vector_load %arg9[%swap3A_851, %swap3A_852] {strides = array<i32>} : memref<4x8192xf32, #tpu.memory_space<vmem>>, vector<16xf32>,
      tpu.vector_store %arg9[%swap3A_851, %swap3A_852], %sub3A_847 {strides = array<i32>} : memref<4x8192xf32, #tpu.memory_space<vmem>>, vector<16xf32>,
      %gather3A_854 = tpu.vector_load_idx %arg13[%get3A_823] : memref<2048xf32, #tpu.memory_space<vmem>>[vector<16xi32>], vector<16xf32>,
      %gather3A_855 = tpu.vector_load_idx %arg17[%get3A_826] : memref<8192xf32, #tpu.memory_space<vmem>>[vector<16xi32>], vector<16xf32>,
      %sub3A_856 = arith.subf %gather3A_854, %gather3A_855 : vector<16xf32>
      %add3A_857 = arith.constant 48 : i32
      %add3A_858 = arith.addi %mul3A_696, %add3A_857 : i32
      %swap3A_859 = arith.constant 3 : i32
      %swap3A_860 = arith.index_cast %swap3A_859 : i32 to index
      %swap3A_861 = arith.index_cast %add3A_858 : i32 to index
      %swap3A_862 = tpu.vector_load %arg9[%swap3A_860, %swap3A_861] {strides = array<i32>} : memref<4x8192xf32, #tpu.memory_space<vmem>>, vector<16xf32>,
      tpu.vector_store %arg9[%swap3A_860, %swap3A_861], %sub3A_856 {strides = array<i32>} : memref<4x8192xf32, #tpu.memory_space<vmem>>, vector<16xf32>,
      %get3A_863 = arith.index_cast %scan3A_693 : i32 to index
      %get3A_864 = arith.constant 64 : index
      %get3A_865 = tpu.vector_load %arg7[%get3A_863, %get3A_864] {strides = array<i32>} : memref<64x128xi32, #tpu.memory_space<vmem>>, vector<16xi32>,
      %get3A_866 = arith.index_cast %scan3A_693 : i32 to index
      %get3A_867 = arith.constant 64 : index
      %get3A_868 = tpu.vector_load %arg8[%get3A_866, %get3A_867] {strides = array<i32>} : memref<64x128xi32, #tpu.memory_space<vmem>>, vector<16xi32>,
      %gather3A_869 = tpu.vector_load_idx %arg10[%get3A_865] : memref<2048xf32, #tpu.memory_space<vmem>>[vector<16xi32>], vector<16xf32>,
      %gather3A_870 = tpu.vector_load_idx %arg14[%get3A_868] : memref<8192xf32, #tpu.memory_space<vmem>>[vector<16xi32>], vector<16xf32>,
      %sub3A_871 = arith.subf %gather3A_869, %gather3A_870 : vector<16xf32>
      %add3A_872 = arith.constant 64 : i32
      %add3A_873 = arith.addi %mul3A_696, %add3A_872 : i32
      %swap3A_874 = arith.constant 0 : i32
      %swap3A_875 = arith.index_cast %swap3A_874 : i32 to index
      %swap3A_876 = arith.index_cast %add3A_873 : i32 to index
      %swap3A_877 = tpu.vector_load %arg9[%swap3A_875, %swap3A_876] {strides = array<i32>} : memref<4x8192xf32, #tpu.memory_space<vmem>>, vector<16xf32>,
      tpu.vector_store %arg9[%swap3A_875, %swap3A_876], %sub3A_871 {strides = array<i32>} : memref<4x8192xf32, #tpu.memory_space<vmem>>, vector<16xf32>,
      %gather3A_878 = tpu.vector_load_idx %arg11[%get3A_865] : memref<2048xf32, #tpu.memory_space<vmem>>[vector<16xi32>], vector<16xf32>,
      %gather3A_879 = tpu.vector_load_idx %arg15[%get3A_868] : memref<8192xf32, #tpu.memory_space<vmem>>[vector<16xi32>], vector<16xf32>,
      %sub3A_880 = arith.subf %gather3A_878, %gather3A_879 : vector<16xf32>
      %add3A_881 = arith.constant 64 : i32
      %add3A_882 = arith.addi %mul3A_696, %add3A_881 : i32
      %swap3A_883 = arith.constant 1 : i32
      %swap3A_884 = arith.index_cast %swap3A_883 : i32 to index
      %swap3A_885 = arith.index_cast %add3A_882 : i32 to index
      %swap3A_886 = tpu.vector_load %arg9[%swap3A_884, %swap3A_885] {strides = array<i32>} : memref<4x8192xf32, #tpu.memory_space<vmem>>, vector<16xf32>,
      tpu.vector_store %arg9[%swap3A_884, %swap3A_885], %sub3A_880 {strides = array<i32>} : memref<4x8192xf32, #tpu.memory_space<vmem>>, vector<16xf32>,
      %gather3A_887 = tpu.vector_load_idx %arg12[%get3A_865] : memref<2048xf32, #tpu.memory_space<vmem>>[vector<16xi32>], vector<16xf32>,
      %gather3A_888 = tpu.vector_load_idx %arg16[%get3A_868] : memref<8192xf32, #tpu.memory_space<vmem>>[vector<16xi32>], vector<16xf32>,
      %sub3A_889 = arith.subf %gather3A_887, %gather3A_888 : vector<16xf32>
      %add3A_890 = arith.constant 64 : i32
      %add3A_891 = arith.addi %mul3A_696, %add3A_890 : i32
      %swap3A_892 = arith.constant 2 : i32
      %swap3A_893 = arith.index_cast %swap3A_892 : i32 to index
      %swap3A_894 = arith.index_cast %add3A_891 : i32 to index
      %swap3A_895 = tpu.vector_load %arg9[%swap3A_893, %swap3A_894] {strides = array<i32>} : memref<4x8192xf32, #tpu.memory_space<vmem>>, vector<16xf32>,
      tpu.vector_store %arg9[%swap3A_893, %swap3A_894], %sub3A_889 {strides = array<i32>} : memref<4x8192xf32, #tpu.memory_space<vmem>>, vector<16xf32>,
      %gather3A_896 = tpu.vector_load_idx %arg13[%get3A_865] : memref<2048xf32, #tpu.memory_space<vmem>>[vector<16xi32>], vector<16xf32>,
      %gather3A_897 = tpu.vector_load_idx %arg17[%get3A_868] : memref<8192xf32, #tpu.memory_space<vmem>>[vector<16xi32>], vector<16xf32>,
      %sub3A_898 = arith.subf %gather3A_896, %gather3A_897 : vector<16xf32>
      %add3A_899 = arith.constant 64 : i32
      %add3A_900 = arith.addi %mul3A_696, %add3A_899 : i32
      %swap3A_901 = arith.constant 3 : i32
      %swap3A_902 = arith.index_cast %swap3A_901 : i32 to index
      %swap3A_903 = arith.index_cast %add3A_900 : i32 to index
      %swap3A_904 = tpu.vector_load %arg9[%swap3A_902, %swap3A_903] {strides = array<i32>} : memref<4x8192xf32, #tpu.memory_space<vmem>>, vector<16xf32>,
      tpu.vector_store %arg9[%swap3A_902, %swap3A_903], %sub3A_898 {strides = array<i32>} : memref<4x8192xf32, #tpu.memory_space<vmem>>, vector<16xf32>,
      %get3A_905 = arith.index_cast %scan3A_693 : i32 to index
      %get3A_906 = arith.constant 80 : index
      %get3A_907 = tpu.vector_load %arg7[%get3A_905, %get3A_906] {strides = array<i32>} : memref<64x128xi32, #tpu.memory_space<vmem>>, vector<16xi32>,
      %get3A_908 = arith.index_cast %scan3A_693 : i32 to index
      %get3A_909 = arith.constant 80 : index
      %get3A_910 = tpu.vector_load %arg8[%get3A_908, %get3A_909] {strides = array<i32>} : memref<64x128xi32, #tpu.memory_space<vmem>>, vector<16xi32>,
      %gather3A_911 = tpu.vector_load_idx %arg10[%get3A_907] : memref<2048xf32, #tpu.memory_space<vmem>>[vector<16xi32>], vector<16xf32>,
      %gather3A_912 = tpu.vector_load_idx %arg14[%get3A_910] : memref<8192xf32, #tpu.memory_space<vmem>>[vector<16xi32>], vector<16xf32>,
      %sub3A_913 = arith.subf %gather3A_911, %gather3A_912 : vector<16xf32>
      %add3A_914 = arith.constant 80 : i32
      %add3A_915 = arith.addi %mul3A_696, %add3A_914 : i32
      %swap3A_916 = arith.constant 0 : i32
      %swap3A_917 = arith.index_cast %swap3A_916 : i32 to index
      %swap3A_918 = arith.index_cast %add3A_915 : i32 to index
      %swap3A_919 = tpu.vector_load %arg9[%swap3A_917, %swap3A_918] {strides = array<i32>} : memref<4x8192xf32, #tpu.memory_space<vmem>>, vector<16xf32>,
      tpu.vector_store %arg9[%swap3A_917, %swap3A_918], %sub3A_913 {strides = array<i32>} : memref<4x8192xf32, #tpu.memory_space<vmem>>, vector<16xf32>,
      %gather3A_920 = tpu.vector_load_idx %arg11[%get3A_907] : memref<2048xf32, #tpu.memory_space<vmem>>[vector<16xi32>], vector<16xf32>,
      %gather3A_921 = tpu.vector_load_idx %arg15[%get3A_910] : memref<8192xf32, #tpu.memory_space<vmem>>[vector<16xi32>], vector<16xf32>,
      %sub3A_922 = arith.subf %gather3A_920, %gather3A_921 : vector<16xf32>
      %add3A_923 = arith.constant 80 : i32
      %add3A_924 = arith.addi %mul3A_696, %add3A_923 : i32
      %swap3A_925 = arith.constant 1 : i32
      %swap3A_926 = arith.index_cast %swap3A_925 : i32 to index
      %swap3A_927 = arith.index_cast %add3A_924 : i32 to index
      %swap3A_928 = tpu.vector_load %arg9[%swap3A_926, %swap3A_927] {strides = array<i32>} : memref<4x8192xf32, #tpu.memory_space<vmem>>, vector<16xf32>,
      tpu.vector_store %arg9[%swap3A_926, %swap3A_927], %sub3A_922 {strides = array<i32>} : memref<4x8192xf32, #tpu.memory_space<vmem>>, vector<16xf32>,
      %gather3A_929 = tpu.vector_load_idx %arg12[%get3A_907] : memref<2048xf32, #tpu.memory_space<vmem>>[vector<16xi32>], vector<16xf32>,
      %gather3A_930 = tpu.vector_load_idx %arg16[%get3A_910] : memref<8192xf32, #tpu.memory_space<vmem>>[vector<16xi32>], vector<16xf32>,
      %sub3A_931 = arith.subf %gather3A_929, %gather3A_930 : vector<16xf32>
      %add3A_932 = arith.constant 80 : i32
      %add3A_933 = arith.addi %mul3A_696, %add3A_932 : i32
      %swap3A_934 = arith.constant 2 : i32
      %swap3A_935 = arith.index_cast %swap3A_934 : i32 to index
      %swap3A_936 = arith.index_cast %add3A_933 : i32 to index
      %swap3A_937 = tpu.vector_load %arg9[%swap3A_935, %swap3A_936] {strides = array<i32>} : memref<4x8192xf32, #tpu.memory_space<vmem>>, vector<16xf32>,
      tpu.vector_store %arg9[%swap3A_935, %swap3A_936], %sub3A_931 {strides = array<i32>} : memref<4x8192xf32, #tpu.memory_space<vmem>>, vector<16xf32>,
      %gather3A_938 = tpu.vector_load_idx %arg13[%get3A_907] : memref<2048xf32, #tpu.memory_space<vmem>>[vector<16xi32>], vector<16xf32>,
      %gather3A_939 = tpu.vector_load_idx %arg17[%get3A_910] : memref<8192xf32, #tpu.memory_space<vmem>>[vector<16xi32>], vector<16xf32>,
      %sub3A_940 = arith.subf %gather3A_938, %gather3A_939 : vector<16xf32>
      %add3A_941 = arith.constant 80 : i32
      %add3A_942 = arith.addi %mul3A_696, %add3A_941 : i32
      %swap3A_943 = arith.constant 3 : i32
      %swap3A_944 = arith.index_cast %swap3A_943 : i32 to index
      %swap3A_945 = arith.index_cast %add3A_942 : i32 to index
      %swap3A_946 = tpu.vector_load %arg9[%swap3A_944, %swap3A_945] {strides = array<i32>} : memref<4x8192xf32, #tpu.memory_space<vmem>>, vector<16xf32>,
      tpu.vector_store %arg9[%swap3A_944, %swap3A_945], %sub3A_940 {strides = array<i32>} : memref<4x8192xf32, #tpu.memory_space<vmem>>, vector<16xf32>,
      %get3A_947 = arith.index_cast %scan3A_693 : i32 to index
      %get3A_948 = arith.constant 96 : index
      %get3A_949 = tpu.vector_load %arg7[%get3A_947, %get3A_948] {strides = array<i32>} : memref<64x128xi32, #tpu.memory_space<vmem>>, vector<16xi32>,
      %get3A_950 = arith.index_cast %scan3A_693 : i32 to index
      %get3A_951 = arith.constant 96 : index
      %get3A_952 = tpu.vector_load %arg8[%get3A_950, %get3A_951] {strides = array<i32>} : memref<64x128xi32, #tpu.memory_space<vmem>>, vector<16xi32>,
      %gather3A_953 = tpu.vector_load_idx %arg10[%get3A_949] : memref<2048xf32, #tpu.memory_space<vmem>>[vector<16xi32>], vector<16xf32>,
      %gather3A_954 = tpu.vector_load_idx %arg14[%get3A_952] : memref<8192xf32, #tpu.memory_space<vmem>>[vector<16xi32>], vector<16xf32>,
      %sub3A_955 = arith.subf %gather3A_953, %gather3A_954 : vector<16xf32>
      %add3A_956 = arith.constant 96 : i32
      %add3A_957 = arith.addi %mul3A_696, %add3A_956 : i32
      %swap3A_958 = arith.constant 0 : i32
      %swap3A_959 = arith.index_cast %swap3A_958 : i32 to index
      %swap3A_960 = arith.index_cast %add3A_957 : i32 to index
      %swap3A_961 = tpu.vector_load %arg9[%swap3A_959, %swap3A_960] {strides = array<i32>} : memref<4x8192xf32, #tpu.memory_space<vmem>>, vector<16xf32>,
      tpu.vector_store %arg9[%swap3A_959, %swap3A_960], %sub3A_955 {strides = array<i32>} : memref<4x8192xf32, #tpu.memory_space<vmem>>, vector<16xf32>,
      %gather3A_962 = tpu.vector_load_idx %arg11[%get3A_949] : memref<2048xf32, #tpu.memory_space<vmem>>[vector<16xi32>], vector<16xf32>,
      %gather3A_963 = tpu.vector_load_idx %arg15[%get3A_952] : memref<8192xf32, #tpu.memory_space<vmem>>[vector<16xi32>], vector<16xf32>,
      %sub3A_964 = arith.subf %gather3A_962, %gather3A_963 : vector<16xf32>
      %add3A_965 = arith.constant 96 : i32
      %add3A_966 = arith.addi %mul3A_696, %add3A_965 : i32
      %swap3A_967 = arith.constant 1 : i32
      %swap3A_968 = arith.index_cast %swap3A_967 : i32 to index
      %swap3A_969 = arith.index_cast %add3A_966 : i32 to index
      %swap3A_970 = tpu.vector_load %arg9[%swap3A_968, %swap3A_969] {strides = array<i32>} : memref<4x8192xf32, #tpu.memory_space<vmem>>, vector<16xf32>,
      tpu.vector_store %arg9[%swap3A_968, %swap3A_969], %sub3A_964 {strides = array<i32>} : memref<4x8192xf32, #tpu.memory_space<vmem>>, vector<16xf32>,
      %gather3A_971 = tpu.vector_load_idx %arg12[%get3A_949] : memref<2048xf32, #tpu.memory_space<vmem>>[vector<16xi32>], vector<16xf32>,
      %gather3A_972 = tpu.vector_load_idx %arg16[%get3A_952] : memref<8192xf32, #tpu.memory_space<vmem>>[vector<16xi32>], vector<16xf32>,
      %sub3A_973 = arith.subf %gather3A_971, %gather3A_972 : vector<16xf32>
      %add3A_974 = arith.constant 96 : i32
      %add3A_975 = arith.addi %mul3A_696, %add3A_974 : i32
      %swap3A_976 = arith.constant 2 : i32
      %swap3A_977 = arith.index_cast %swap3A_976 : i32 to index
      %swap3A_978 = arith.index_cast %add3A_975 : i32 to index
      %swap3A_979 = tpu.vector_load %arg9[%swap3A_977, %swap3A_978] {strides = array<i32>} : memref<4x8192xf32, #tpu.memory_space<vmem>>, vector<16xf32>,
      tpu.vector_store %arg9[%swap3A_977, %swap3A_978], %sub3A_973 {strides = array<i32>} : memref<4x8192xf32, #tpu.memory_space<vmem>>, vector<16xf32>,
      %gather3A_980 = tpu.vector_load_idx %arg13[%get3A_949] : memref<2048xf32, #tpu.memory_space<vmem>>[vector<16xi32>], vector<16xf32>,
      %gather3A_981 = tpu.vector_load_idx %arg17[%get3A_952] : memref<8192xf32, #tpu.memory_space<vmem>>[vector<16xi32>], vector<16xf32>,
      %sub3A_982 = arith.subf %gather3A_980, %gather3A_981 : vector<16xf32>
      %add3A_983 = arith.constant 96 : i32
      %add3A_984 = arith.addi %mul3A_696, %add3A_983 : i32
      %swap3A_985 = arith.constant 3 : i32
      %swap3A_986 = arith.index_cast %swap3A_985 : i32 to index
      %swap3A_987 = arith.index_cast %add3A_984 : i32 to index
      %swap3A_988 = tpu.vector_load %arg9[%swap3A_986, %swap3A_987] {strides = array<i32>} : memref<4x8192xf32, #tpu.memory_space<vmem>>, vector<16xf32>,
      tpu.vector_store %arg9[%swap3A_986, %swap3A_987], %sub3A_982 {strides = array<i32>} : memref<4x8192xf32, #tpu.memory_space<vmem>>, vector<16xf32>,
      %get3A_989 = arith.index_cast %scan3A_693 : i32 to index
      %get3A_990 = arith.constant 112 : index
      %get3A_991 = tpu.vector_load %arg7[%get3A_989, %get3A_990] {strides = array<i32>} : memref<64x128xi32, #tpu.memory_space<vmem>>, vector<16xi32>,
      %get3A_992 = arith.index_cast %scan3A_693 : i32 to index
      %get3A_993 = arith.constant 112 : index
      %get3A_994 = tpu.vector_load %arg8[%get3A_992, %get3A_993] {strides = array<i32>} : memref<64x128xi32, #tpu.memory_space<vmem>>, vector<16xi32>,
      %gather3A_995 = tpu.vector_load_idx %arg10[%get3A_991] : memref<2048xf32, #tpu.memory_space<vmem>>[vector<16xi32>], vector<16xf32>,
      %gather3A_996 = tpu.vector_load_idx %arg14[%get3A_994] : memref<8192xf32, #tpu.memory_space<vmem>>[vector<16xi32>], vector<16xf32>,
      %sub3A_997 = arith.subf %gather3A_995, %gather3A_996 : vector<16xf32>
      %add3A_998 = arith.constant 112 : i32
      %add3A_999 = arith.addi %mul3A_696, %add3A_998 : i32
      %swap3A_1000 = arith.constant 0 : i32
      %swap3A_1001 = arith.index_cast %swap3A_1000 : i32 to index
      %swap3A_1002 = arith.index_cast %add3A_999 : i32 to index
      %swap3A_1003 = tpu.vector_load %arg9[%swap3A_1001, %swap3A_1002] {strides = array<i32>} : memref<4x8192xf32, #tpu.memory_space<vmem>>, vector<16xf32>,
      tpu.vector_store %arg9[%swap3A_1001, %swap3A_1002], %sub3A_997 {strides = array<i32>} : memref<4x8192xf32, #tpu.memory_space<vmem>>, vector<16xf32>,
      %gather3A_1004 = tpu.vector_load_idx %arg11[%get3A_991] : memref<2048xf32, #tpu.memory_space<vmem>>[vector<16xi32>], vector<16xf32>,
      %gather3A_1005 = tpu.vector_load_idx %arg15[%get3A_994] : memref<8192xf32, #tpu.memory_space<vmem>>[vector<16xi32>], vector<16xf32>,
      %sub3A_1006 = arith.subf %gather3A_1004, %gather3A_1005 : vector<16xf32>
      %add3A_1007 = arith.constant 112 : i32
      %add3A_1008 = arith.addi %mul3A_696, %add3A_1007 : i32
      %swap3A_1009 = arith.constant 1 : i32
      %swap3A_1010 = arith.index_cast %swap3A_1009 : i32 to index
      %swap3A_1011 = arith.index_cast %add3A_1008 : i32 to index
      %swap3A_1012 = tpu.vector_load %arg9[%swap3A_1010, %swap3A_1011] {strides = array<i32>} : memref<4x8192xf32, #tpu.memory_space<vmem>>, vector<16xf32>,
      tpu.vector_store %arg9[%swap3A_1010, %swap3A_1011], %sub3A_1006 {strides = array<i32>} : memref<4x8192xf32, #tpu.memory_space<vmem>>, vector<16xf32>,
      %gather3A_1013 = tpu.vector_load_idx %arg12[%get3A_991] : memref<2048xf32, #tpu.memory_space<vmem>>[vector<16xi32>], vector<16xf32>,
      %gather3A_1014 = tpu.vector_load_idx %arg16[%get3A_994] : memref<8192xf32, #tpu.memory_space<vmem>>[vector<16xi32>], vector<16xf32>,
      %sub3A_1015 = arith.subf %gather3A_1013, %gather3A_1014 : vector<16xf32>
      %add3A_1016 = arith.constant 112 : i32
      %add3A_1017 = arith.addi %mul3A_696, %add3A_1016 : i32
      %swap3A_1018 = arith.constant 2 : i32
      %swap3A_1019 = arith.index_cast %swap3A_1018 : i32 to index
      %swap3A_1020 = arith.index_cast %add3A_1017 : i32 to index
      %swap3A_1021 = tpu.vector_load %arg9[%swap3A_1019, %swap3A_1020] {strides = array<i32>} : memref<4x8192xf32, #tpu.memory_space<vmem>>, vector<16xf32>,
      tpu.vector_store %arg9[%swap3A_1019, %swap3A_1020], %sub3A_1015 {strides = array<i32>} : memref<4x8192xf32, #tpu.memory_space<vmem>>, vector<16xf32>,
      %gather3A_1022 = tpu.vector_load_idx %arg13[%get3A_991] : memref<2048xf32, #tpu.memory_space<vmem>>[vector<16xi32>], vector<16xf32>,
      %gather3A_1023 = tpu.vector_load_idx %arg17[%get3A_994] : memref<8192xf32, #tpu.memory_space<vmem>>[vector<16xi32>], vector<16xf32>,
      %sub3A_1024 = arith.subf %gather3A_1022, %gather3A_1023 : vector<16xf32>
      %add3A_1025 = arith.constant 112 : i32
      %add3A_1026 = arith.addi %mul3A_696, %add3A_1025 : i32
      %swap3A_1027 = arith.constant 3 : i32
      %swap3A_1028 = arith.index_cast %swap3A_1027 : i32 to index
      %swap3A_1029 = arith.index_cast %add3A_1026 : i32 to index
      %swap3A_1030 = tpu.vector_load %arg9[%swap3A_1028, %swap3A_1029] {strides = array<i32>} : memref<4x8192xf32, #tpu.memory_space<vmem>>, vector<16xf32>,
      tpu.vector_store %arg9[%swap3A_1028, %swap3A_1029], %sub3A_1024 {strides = array<i32>} : memref<4x8192xf32, #tpu.memory_space<vmem>>, vector<16xf32>,
      %scan3A_1031 = arith.constant 0 : i32
      scf.yield %scan3A_1031 : i32
    }
    %scan3A_692 = arith.constant 64 : i32
    "tpu.region"() ({
      %run_scoped3A = tpu.sem_alloc : memref<!tpu.dma_semaphore, #tpu.memory_space<semaphore_mem>>
      %dma_start3A_693 = arith.constant 0 : i32
      %dma_start3A_694 = tpu.memref_slice %arg6[%mul3A_2, %dma_start3A_693] : memref<128x8192xf32, #tpu.memory_space<hbm>> -> memref<4x8192xf32, #tpu.memory_space<hbm>>
      %dma_start3A_695 = arith.constant 0 : i32
      %dma_start3A_696 = tpu.memref_slice %arg6[%mul3A_2, %dma_start3A_695] : memref<128x8192xf32, #tpu.memory_space<hbm>> -> memref<4x8192xf32, #tpu.memory_space<hbm>>
      tpu.enqueue_dma source(%arg9 : memref<4x8192xf32, #tpu.memory_space<vmem>>) target(%dma_start3A_696 : memref<4x8192xf32, #tpu.memory_space<hbm>>) target_semaphore(%run_scoped3A : memref<!tpu.dma_semaphore, #tpu.memory_space<semaphore_mem>>)
      %dma_wait3A_697 = arith.constant 0 : i32
      %dma_wait3A_698 = tpu.memref_slice %arg6[%mul3A_2, %dma_wait3A_697] : memref<128x8192xf32, #tpu.memory_space<hbm>> -> memref<4x8192xf32, #tpu.memory_space<hbm>>
      %dma_wait3A_699 = arith.constant 0 : i32
      %dma_wait3A_700 = tpu.memref_slice %arg6[%mul3A_2, %dma_wait3A_699] : memref<128x8192xf32, #tpu.memory_space<hbm>> -> memref<4x8192xf32, #tpu.memory_space<hbm>>
      tpu.wait_dma2 semaphore(%run_scoped3A : memref<!tpu.dma_semaphore, #tpu.memory_space<semaphore_mem>>) src(%arg9 : memref<4x8192xf32, #tpu.memory_space<vmem>>) dst(%dma_wait3A_700 : memref<4x8192xf32, #tpu.memory_space<hbm>>)
      tpu.yield
    }) : () -> ()
    return
  }
}

#map = affine_map<(d0, d1) -> (0, 0)>
#map1 = affine_map<(d0, d1) -> (0)>
module attributes {stable_mosaic.version = 14 : i64} {
  func.func @_elect(%arg0: i32, %arg1: i32, %arg2: memref<64x128xi32, #tpu.memory_space<hbm>>, %arg3: memref<64x128xi32, #tpu.memory_space<hbm>>, %arg4: memref<4194304xi32, #tpu.memory_space<hbm>>, %arg5: memref<2x128xi32, #tpu.memory_space<vmem>>, %arg6: memref<2x128xi32, #tpu.memory_space<vmem>>, %arg7: memref<2x128xi32, #tpu.memory_space<vmem>>, %arg8: memref<2x128xi32, #tpu.memory_space<vmem>>, %arg9: memref<!tpu.dma_semaphore, #tpu.memory_space<semaphore_mem>>) attributes {dimension_semantics = [#tpu.dimension_semantics<core_parallel>, #tpu.dimension_semantics<subcore_parallel>], iteration_bounds = array<i64: 2, 16>, scalar_prefetch = 0 : i64, scratch_operands = 5 : i64, tpu.core_type = #tpu.core_type<sc_vector_subcore>, window_params = [{transform_indices = #map}, {transform_indices = #map}, {transform_indices = #map1}]} {
    %mul3A = arith.constant 16 : i32
    %mul3A_0 = arith.muli %arg0, %mul3A : i32
    %add3A = arith.addi %mul3A_0, %arg1 : i32
    %mul3A_1 = arith.constant 2 : i32
    %mul3A_2 = arith.muli %add3A, %mul3A_1 : i32
    "tpu.region"() ({
      %run_scoped3A = tpu.sem_alloc : memref<!tpu.dma_semaphore, #tpu.memory_space<semaphore_mem>>
      %dma_start3A_457 = arith.constant 0 : i32
      %dma_start3A_458 = tpu.memref_slice %arg2[%mul3A_2, %dma_start3A_457] : memref<64x128xi32, #tpu.memory_space<hbm>> -> memref<2x128xi32, #tpu.memory_space<hbm>>
      %dma_start3A_459 = arith.constant 0 : i32
      %dma_start3A_460 = tpu.memref_slice %arg2[%mul3A_2, %dma_start3A_459] : memref<64x128xi32, #tpu.memory_space<hbm>> -> memref<2x128xi32, #tpu.memory_space<hbm>>
      tpu.enqueue_dma source(%dma_start3A_460 : memref<2x128xi32, #tpu.memory_space<hbm>>) target(%arg5 : memref<2x128xi32, #tpu.memory_space<vmem>>) target_semaphore(%run_scoped3A : memref<!tpu.dma_semaphore, #tpu.memory_space<semaphore_mem>>)
      %dma_wait3A_461 = arith.constant 0 : i32
      %dma_wait3A_462 = tpu.memref_slice %arg2[%mul3A_2, %dma_wait3A_461] : memref<64x128xi32, #tpu.memory_space<hbm>> -> memref<2x128xi32, #tpu.memory_space<hbm>>
      %dma_wait3A_463 = arith.constant 0 : i32
      %dma_wait3A_464 = tpu.memref_slice %arg2[%mul3A_2, %dma_wait3A_463] : memref<64x128xi32, #tpu.memory_space<hbm>> -> memref<2x128xi32, #tpu.memory_space<hbm>>
      tpu.wait_dma2 semaphore(%run_scoped3A : memref<!tpu.dma_semaphore, #tpu.memory_space<semaphore_mem>>) src(%dma_wait3A_464 : memref<2x128xi32, #tpu.memory_space<hbm>>) dst(%arg5 : memref<2x128xi32, #tpu.memory_space<vmem>>)
      tpu.yield
    }) : () -> ()
    "tpu.region"() ({
      %run_scoped3A = tpu.sem_alloc : memref<!tpu.dma_semaphore, #tpu.memory_space<semaphore_mem>>
      %dma_start3A_457 = arith.constant 0 : i32
      %dma_start3A_458 = tpu.memref_slice %arg3[%mul3A_2, %dma_start3A_457] : memref<64x128xi32, #tpu.memory_space<hbm>> -> memref<2x128xi32, #tpu.memory_space<hbm>>
      %dma_start3A_459 = arith.constant 0 : i32
      %dma_start3A_460 = tpu.memref_slice %arg3[%mul3A_2, %dma_start3A_459] : memref<64x128xi32, #tpu.memory_space<hbm>> -> memref<2x128xi32, #tpu.memory_space<hbm>>
      tpu.enqueue_dma source(%dma_start3A_460 : memref<2x128xi32, #tpu.memory_space<hbm>>) target(%arg6 : memref<2x128xi32, #tpu.memory_space<vmem>>) target_semaphore(%run_scoped3A : memref<!tpu.dma_semaphore, #tpu.memory_space<semaphore_mem>>)
      %dma_wait3A_461 = arith.constant 0 : i32
      %dma_wait3A_462 = tpu.memref_slice %arg3[%mul3A_2, %dma_wait3A_461] : memref<64x128xi32, #tpu.memory_space<hbm>> -> memref<2x128xi32, #tpu.memory_space<hbm>>
      %dma_wait3A_463 = arith.constant 0 : i32
      %dma_wait3A_464 = tpu.memref_slice %arg3[%mul3A_2, %dma_wait3A_463] : memref<64x128xi32, #tpu.memory_space<hbm>> -> memref<2x128xi32, #tpu.memory_space<hbm>>
      tpu.wait_dma2 semaphore(%run_scoped3A : memref<!tpu.dma_semaphore, #tpu.memory_space<semaphore_mem>>) src(%dma_wait3A_464 : memref<2x128xi32, #tpu.memory_space<hbm>>) dst(%arg6 : memref<2x128xi32, #tpu.memory_space<vmem>>)
      tpu.yield
    }) : () -> ()
    %iota3A = tpu.iota {dimensions = array<i32: 0>} : vector<16xi32>
    %mul3A_3 = arith.constant 128 : i32
    %mul3A_4 = arith.muli %mul3A_2, %mul3A_3 : i32
    %get3A = arith.constant 0 : i32
    %get3A_5 = arith.index_cast %get3A : i32 to index
    %get3A_6 = arith.constant 0 : index
    %get3A_7 = tpu.vector_load %arg5[%get3A_5, %get3A_6] {strides = array<i32>} : memref<2x128xi32, #tpu.memory_space<vmem>>, vector<16xi32>,
    %get3A_8 = arith.constant 0 : i32
    %get3A_9 = arith.index_cast %get3A_8 : i32 to index
    %get3A_10 = arith.constant 0 : index
    %get3A_11 = tpu.vector_load %arg6[%get3A_9, %get3A_10] {strides = array<i32>} : memref<2x128xi32, #tpu.memory_space<vmem>>, vector<16xi32>,
    %mul3A_12 = arith.constant 2048 : i32
    %mul3A_13 = vector.broadcast %mul3A_12 : i32 to vector<16xi32>
    %mul3A_14 = arith.muli %get3A_11, %mul3A_13 : vector<16xi32>
    %add3A_15 = arith.addi %mul3A_14, %get3A_7 : vector<16xi32>
    %swap3A = arith.constant 0 : i32
    %swap3A_16 = arith.index_cast %swap3A : i32 to index
    %swap3A_17 = arith.constant 0 : index
    %swap3A_18 = tpu.vector_load %arg7[%swap3A_16, %swap3A_17] {strides = array<i32>} : memref<2x128xi32, #tpu.memory_space<vmem>>, vector<16xi32>,
    tpu.vector_store %arg7[%swap3A_16, %swap3A_17], %add3A_15 {strides = array<i32>} : memref<2x128xi32, #tpu.memory_space<vmem>>, vector<16xi32>,
    %add3A_19 = arith.constant 0 : i32
    %add3A_20 = arith.addi %mul3A_4, %add3A_19 : i32
    %add3A_21 = arith.constant 0 : i32
    %add3A_22 = arith.addi %add3A_20, %add3A_21 : i32
    %add3A_23 = vector.broadcast %add3A_22 : i32 to vector<16xi32>
    %add3A_24 = arith.addi %add3A_23, %iota3A : vector<16xi32>
    %swap3A_25 = arith.constant 0 : i32
    %swap3A_26 = arith.index_cast %swap3A_25 : i32 to index
    %swap3A_27 = arith.constant 0 : index
    %swap3A_28 = tpu.vector_load %arg8[%swap3A_26, %swap3A_27] {strides = array<i32>} : memref<2x128xi32, #tpu.memory_space<vmem>>, vector<16xi32>,
    tpu.vector_store %arg8[%swap3A_26, %swap3A_27], %add3A_24 {strides = array<i32>} : memref<2x128xi32, #tpu.memory_space<vmem>>, vector<16xi32>,
    %get3A_29 = arith.constant 0 : i32
    %get3A_30 = arith.index_cast %get3A_29 : i32 to index
    %get3A_31 = arith.constant 16 : index
    %get3A_32 = tpu.vector_load %arg5[%get3A_30, %get3A_31] {strides = array<i32>} : memref<2x128xi32, #tpu.memory_space<vmem>>, vector<16xi32>,
    %get3A_33 = arith.constant 0 : i32
    %get3A_34 = arith.index_cast %get3A_33 : i32 to index
    %get3A_35 = arith.constant 16 : index
    %get3A_36 = tpu.vector_load %arg6[%get3A_34, %get3A_35] {strides = array<i32>} : memref<2x128xi32, #tpu.memory_space<vmem>>, vector<16xi32>,
    %mul3A_37 = arith.constant 2048 : i32
    %mul3A_38 = vector.broadcast %mul3A_37 : i32 to vector<16xi32>
    %mul3A_39 = arith.muli %get3A_36, %mul3A_38 : vector<16xi32>
    %add3A_40 = arith.addi %mul3A_39, %get3A_32 : vector<16xi32>
    %swap3A_41 = arith.constant 0 : i32
    %swap3A_42 = arith.index_cast %swap3A_41 : i32 to index
    %swap3A_43 = arith.constant 16 : index
    %swap3A_44 = tpu.vector_load %arg7[%swap3A_42, %swap3A_43] {strides = array<i32>} : memref<2x128xi32, #tpu.memory_space<vmem>>, vector<16xi32>,
    tpu.vector_store %arg7[%swap3A_42, %swap3A_43], %add3A_40 {strides = array<i32>} : memref<2x128xi32, #tpu.memory_space<vmem>>, vector<16xi32>,
    %add3A_45 = arith.constant 0 : i32
    %add3A_46 = arith.addi %mul3A_4, %add3A_45 : i32
    %add3A_47 = arith.constant 16 : i32
    %add3A_48 = arith.addi %add3A_46, %add3A_47 : i32
    %add3A_49 = vector.broadcast %add3A_48 : i32 to vector<16xi32>
    %add3A_50 = arith.addi %add3A_49, %iota3A : vector<16xi32>
    %swap3A_51 = arith.constant 0 : i32
    %swap3A_52 = arith.index_cast %swap3A_51 : i32 to index
    %swap3A_53 = arith.constant 16 : index
    %swap3A_54 = tpu.vector_load %arg8[%swap3A_52, %swap3A_53] {strides = array<i32>} : memref<2x128xi32, #tpu.memory_space<vmem>>, vector<16xi32>,
    tpu.vector_store %arg8[%swap3A_52, %swap3A_53], %add3A_50 {strides = array<i32>} : memref<2x128xi32, #tpu.memory_space<vmem>>, vector<16xi32>,
    %get3A_55 = arith.constant 0 : i32
    %get3A_56 = arith.index_cast %get3A_55 : i32 to index
    %get3A_57 = arith.constant 32 : index
    %get3A_58 = tpu.vector_load %arg5[%get3A_56, %get3A_57] {strides = array<i32>} : memref<2x128xi32, #tpu.memory_space<vmem>>, vector<16xi32>,
    %get3A_59 = arith.constant 0 : i32
    %get3A_60 = arith.index_cast %get3A_59 : i32 to index
    %get3A_61 = arith.constant 32 : index
    %get3A_62 = tpu.vector_load %arg6[%get3A_60, %get3A_61] {strides = array<i32>} : memref<2x128xi32, #tpu.memory_space<vmem>>, vector<16xi32>,
    %mul3A_63 = arith.constant 2048 : i32
    %mul3A_64 = vector.broadcast %mul3A_63 : i32 to vector<16xi32>
    %mul3A_65 = arith.muli %get3A_62, %mul3A_64 : vector<16xi32>
    %add3A_66 = arith.addi %mul3A_65, %get3A_58 : vector<16xi32>
    %swap3A_67 = arith.constant 0 : i32
    %swap3A_68 = arith.index_cast %swap3A_67 : i32 to index
    %swap3A_69 = arith.constant 32 : index
    %swap3A_70 = tpu.vector_load %arg7[%swap3A_68, %swap3A_69] {strides = array<i32>} : memref<2x128xi32, #tpu.memory_space<vmem>>, vector<16xi32>,
    tpu.vector_store %arg7[%swap3A_68, %swap3A_69], %add3A_66 {strides = array<i32>} : memref<2x128xi32, #tpu.memory_space<vmem>>, vector<16xi32>,
    %add3A_71 = arith.constant 0 : i32
    %add3A_72 = arith.addi %mul3A_4, %add3A_71 : i32
    %add3A_73 = arith.constant 32 : i32
    %add3A_74 = arith.addi %add3A_72, %add3A_73 : i32
    %add3A_75 = vector.broadcast %add3A_74 : i32 to vector<16xi32>
    %add3A_76 = arith.addi %add3A_75, %iota3A : vector<16xi32>
    %swap3A_77 = arith.constant 0 : i32
    %swap3A_78 = arith.index_cast %swap3A_77 : i32 to index
    %swap3A_79 = arith.constant 32 : index
    %swap3A_80 = tpu.vector_load %arg8[%swap3A_78, %swap3A_79] {strides = array<i32>} : memref<2x128xi32, #tpu.memory_space<vmem>>, vector<16xi32>,
    tpu.vector_store %arg8[%swap3A_78, %swap3A_79], %add3A_76 {strides = array<i32>} : memref<2x128xi32, #tpu.memory_space<vmem>>, vector<16xi32>,
    %get3A_81 = arith.constant 0 : i32
    %get3A_82 = arith.index_cast %get3A_81 : i32 to index
    %get3A_83 = arith.constant 48 : index
    %get3A_84 = tpu.vector_load %arg5[%get3A_82, %get3A_83] {strides = array<i32>} : memref<2x128xi32, #tpu.memory_space<vmem>>, vector<16xi32>,
    %get3A_85 = arith.constant 0 : i32
    %get3A_86 = arith.index_cast %get3A_85 : i32 to index
    %get3A_87 = arith.constant 48 : index
    %get3A_88 = tpu.vector_load %arg6[%get3A_86, %get3A_87] {strides = array<i32>} : memref<2x128xi32, #tpu.memory_space<vmem>>, vector<16xi32>,
    %mul3A_89 = arith.constant 2048 : i32
    %mul3A_90 = vector.broadcast %mul3A_89 : i32 to vector<16xi32>
    %mul3A_91 = arith.muli %get3A_88, %mul3A_90 : vector<16xi32>
    %add3A_92 = arith.addi %mul3A_91, %get3A_84 : vector<16xi32>
    %swap3A_93 = arith.constant 0 : i32
    %swap3A_94 = arith.index_cast %swap3A_93 : i32 to index
    %swap3A_95 = arith.constant 48 : index
    %swap3A_96 = tpu.vector_load %arg7[%swap3A_94, %swap3A_95] {strides = array<i32>} : memref<2x128xi32, #tpu.memory_space<vmem>>, vector<16xi32>,
    tpu.vector_store %arg7[%swap3A_94, %swap3A_95], %add3A_92 {strides = array<i32>} : memref<2x128xi32, #tpu.memory_space<vmem>>, vector<16xi32>,
    %add3A_97 = arith.constant 0 : i32
    %add3A_98 = arith.addi %mul3A_4, %add3A_97 : i32
    %add3A_99 = arith.constant 48 : i32
    %add3A_100 = arith.addi %add3A_98, %add3A_99 : i32
    %add3A_101 = vector.broadcast %add3A_100 : i32 to vector<16xi32>
    %add3A_102 = arith.addi %add3A_101, %iota3A : vector<16xi32>
    %swap3A_103 = arith.constant 0 : i32
    %swap3A_104 = arith.index_cast %swap3A_103 : i32 to index
    %swap3A_105 = arith.constant 48 : index
    %swap3A_106 = tpu.vector_load %arg8[%swap3A_104, %swap3A_105] {strides = array<i32>} : memref<2x128xi32, #tpu.memory_space<vmem>>, vector<16xi32>,
    tpu.vector_store %arg8[%swap3A_104, %swap3A_105], %add3A_102 {strides = array<i32>} : memref<2x128xi32, #tpu.memory_space<vmem>>, vector<16xi32>,
    %get3A_107 = arith.constant 0 : i32
    %get3A_108 = arith.index_cast %get3A_107 : i32 to index
    %get3A_109 = arith.constant 64 : index
    %get3A_110 = tpu.vector_load %arg5[%get3A_108, %get3A_109] {strides = array<i32>} : memref<2x128xi32, #tpu.memory_space<vmem>>, vector<16xi32>,
    %get3A_111 = arith.constant 0 : i32
    %get3A_112 = arith.index_cast %get3A_111 : i32 to index
    %get3A_113 = arith.constant 64 : index
    %get3A_114 = tpu.vector_load %arg6[%get3A_112, %get3A_113] {strides = array<i32>} : memref<2x128xi32, #tpu.memory_space<vmem>>, vector<16xi32>,
    %mul3A_115 = arith.constant 2048 : i32
    %mul3A_116 = vector.broadcast %mul3A_115 : i32 to vector<16xi32>
    %mul3A_117 = arith.muli %get3A_114, %mul3A_116 : vector<16xi32>
    %add3A_118 = arith.addi %mul3A_117, %get3A_110 : vector<16xi32>
    %swap3A_119 = arith.constant 0 : i32
    %swap3A_120 = arith.index_cast %swap3A_119 : i32 to index
    %swap3A_121 = arith.constant 64 : index
    %swap3A_122 = tpu.vector_load %arg7[%swap3A_120, %swap3A_121] {strides = array<i32>} : memref<2x128xi32, #tpu.memory_space<vmem>>, vector<16xi32>,
    tpu.vector_store %arg7[%swap3A_120, %swap3A_121], %add3A_118 {strides = array<i32>} : memref<2x128xi32, #tpu.memory_space<vmem>>, vector<16xi32>,
    %add3A_123 = arith.constant 0 : i32
    %add3A_124 = arith.addi %mul3A_4, %add3A_123 : i32
    %add3A_125 = arith.constant 64 : i32
    %add3A_126 = arith.addi %add3A_124, %add3A_125 : i32
    %add3A_127 = vector.broadcast %add3A_126 : i32 to vector<16xi32>
    %add3A_128 = arith.addi %add3A_127, %iota3A : vector<16xi32>
    %swap3A_129 = arith.constant 0 : i32
    %swap3A_130 = arith.index_cast %swap3A_129 : i32 to index
    %swap3A_131 = arith.constant 64 : index
    %swap3A_132 = tpu.vector_load %arg8[%swap3A_130, %swap3A_131] {strides = array<i32>} : memref<2x128xi32, #tpu.memory_space<vmem>>, vector<16xi32>,
    tpu.vector_store %arg8[%swap3A_130, %swap3A_131], %add3A_128 {strides = array<i32>} : memref<2x128xi32, #tpu.memory_space<vmem>>, vector<16xi32>,
    %get3A_133 = arith.constant 0 : i32
    %get3A_134 = arith.index_cast %get3A_133 : i32 to index
    %get3A_135 = arith.constant 80 : index
    %get3A_136 = tpu.vector_load %arg5[%get3A_134, %get3A_135] {strides = array<i32>} : memref<2x128xi32, #tpu.memory_space<vmem>>, vector<16xi32>,
    %get3A_137 = arith.constant 0 : i32
    %get3A_138 = arith.index_cast %get3A_137 : i32 to index
    %get3A_139 = arith.constant 80 : index
    %get3A_140 = tpu.vector_load %arg6[%get3A_138, %get3A_139] {strides = array<i32>} : memref<2x128xi32, #tpu.memory_space<vmem>>, vector<16xi32>,
    %mul3A_141 = arith.constant 2048 : i32
    %mul3A_142 = vector.broadcast %mul3A_141 : i32 to vector<16xi32>
    %mul3A_143 = arith.muli %get3A_140, %mul3A_142 : vector<16xi32>
    %add3A_144 = arith.addi %mul3A_143, %get3A_136 : vector<16xi32>
    %swap3A_145 = arith.constant 0 : i32
    %swap3A_146 = arith.index_cast %swap3A_145 : i32 to index
    %swap3A_147 = arith.constant 80 : index
    %swap3A_148 = tpu.vector_load %arg7[%swap3A_146, %swap3A_147] {strides = array<i32>} : memref<2x128xi32, #tpu.memory_space<vmem>>, vector<16xi32>,
    tpu.vector_store %arg7[%swap3A_146, %swap3A_147], %add3A_144 {strides = array<i32>} : memref<2x128xi32, #tpu.memory_space<vmem>>, vector<16xi32>,
    %add3A_149 = arith.constant 0 : i32
    %add3A_150 = arith.addi %mul3A_4, %add3A_149 : i32
    %add3A_151 = arith.constant 80 : i32
    %add3A_152 = arith.addi %add3A_150, %add3A_151 : i32
    %add3A_153 = vector.broadcast %add3A_152 : i32 to vector<16xi32>
    %add3A_154 = arith.addi %add3A_153, %iota3A : vector<16xi32>
    %swap3A_155 = arith.constant 0 : i32
    %swap3A_156 = arith.index_cast %swap3A_155 : i32 to index
    %swap3A_157 = arith.constant 80 : index
    %swap3A_158 = tpu.vector_load %arg8[%swap3A_156, %swap3A_157] {strides = array<i32>} : memref<2x128xi32, #tpu.memory_space<vmem>>, vector<16xi32>,
    tpu.vector_store %arg8[%swap3A_156, %swap3A_157], %add3A_154 {strides = array<i32>} : memref<2x128xi32, #tpu.memory_space<vmem>>, vector<16xi32>,
    %get3A_159 = arith.constant 0 : i32
    %get3A_160 = arith.index_cast %get3A_159 : i32 to index
    %get3A_161 = arith.constant 96 : index
    %get3A_162 = tpu.vector_load %arg5[%get3A_160, %get3A_161] {strides = array<i32>} : memref<2x128xi32, #tpu.memory_space<vmem>>, vector<16xi32>,
    %get3A_163 = arith.constant 0 : i32
    %get3A_164 = arith.index_cast %get3A_163 : i32 to index
    %get3A_165 = arith.constant 96 : index
    %get3A_166 = tpu.vector_load %arg6[%get3A_164, %get3A_165] {strides = array<i32>} : memref<2x128xi32, #tpu.memory_space<vmem>>, vector<16xi32>,
    %mul3A_167 = arith.constant 2048 : i32
    %mul3A_168 = vector.broadcast %mul3A_167 : i32 to vector<16xi32>
    %mul3A_169 = arith.muli %get3A_166, %mul3A_168 : vector<16xi32>
    %add3A_170 = arith.addi %mul3A_169, %get3A_162 : vector<16xi32>
    %swap3A_171 = arith.constant 0 : i32
    %swap3A_172 = arith.index_cast %swap3A_171 : i32 to index
    %swap3A_173 = arith.constant 96 : index
    %swap3A_174 = tpu.vector_load %arg7[%swap3A_172, %swap3A_173] {strides = array<i32>} : memref<2x128xi32, #tpu.memory_space<vmem>>, vector<16xi32>,
    tpu.vector_store %arg7[%swap3A_172, %swap3A_173], %add3A_170 {strides = array<i32>} : memref<2x128xi32, #tpu.memory_space<vmem>>, vector<16xi32>,
    %add3A_175 = arith.constant 0 : i32
    %add3A_176 = arith.addi %mul3A_4, %add3A_175 : i32
    %add3A_177 = arith.constant 96 : i32
    %add3A_178 = arith.addi %add3A_176, %add3A_177 : i32
    %add3A_179 = vector.broadcast %add3A_178 : i32 to vector<16xi32>
    %add3A_180 = arith.addi %add3A_179, %iota3A : vector<16xi32>
    %swap3A_181 = arith.constant 0 : i32
    %swap3A_182 = arith.index_cast %swap3A_181 : i32 to index
    %swap3A_183 = arith.constant 96 : index
    %swap3A_184 = tpu.vector_load %arg8[%swap3A_182, %swap3A_183] {strides = array<i32>} : memref<2x128xi32, #tpu.memory_space<vmem>>, vector<16xi32>,
    tpu.vector_store %arg8[%swap3A_182, %swap3A_183], %add3A_180 {strides = array<i32>} : memref<2x128xi32, #tpu.memory_space<vmem>>, vector<16xi32>,
    %get3A_185 = arith.constant 0 : i32
    %get3A_186 = arith.index_cast %get3A_185 : i32 to index
    %get3A_187 = arith.constant 112 : index
    %get3A_188 = tpu.vector_load %arg5[%get3A_186, %get3A_187] {strides = array<i32>} : memref<2x128xi32, #tpu.memory_space<vmem>>, vector<16xi32>,
    %get3A_189 = arith.constant 0 : i32
    %get3A_190 = arith.index_cast %get3A_189 : i32 to index
    %get3A_191 = arith.constant 112 : index
    %get3A_192 = tpu.vector_load %arg6[%get3A_190, %get3A_191] {strides = array<i32>} : memref<2x128xi32, #tpu.memory_space<vmem>>, vector<16xi32>,
    %mul3A_193 = arith.constant 2048 : i32
    %mul3A_194 = vector.broadcast %mul3A_193 : i32 to vector<16xi32>
    %mul3A_195 = arith.muli %get3A_192, %mul3A_194 : vector<16xi32>
    %add3A_196 = arith.addi %mul3A_195, %get3A_188 : vector<16xi32>
    %swap3A_197 = arith.constant 0 : i32
    %swap3A_198 = arith.index_cast %swap3A_197 : i32 to index
    %swap3A_199 = arith.constant 112 : index
    %swap3A_200 = tpu.vector_load %arg7[%swap3A_198, %swap3A_199] {strides = array<i32>} : memref<2x128xi32, #tpu.memory_space<vmem>>, vector<16xi32>,
    tpu.vector_store %arg7[%swap3A_198, %swap3A_199], %add3A_196 {strides = array<i32>} : memref<2x128xi32, #tpu.memory_space<vmem>>, vector<16xi32>,
    %add3A_201 = arith.constant 0 : i32
    %add3A_202 = arith.addi %mul3A_4, %add3A_201 : i32
    %add3A_203 = arith.constant 112 : i32
    %add3A_204 = arith.addi %add3A_202, %add3A_203 : i32
    %add3A_205 = vector.broadcast %add3A_204 : i32 to vector<16xi32>
    %add3A_206 = arith.addi %add3A_205, %iota3A : vector<16xi32>
    %swap3A_207 = arith.constant 0 : i32
    %swap3A_208 = arith.index_cast %swap3A_207 : i32 to index
    %swap3A_209 = arith.constant 112 : index
    %swap3A_210 = tpu.vector_load %arg8[%swap3A_208, %swap3A_209] {strides = array<i32>} : memref<2x128xi32, #tpu.memory_space<vmem>>, vector<16xi32>,
    tpu.vector_store %arg8[%swap3A_208, %swap3A_209], %add3A_206 {strides = array<i32>} : memref<2x128xi32, #tpu.memory_space<vmem>>, vector<16xi32>,
    %get3A_211 = arith.constant 1 : i32
    %get3A_212 = arith.index_cast %get3A_211 : i32 to index
    %get3A_213 = arith.constant 0 : index
    %get3A_214 = tpu.vector_load %arg5[%get3A_212, %get3A_213] {strides = array<i32>} : memref<2x128xi32, #tpu.memory_space<vmem>>, vector<16xi32>,
    %get3A_215 = arith.constant 1 : i32
    %get3A_216 = arith.index_cast %get3A_215 : i32 to index
    %get3A_217 = arith.constant 0 : index
    %get3A_218 = tpu.vector_load %arg6[%get3A_216, %get3A_217] {strides = array<i32>} : memref<2x128xi32, #tpu.memory_space<vmem>>, vector<16xi32>,
    %mul3A_219 = arith.constant 2048 : i32
    %mul3A_220 = vector.broadcast %mul3A_219 : i32 to vector<16xi32>
    %mul3A_221 = arith.muli %get3A_218, %mul3A_220 : vector<16xi32>
    %add3A_222 = arith.addi %mul3A_221, %get3A_214 : vector<16xi32>
    %swap3A_223 = arith.constant 1 : i32
    %swap3A_224 = arith.index_cast %swap3A_223 : i32 to index
    %swap3A_225 = arith.constant 0 : index
    %swap3A_226 = tpu.vector_load %arg7[%swap3A_224, %swap3A_225] {strides = array<i32>} : memref<2x128xi32, #tpu.memory_space<vmem>>, vector<16xi32>,
    tpu.vector_store %arg7[%swap3A_224, %swap3A_225], %add3A_222 {strides = array<i32>} : memref<2x128xi32, #tpu.memory_space<vmem>>, vector<16xi32>,
    %add3A_227 = arith.constant 128 : i32
    %add3A_228 = arith.addi %mul3A_4, %add3A_227 : i32
    %add3A_229 = arith.constant 0 : i32
    %add3A_230 = arith.addi %add3A_228, %add3A_229 : i32
    %add3A_231 = vector.broadcast %add3A_230 : i32 to vector<16xi32>
    %add3A_232 = arith.addi %add3A_231, %iota3A : vector<16xi32>
    %swap3A_233 = arith.constant 1 : i32
    %swap3A_234 = arith.index_cast %swap3A_233 : i32 to index
    %swap3A_235 = arith.constant 0 : index
    %swap3A_236 = tpu.vector_load %arg8[%swap3A_234, %swap3A_235] {strides = array<i32>} : memref<2x128xi32, #tpu.memory_space<vmem>>, vector<16xi32>,
    tpu.vector_store %arg8[%swap3A_234, %swap3A_235], %add3A_232 {strides = array<i32>} : memref<2x128xi32, #tpu.memory_space<vmem>>, vector<16xi32>,
    %get3A_237 = arith.constant 1 : i32
    %get3A_238 = arith.index_cast %get3A_237 : i32 to index
    %get3A_239 = arith.constant 16 : index
    %get3A_240 = tpu.vector_load %arg5[%get3A_238, %get3A_239] {strides = array<i32>} : memref<2x128xi32, #tpu.memory_space<vmem>>, vector<16xi32>,
    %get3A_241 = arith.constant 1 : i32
    %get3A_242 = arith.index_cast %get3A_241 : i32 to index
    %get3A_243 = arith.constant 16 : index
    %get3A_244 = tpu.vector_load %arg6[%get3A_242, %get3A_243] {strides = array<i32>} : memref<2x128xi32, #tpu.memory_space<vmem>>, vector<16xi32>,
    %mul3A_245 = arith.constant 2048 : i32
    %mul3A_246 = vector.broadcast %mul3A_245 : i32 to vector<16xi32>
    %mul3A_247 = arith.muli %get3A_244, %mul3A_246 : vector<16xi32>
    %add3A_248 = arith.addi %mul3A_247, %get3A_240 : vector<16xi32>
    %swap3A_249 = arith.constant 1 : i32
    %swap3A_250 = arith.index_cast %swap3A_249 : i32 to index
    %swap3A_251 = arith.constant 16 : index
    %swap3A_252 = tpu.vector_load %arg7[%swap3A_250, %swap3A_251] {strides = array<i32>} : memref<2x128xi32, #tpu.memory_space<vmem>>, vector<16xi32>,
    tpu.vector_store %arg7[%swap3A_250, %swap3A_251], %add3A_248 {strides = array<i32>} : memref<2x128xi32, #tpu.memory_space<vmem>>, vector<16xi32>,
    %add3A_253 = arith.constant 128 : i32
    %add3A_254 = arith.addi %mul3A_4, %add3A_253 : i32
    %add3A_255 = arith.constant 16 : i32
    %add3A_256 = arith.addi %add3A_254, %add3A_255 : i32
    %add3A_257 = vector.broadcast %add3A_256 : i32 to vector<16xi32>
    %add3A_258 = arith.addi %add3A_257, %iota3A : vector<16xi32>
    %swap3A_259 = arith.constant 1 : i32
    %swap3A_260 = arith.index_cast %swap3A_259 : i32 to index
    %swap3A_261 = arith.constant 16 : index
    %swap3A_262 = tpu.vector_load %arg8[%swap3A_260, %swap3A_261] {strides = array<i32>} : memref<2x128xi32, #tpu.memory_space<vmem>>, vector<16xi32>,
    tpu.vector_store %arg8[%swap3A_260, %swap3A_261], %add3A_258 {strides = array<i32>} : memref<2x128xi32, #tpu.memory_space<vmem>>, vector<16xi32>,
    %get3A_263 = arith.constant 1 : i32
    %get3A_264 = arith.index_cast %get3A_263 : i32 to index
    %get3A_265 = arith.constant 32 : index
    %get3A_266 = tpu.vector_load %arg5[%get3A_264, %get3A_265] {strides = array<i32>} : memref<2x128xi32, #tpu.memory_space<vmem>>, vector<16xi32>,
    %get3A_267 = arith.constant 1 : i32
    %get3A_268 = arith.index_cast %get3A_267 : i32 to index
    %get3A_269 = arith.constant 32 : index
    %get3A_270 = tpu.vector_load %arg6[%get3A_268, %get3A_269] {strides = array<i32>} : memref<2x128xi32, #tpu.memory_space<vmem>>, vector<16xi32>,
    %mul3A_271 = arith.constant 2048 : i32
    %mul3A_272 = vector.broadcast %mul3A_271 : i32 to vector<16xi32>
    %mul3A_273 = arith.muli %get3A_270, %mul3A_272 : vector<16xi32>
    %add3A_274 = arith.addi %mul3A_273, %get3A_266 : vector<16xi32>
    %swap3A_275 = arith.constant 1 : i32
    %swap3A_276 = arith.index_cast %swap3A_275 : i32 to index
    %swap3A_277 = arith.constant 32 : index
    %swap3A_278 = tpu.vector_load %arg7[%swap3A_276, %swap3A_277] {strides = array<i32>} : memref<2x128xi32, #tpu.memory_space<vmem>>, vector<16xi32>,
    tpu.vector_store %arg7[%swap3A_276, %swap3A_277], %add3A_274 {strides = array<i32>} : memref<2x128xi32, #tpu.memory_space<vmem>>, vector<16xi32>,
    %add3A_279 = arith.constant 128 : i32
    %add3A_280 = arith.addi %mul3A_4, %add3A_279 : i32
    %add3A_281 = arith.constant 32 : i32
    %add3A_282 = arith.addi %add3A_280, %add3A_281 : i32
    %add3A_283 = vector.broadcast %add3A_282 : i32 to vector<16xi32>
    %add3A_284 = arith.addi %add3A_283, %iota3A : vector<16xi32>
    %swap3A_285 = arith.constant 1 : i32
    %swap3A_286 = arith.index_cast %swap3A_285 : i32 to index
    %swap3A_287 = arith.constant 32 : index
    %swap3A_288 = tpu.vector_load %arg8[%swap3A_286, %swap3A_287] {strides = array<i32>} : memref<2x128xi32, #tpu.memory_space<vmem>>, vector<16xi32>,
    tpu.vector_store %arg8[%swap3A_286, %swap3A_287], %add3A_284 {strides = array<i32>} : memref<2x128xi32, #tpu.memory_space<vmem>>, vector<16xi32>,
    %get3A_289 = arith.constant 1 : i32
    %get3A_290 = arith.index_cast %get3A_289 : i32 to index
    %get3A_291 = arith.constant 48 : index
    %get3A_292 = tpu.vector_load %arg5[%get3A_290, %get3A_291] {strides = array<i32>} : memref<2x128xi32, #tpu.memory_space<vmem>>, vector<16xi32>,
    %get3A_293 = arith.constant 1 : i32
    %get3A_294 = arith.index_cast %get3A_293 : i32 to index
    %get3A_295 = arith.constant 48 : index
    %get3A_296 = tpu.vector_load %arg6[%get3A_294, %get3A_295] {strides = array<i32>} : memref<2x128xi32, #tpu.memory_space<vmem>>, vector<16xi32>,
    %mul3A_297 = arith.constant 2048 : i32
    %mul3A_298 = vector.broadcast %mul3A_297 : i32 to vector<16xi32>
    %mul3A_299 = arith.muli %get3A_296, %mul3A_298 : vector<16xi32>
    %add3A_300 = arith.addi %mul3A_299, %get3A_292 : vector<16xi32>
    %swap3A_301 = arith.constant 1 : i32
    %swap3A_302 = arith.index_cast %swap3A_301 : i32 to index
    %swap3A_303 = arith.constant 48 : index
    %swap3A_304 = tpu.vector_load %arg7[%swap3A_302, %swap3A_303] {strides = array<i32>} : memref<2x128xi32, #tpu.memory_space<vmem>>, vector<16xi32>,
    tpu.vector_store %arg7[%swap3A_302, %swap3A_303], %add3A_300 {strides = array<i32>} : memref<2x128xi32, #tpu.memory_space<vmem>>, vector<16xi32>,
    %add3A_305 = arith.constant 128 : i32
    %add3A_306 = arith.addi %mul3A_4, %add3A_305 : i32
    %add3A_307 = arith.constant 48 : i32
    %add3A_308 = arith.addi %add3A_306, %add3A_307 : i32
    %add3A_309 = vector.broadcast %add3A_308 : i32 to vector<16xi32>
    %add3A_310 = arith.addi %add3A_309, %iota3A : vector<16xi32>
    %swap3A_311 = arith.constant 1 : i32
    %swap3A_312 = arith.index_cast %swap3A_311 : i32 to index
    %swap3A_313 = arith.constant 48 : index
    %swap3A_314 = tpu.vector_load %arg8[%swap3A_312, %swap3A_313] {strides = array<i32>} : memref<2x128xi32, #tpu.memory_space<vmem>>, vector<16xi32>,
    tpu.vector_store %arg8[%swap3A_312, %swap3A_313], %add3A_310 {strides = array<i32>} : memref<2x128xi32, #tpu.memory_space<vmem>>, vector<16xi32>,
    %get3A_315 = arith.constant 1 : i32
    %get3A_316 = arith.index_cast %get3A_315 : i32 to index
    %get3A_317 = arith.constant 64 : index
    %get3A_318 = tpu.vector_load %arg5[%get3A_316, %get3A_317] {strides = array<i32>} : memref<2x128xi32, #tpu.memory_space<vmem>>, vector<16xi32>,
    %get3A_319 = arith.constant 1 : i32
    %get3A_320 = arith.index_cast %get3A_319 : i32 to index
    %get3A_321 = arith.constant 64 : index
    %get3A_322 = tpu.vector_load %arg6[%get3A_320, %get3A_321] {strides = array<i32>} : memref<2x128xi32, #tpu.memory_space<vmem>>, vector<16xi32>,
    %mul3A_323 = arith.constant 2048 : i32
    %mul3A_324 = vector.broadcast %mul3A_323 : i32 to vector<16xi32>
    %mul3A_325 = arith.muli %get3A_322, %mul3A_324 : vector<16xi32>
    %add3A_326 = arith.addi %mul3A_325, %get3A_318 : vector<16xi32>
    %swap3A_327 = arith.constant 1 : i32
    %swap3A_328 = arith.index_cast %swap3A_327 : i32 to index
    %swap3A_329 = arith.constant 64 : index
    %swap3A_330 = tpu.vector_load %arg7[%swap3A_328, %swap3A_329] {strides = array<i32>} : memref<2x128xi32, #tpu.memory_space<vmem>>, vector<16xi32>,
    tpu.vector_store %arg7[%swap3A_328, %swap3A_329], %add3A_326 {strides = array<i32>} : memref<2x128xi32, #tpu.memory_space<vmem>>, vector<16xi32>,
    %add3A_331 = arith.constant 128 : i32
    %add3A_332 = arith.addi %mul3A_4, %add3A_331 : i32
    %add3A_333 = arith.constant 64 : i32
    %add3A_334 = arith.addi %add3A_332, %add3A_333 : i32
    %add3A_335 = vector.broadcast %add3A_334 : i32 to vector<16xi32>
    %add3A_336 = arith.addi %add3A_335, %iota3A : vector<16xi32>
    %swap3A_337 = arith.constant 1 : i32
    %swap3A_338 = arith.index_cast %swap3A_337 : i32 to index
    %swap3A_339 = arith.constant 64 : index
    %swap3A_340 = tpu.vector_load %arg8[%swap3A_338, %swap3A_339] {strides = array<i32>} : memref<2x128xi32, #tpu.memory_space<vmem>>, vector<16xi32>,
    tpu.vector_store %arg8[%swap3A_338, %swap3A_339], %add3A_336 {strides = array<i32>} : memref<2x128xi32, #tpu.memory_space<vmem>>, vector<16xi32>,
    %get3A_341 = arith.constant 1 : i32
    %get3A_342 = arith.index_cast %get3A_341 : i32 to index
    %get3A_343 = arith.constant 80 : index
    %get3A_344 = tpu.vector_load %arg5[%get3A_342, %get3A_343] {strides = array<i32>} : memref<2x128xi32, #tpu.memory_space<vmem>>, vector<16xi32>,
    %get3A_345 = arith.constant 1 : i32
    %get3A_346 = arith.index_cast %get3A_345 : i32 to index
    %get3A_347 = arith.constant 80 : index
    %get3A_348 = tpu.vector_load %arg6[%get3A_346, %get3A_347] {strides = array<i32>} : memref<2x128xi32, #tpu.memory_space<vmem>>, vector<16xi32>,
    %mul3A_349 = arith.constant 2048 : i32
    %mul3A_350 = vector.broadcast %mul3A_349 : i32 to vector<16xi32>
    %mul3A_351 = arith.muli %get3A_348, %mul3A_350 : vector<16xi32>
    %add3A_352 = arith.addi %mul3A_351, %get3A_344 : vector<16xi32>
    %swap3A_353 = arith.constant 1 : i32
    %swap3A_354 = arith.index_cast %swap3A_353 : i32 to index
    %swap3A_355 = arith.constant 80 : index
    %swap3A_356 = tpu.vector_load %arg7[%swap3A_354, %swap3A_355] {strides = array<i32>} : memref<2x128xi32, #tpu.memory_space<vmem>>, vector<16xi32>,
    tpu.vector_store %arg7[%swap3A_354, %swap3A_355], %add3A_352 {strides = array<i32>} : memref<2x128xi32, #tpu.memory_space<vmem>>, vector<16xi32>,
    %add3A_357 = arith.constant 128 : i32
    %add3A_358 = arith.addi %mul3A_4, %add3A_357 : i32
    %add3A_359 = arith.constant 80 : i32
    %add3A_360 = arith.addi %add3A_358, %add3A_359 : i32
    %add3A_361 = vector.broadcast %add3A_360 : i32 to vector<16xi32>
    %add3A_362 = arith.addi %add3A_361, %iota3A : vector<16xi32>
    %swap3A_363 = arith.constant 1 : i32
    %swap3A_364 = arith.index_cast %swap3A_363 : i32 to index
    %swap3A_365 = arith.constant 80 : index
    %swap3A_366 = tpu.vector_load %arg8[%swap3A_364, %swap3A_365] {strides = array<i32>} : memref<2x128xi32, #tpu.memory_space<vmem>>, vector<16xi32>,
    tpu.vector_store %arg8[%swap3A_364, %swap3A_365], %add3A_362 {strides = array<i32>} : memref<2x128xi32, #tpu.memory_space<vmem>>, vector<16xi32>,
    %get3A_367 = arith.constant 1 : i32
    %get3A_368 = arith.index_cast %get3A_367 : i32 to index
    %get3A_369 = arith.constant 96 : index
    %get3A_370 = tpu.vector_load %arg5[%get3A_368, %get3A_369] {strides = array<i32>} : memref<2x128xi32, #tpu.memory_space<vmem>>, vector<16xi32>,
    %get3A_371 = arith.constant 1 : i32
    %get3A_372 = arith.index_cast %get3A_371 : i32 to index
    %get3A_373 = arith.constant 96 : index
    %get3A_374 = tpu.vector_load %arg6[%get3A_372, %get3A_373] {strides = array<i32>} : memref<2x128xi32, #tpu.memory_space<vmem>>, vector<16xi32>,
    %mul3A_375 = arith.constant 2048 : i32
    %mul3A_376 = vector.broadcast %mul3A_375 : i32 to vector<16xi32>
    %mul3A_377 = arith.muli %get3A_374, %mul3A_376 : vector<16xi32>
    %add3A_378 = arith.addi %mul3A_377, %get3A_370 : vector<16xi32>
    %swap3A_379 = arith.constant 1 : i32
    %swap3A_380 = arith.index_cast %swap3A_379 : i32 to index
    %swap3A_381 = arith.constant 96 : index
    %swap3A_382 = tpu.vector_load %arg7[%swap3A_380, %swap3A_381] {strides = array<i32>} : memref<2x128xi32, #tpu.memory_space<vmem>>, vector<16xi32>,
    tpu.vector_store %arg7[%swap3A_380, %swap3A_381], %add3A_378 {strides = array<i32>} : memref<2x128xi32, #tpu.memory_space<vmem>>, vector<16xi32>,
    %add3A_383 = arith.constant 128 : i32
    %add3A_384 = arith.addi %mul3A_4, %add3A_383 : i32
    %add3A_385 = arith.constant 96 : i32
    %add3A_386 = arith.addi %add3A_384, %add3A_385 : i32
    %add3A_387 = vector.broadcast %add3A_386 : i32 to vector<16xi32>
    %add3A_388 = arith.addi %add3A_387, %iota3A : vector<16xi32>
    %swap3A_389 = arith.constant 1 : i32
    %swap3A_390 = arith.index_cast %swap3A_389 : i32 to index
    %swap3A_391 = arith.constant 96 : index
    %swap3A_392 = tpu.vector_load %arg8[%swap3A_390, %swap3A_391] {strides = array<i32>} : memref<2x128xi32, #tpu.memory_space<vmem>>, vector<16xi32>,
    tpu.vector_store %arg8[%swap3A_390, %swap3A_391], %add3A_388 {strides = array<i32>} : memref<2x128xi32, #tpu.memory_space<vmem>>, vector<16xi32>,
    %get3A_393 = arith.constant 1 : i32
    %get3A_394 = arith.index_cast %get3A_393 : i32 to index
    %get3A_395 = arith.constant 112 : index
    %get3A_396 = tpu.vector_load %arg5[%get3A_394, %get3A_395] {strides = array<i32>} : memref<2x128xi32, #tpu.memory_space<vmem>>, vector<16xi32>,
    %get3A_397 = arith.constant 1 : i32
    %get3A_398 = arith.index_cast %get3A_397 : i32 to index
    %get3A_399 = arith.constant 112 : index
    %get3A_400 = tpu.vector_load %arg6[%get3A_398, %get3A_399] {strides = array<i32>} : memref<2x128xi32, #tpu.memory_space<vmem>>, vector<16xi32>,
    %mul3A_401 = arith.constant 2048 : i32
    %mul3A_402 = vector.broadcast %mul3A_401 : i32 to vector<16xi32>
    %mul3A_403 = arith.muli %get3A_400, %mul3A_402 : vector<16xi32>
    %add3A_404 = arith.addi %mul3A_403, %get3A_396 : vector<16xi32>
    %swap3A_405 = arith.constant 1 : i32
    %swap3A_406 = arith.index_cast %swap3A_405 : i32 to index
    %swap3A_407 = arith.constant 112 : index
    %swap3A_408 = tpu.vector_load %arg7[%swap3A_406, %swap3A_407] {strides = array<i32>} : memref<2x128xi32, #tpu.memory_space<vmem>>, vector<16xi32>,
    tpu.vector_store %arg7[%swap3A_406, %swap3A_407], %add3A_404 {strides = array<i32>} : memref<2x128xi32, #tpu.memory_space<vmem>>, vector<16xi32>,
    %add3A_409 = arith.constant 128 : i32
    %add3A_410 = arith.addi %mul3A_4, %add3A_409 : i32
    %add3A_411 = arith.constant 112 : i32
    %add3A_412 = arith.addi %add3A_410, %add3A_411 : i32
    %add3A_413 = vector.broadcast %add3A_412 : i32 to vector<16xi32>
    %add3A_414 = arith.addi %add3A_413, %iota3A : vector<16xi32>
    %swap3A_415 = arith.constant 1 : i32
    %swap3A_416 = arith.index_cast %swap3A_415 : i32 to index
    %swap3A_417 = arith.constant 112 : index
    %swap3A_418 = tpu.vector_load %arg8[%swap3A_416, %swap3A_417] {strides = array<i32>} : memref<2x128xi32, #tpu.memory_space<vmem>>, vector<16xi32>,
    tpu.vector_store %arg8[%swap3A_416, %swap3A_417], %add3A_414 {strides = array<i32>} : memref<2x128xi32, #tpu.memory_space<vmem>>, vector<16xi32>,
    %dma_start3A = arith.constant 0 : i32
    %dma_start3A_419 = arith.constant 0 : i32
    %dma_start3A_420 = arith.constant 0 : i32
    %dma_start3A_421 = tpu.memref_slice %arg8[%dma_start3A, %dma_start3A_420] : memref<2x128xi32, #tpu.memory_space<vmem>> -> memref<1x128xi32, #tpu.memory_space<vmem>>
    %dma_start3A_422 = tpu.memref_squeeze %dma_start3A_421 : memref<1x128xi32, #tpu.memory_space<vmem>> -> memref<128xi32, #tpu.memory_space<vmem>>
    %dma_start3A_423 = arith.constant 0 : i32
    %dma_start3A_424 = tpu.memref_slice %arg7[%dma_start3A_419, %dma_start3A_423] : memref<2x128xi32, #tpu.memory_space<vmem>> -> memref<1x128xi32, #tpu.memory_space<vmem>>
    %dma_start3A_425 = tpu.memref_squeeze %dma_start3A_424 : memref<1x128xi32, #tpu.memory_space<vmem>> -> memref<128xi32, #tpu.memory_space<vmem>>
    %dma_start3A_426 = arith.constant 0 : i32
    %dma_start3A_427 = tpu.memref_slice %arg4[%dma_start3A_426] : memref<4194304xi32, #tpu.memory_space<hbm>> -> memref<4194304xi32, #tpu.memory_space<hbm>>
    tpu.enqueue_indirect_dma source(%dma_start3A_422 : memref<128xi32, #tpu.memory_space<vmem>>) target(%dma_start3A_427 : memref<4194304xi32, #tpu.memory_space<hbm>>) offsets(%dma_start3A_425 : memref<128xi32, #tpu.memory_space<vmem>>) semaphore(%arg9 : memref<!tpu.dma_semaphore, #tpu.memory_space<semaphore_mem>>)
    %dma_wait3A = arith.constant 0 : i32
    %dma_wait3A_428 = arith.constant 0 : i32
    %dma_wait3A_429 = arith.constant 0 : i32
    %dma_wait3A_430 = tpu.memref_slice %arg8[%dma_wait3A, %dma_wait3A_429] : memref<2x128xi32, #tpu.memory_space<vmem>> -> memref<1x128xi32, #tpu.memory_space<vmem>>
    %dma_wait3A_431 = tpu.memref_squeeze %dma_wait3A_430 : memref<1x128xi32, #tpu.memory_space<vmem>> -> memref<128xi32, #tpu.memory_space<vmem>>
    %dma_wait3A_432 = arith.constant 0 : i32
    %dma_wait3A_433 = tpu.memref_slice %arg7[%dma_wait3A_428, %dma_wait3A_432] : memref<2x128xi32, #tpu.memory_space<vmem>> -> memref<1x128xi32, #tpu.memory_space<vmem>>
    %dma_wait3A_434 = tpu.memref_squeeze %dma_wait3A_433 : memref<1x128xi32, #tpu.memory_space<vmem>> -> memref<128xi32, #tpu.memory_space<vmem>>
    %dma_wait3A_435 = arith.constant 0 : i32
    %dma_wait3A_436 = tpu.memref_slice %arg4[%dma_wait3A_435] : memref<4194304xi32, #tpu.memory_space<hbm>> -> memref<4194304xi32, #tpu.memory_space<hbm>>
    tpu.wait_indirect_dma semaphore(%arg9 : memref<!tpu.dma_semaphore, #tpu.memory_space<semaphore_mem>>) src(%dma_wait3A_431 : memref<128xi32, #tpu.memory_space<vmem>>) dst(%dma_wait3A_436 : memref<4194304xi32, #tpu.memory_space<hbm>>)
    %dma_start3A_437 = arith.constant 1 : i32
    %dma_start3A_438 = arith.constant 1 : i32
    %dma_start3A_439 = arith.constant 0 : i32
    %dma_start3A_440 = tpu.memref_slice %arg8[%dma_start3A_437, %dma_start3A_439] : memref<2x128xi32, #tpu.memory_space<vmem>> -> memref<1x128xi32, #tpu.memory_space<vmem>>
    %dma_start3A_441 = tpu.memref_squeeze %dma_start3A_440 : memref<1x128xi32, #tpu.memory_space<vmem>> -> memref<128xi32, #tpu.memory_space<vmem>>
    %dma_start3A_442 = arith.constant 0 : i32
    %dma_start3A_443 = tpu.memref_slice %arg7[%dma_start3A_438, %dma_start3A_442] : memref<2x128xi32, #tpu.memory_space<vmem>> -> memref<1x128xi32, #tpu.memory_space<vmem>>
    %dma_start3A_444 = tpu.memref_squeeze %dma_start3A_443 : memref<1x128xi32, #tpu.memory_space<vmem>> -> memref<128xi32, #tpu.memory_space<vmem>>
    %dma_start3A_445 = arith.constant 0 : i32
    %dma_start3A_446 = tpu.memref_slice %arg4[%dma_start3A_445] : memref<4194304xi32, #tpu.memory_space<hbm>> -> memref<4194304xi32, #tpu.memory_space<hbm>>
    tpu.enqueue_indirect_dma source(%dma_start3A_441 : memref<128xi32, #tpu.memory_space<vmem>>) target(%dma_start3A_446 : memref<4194304xi32, #tpu.memory_space<hbm>>) offsets(%dma_start3A_444 : memref<128xi32, #tpu.memory_space<vmem>>) semaphore(%arg9 : memref<!tpu.dma_semaphore, #tpu.memory_space<semaphore_mem>>)
    %dma_wait3A_447 = arith.constant 1 : i32
    %dma_wait3A_448 = arith.constant 1 : i32
    %dma_wait3A_449 = arith.constant 0 : i32
    %dma_wait3A_450 = tpu.memref_slice %arg8[%dma_wait3A_447, %dma_wait3A_449] : memref<2x128xi32, #tpu.memory_space<vmem>> -> memref<1x128xi32, #tpu.memory_space<vmem>>
    %dma_wait3A_451 = tpu.memref_squeeze %dma_wait3A_450 : memref<1x128xi32, #tpu.memory_space<vmem>> -> memref<128xi32, #tpu.memory_space<vmem>>
    %dma_wait3A_452 = arith.constant 0 : i32
    %dma_wait3A_453 = tpu.memref_slice %arg7[%dma_wait3A_448, %dma_wait3A_452] : memref<2x128xi32, #tpu.memory_space<vmem>> -> memref<1x128xi32, #tpu.memory_space<vmem>>
    %dma_wait3A_454 = tpu.memref_squeeze %dma_wait3A_453 : memref<1x128xi32, #tpu.memory_space<vmem>> -> memref<128xi32, #tpu.memory_space<vmem>>
    %dma_wait3A_455 = arith.constant 0 : i32
    %dma_wait3A_456 = tpu.memref_slice %arg4[%dma_wait3A_455] : memref<4194304xi32, #tpu.memory_space<hbm>> -> memref<4194304xi32, #tpu.memory_space<hbm>>
    tpu.wait_indirect_dma semaphore(%arg9 : memref<!tpu.dma_semaphore, #tpu.memory_space<semaphore_mem>>) src(%dma_wait3A_451 : memref<128xi32, #tpu.memory_space<vmem>>) dst(%dma_wait3A_456 : memref<4194304xi32, #tpu.memory_space<hbm>>)
    return
  }
}

module attributes {stable_mosaic.version = 14 : i64} {
  func.func @_post_body(%arg0: i32, %arg1: memref<2048x128xf32, #tpu.memory_space<vmem>>, %arg2: memref<128x2048xf32, #tpu.memory_space<vmem>>, %arg3: memref<256x128xf32, #tpu.memory_space<vmem>>, %arg4: memref<2048x128xf32, #tpu.memory_space<vmem>>) attributes {dimension_semantics = [#tpu.dimension_semantics<arbitrary>], iteration_bounds = array<i64: 4>, scalar_prefetch = 0 : i64, scratch_operands = 0 : i64, tpu.core_type = #tpu.core_type<tc>, window_params = [{transform_indices = @transform_0, window_bounds = array<i64: 2048, 128>}, {transform_indices = @transform_1, window_bounds = array<i64: 128, 2048>}, {pipeline_mode = #tpu.pipeline_mode<synchronous>, transform_indices = @transform_2, window_bounds = array<i64: 256, 128>}, {transform_indices = @transform_3, window_bounds = array<i64: 2048, 128>}]} {
    %get3A = arith.constant 0 : index
    %get3A_0 = arith.constant 0 : index
    %get3A_1 = vector.load %arg1[%get3A, %get3A_0] : memref<2048x128xf32, #tpu.memory_space<vmem>>, vector<2048x128xf32>
    %get3A_2 = arith.constant 0 : index
    %get3A_3 = arith.constant 0 : index
    %get3A_4 = vector.load %arg3[%get3A_2, %get3A_3] : memref<256x128xf32, #tpu.memory_space<vmem>>, vector<128x128xf32>
    %dot_general3A = arith.constant dense<0.000000e+00> : vector<2048x128xf32>
    %dot_general3A_5 = tpu.matmul %get3A_1, %get3A_4, %dot_general3A {dimension_numbers = #tpu.dot_dimension_numbers<[1], [0], [0], [1], [0, 0, 1, 1], [], []>, transpose_lhs_hint = false} : vector<2048x128xf32>, vector<128x128xf32>, vector<2048x128xf32> -> vector<2048x128xf32>
    %get3A_6 = arith.constant 0 : index
    %get3A_7 = arith.constant 0 : index
    %get3A_8 = vector.load %arg2[%get3A_6, %get3A_7] : memref<128x2048xf32, #tpu.memory_space<vmem>>, vector<128x2048xf32>
    %get3A_9 = arith.constant 128 : index
    %get3A_10 = arith.constant 0 : index
    %get3A_11 = vector.load %arg3[%get3A_9, %get3A_10] : memref<256x128xf32, #tpu.memory_space<vmem>>, vector<128x128xf32>
    %dot_general3A_12 = arith.constant dense<0.000000e+00> : vector<2048x128xf32>
    %dot_general3A_13 = tpu.matmul %get3A_8, %get3A_11, %dot_general3A_12 {dimension_numbers = #tpu.dot_dimension_numbers<[0], [0], [1], [1], [0, 1, 1, 1], [], []>, transpose_lhs_hint = false} : vector<128x2048xf32>, vector<128x128xf32>, vector<2048x128xf32> -> vector<2048x128xf32>
    %add3A = arith.addf %dot_general3A_5, %dot_general3A_13 : vector<2048x128xf32>
    %max3A = arith.constant 0.000000e+00 : f32
    %max3A_14 = vector.broadcast %max3A : f32 to vector<2048x128xf32>
    %max3A_15 = arith.maximumf %add3A, %max3A_14 : vector<2048x128xf32>
    %swap3A = arith.constant 0 : index
    %swap3A_16 = arith.constant 0 : index
    %swap3A_17 = vector.load %arg4[%swap3A, %swap3A_16] : memref<2048x128xf32, #tpu.memory_space<vmem>>, vector<2048x128xf32>
    tpu.vector_store %arg4[%swap3A, %swap3A_16], %max3A_15 {strides = array<i32>} : memref<2048x128xf32, #tpu.memory_space<vmem>>, vector<2048x128xf32>,
    return
  }
  func.func @transform_0(%arg0: i32) -> (i32, i32) {
    %c0_i32 = arith.constant 0 : i32
    %c0_i32_0 = arith.constant 0 : i32
    return %arg0, %c0_i32 : i32, i32
  }
  func.func @transform_1(%arg0: i32) -> (i32, i32) {
    %c0_i32 = arith.constant 0 : i32
    %c0_i32_0 = arith.constant 0 : i32
    return %c0_i32, %arg0 : i32, i32
  }
  func.func @transform_2(%arg0: i32) -> (i32, i32) {
    %c0_i32 = arith.constant 0 : i32
    %c0_i32_0 = arith.constant 0 : i32
    %c0_i32_1 = arith.constant 0 : i32
    return %c0_i32, %c0_i32_0 : i32, i32
  }
  func.func @transform_3(%arg0: i32) -> (i32, i32) {
    %c0_i32 = arith.constant 0 : i32
    %c0_i32_0 = arith.constant 0 : i32
    return %arg0, %c0_i32 : i32, i32
  }
}

module attributes {stable_mosaic.version = 14 : i64} {
  func.func @_pre_body(%arg0: i32, %arg1: memref<2048x128xf32, #tpu.memory_space<vmem>>, %arg2: memref<128x2048xf32, #tpu.memory_space<vmem>>) attributes {dimension_semantics = [#tpu.dimension_semantics<arbitrary>], iteration_bounds = array<i64: 4>, scalar_prefetch = 0 : i64, scratch_operands = 0 : i64, tpu.core_type = #tpu.core_type<tc>, window_params = [{transform_indices = @transform_0, window_bounds = array<i64: 2048, 128>}, {transform_indices = @transform_1, window_bounds = array<i64: 128, 2048>}]} {
    %get3A = arith.constant 0 : index
    %get3A_0 = arith.constant 0 : index
    %get3A_1 = vector.load %arg1[%get3A, %get3A_0] : memref<2048x128xf32, #tpu.memory_space<vmem>>, vector<2048x128xf32>
    %transpose3A = tpu.transpose %get3A_1, [1, 0] : vector<2048x128xf32> -> vector<128x2048xf32>
    %swap3A = arith.constant 0 : index
    %swap3A_2 = arith.constant 0 : index
    %swap3A_3 = vector.load %arg2[%swap3A, %swap3A_2] : memref<128x2048xf32, #tpu.memory_space<vmem>>, vector<128x2048xf32>
    tpu.vector_store %arg2[%swap3A, %swap3A_2], %transpose3A {strides = array<i32>} : memref<128x2048xf32, #tpu.memory_space<vmem>>, vector<128x2048xf32>,
    return
  }
  func.func @transform_0(%arg0: i32) -> (i32, i32) {
    %c0_i32 = arith.constant 0 : i32
    %c0_i32_0 = arith.constant 0 : i32
    return %arg0, %c0_i32 : i32, i32
  }
  func.func @transform_1(%arg0: i32) -> (i32, i32) {
    %c0_i32 = arith.constant 0 : i32
    %c0_i32_0 = arith.constant 0 : i32
    return %c0_i32, %arg0 : i32, i32
  }
}

</mosaic_0001>

<sc_bundles>
// kernel: kernel.6.cloned.1.call-start
scs
__scs_entry_jumppad:
0x0: {  	(pc) =	sbr.rel $0x88, $3  }
0x1: {  	(tag) =	ssettag $0x0;
	lr =	simm.s32 $0x1  }
0x2: {  	[smem:$0x3F9D] =	sst lr;
	_ =	strace $0xD0000000  }
0x3: {  	_ = 	snop  }
0x4: {  	_ = 	snop  }
0x5: {  	_ = 	snop  }
0x6: {  	_ = 	snop  }
0x7: {  	_ = 	snop  }
__scs_overlays_trampoline_lowered:
0x8: {  	[smem:$0x3FAC] =	sst s0  }
0x9: {  	[smem:$0x3FAD] =	sst s1  }
0xa: {  	[smem:$0x3FAE] =	sst s2  }
0xb: {  	[smem:$0x3FAF] =	sst s3  }
0xc: {  	[smem:$0x3FB0] =	sst s4  }
0xd: {  	[smem:$0x3FB1] =	sst s5  }
0xe: {  	[smem:$0x3FB2] =	sst s6  }
0xf: {  	[smem:$0x3FB3] =	sst s7  }
0x10: {  	[smem:$0x3FB4] =	sst s8  }
0x11: {  	[smem:$0x3FB5] =	sst s9;
	s0 =	simm.s32 @!p0 $0x0  }
0x12: {  	s1 =	sld [smem:$0x3F9B];
	s0 =	simm.s32 @p0 $0x1  }
0x13: {  	[smem:$0x3FB6] =	sst s0;
	s0 =	simm.s32 @!p1 $0x0  }
0x14: {  	s2 =	sld [smem:$0x3F9A];
	s0 =	simm.s32 @p1 $0x1  }
0x15: {  	[smem:$0x3FB7] =	sst s0;
	s0 =	simm.s32 @!p2 $0x0  }
0x16: {  	s3 =	sld [smem:$0x3FDB];
	s0 =	simm.s32 @p2 $0x1  }
0x17: {  	s4 =	simm.s32 $0x1BF5;
	[smem:$0x3FB9] =	sst s0  }
0x18: {  	s0 =	sld [smem:$0x3F9C];
	_ =	swait.ge [sflag:s4], $0x0  }
0x19: {  	s7 =	sld [smem:$0x3F9D]  }
0x1a: {  	s8 =	sadd.s32 $0xFFFFE003, lr  }
0x1b: {  	s9 =	sadd.s32 $0xFFFFFEF7, lr;
	s5 =	simm.s32 $0xFFFFFFFF;
	p2 =	slt.u32 s8, $0xFFFFF086  }
0x1c: {  	p1 =	slt.u32 s9, $0xF7A;
	s5 =	simm.s32 @!p2 $0x0  }
0x1d: {  	s5 =	simm.s32 @p1 $0x1;
	p0 =	seq.s32 s7, s2  }
0x1e: {  	s7 =	smul.u32 @!p0 $0xF7A, s2;
	p2 =	seq.s32 @!p0 s5, $0x0  }
0x1f: {  	s9 =	smul.u32 $0xF7A, s1;
	s8 =	simm.s32 @!p0 $0x1BF5;
	p2 =	por !p2, p0  }
0x20: {  	[sflag:s8] =	ssyncset.s32 @!p0 $0xFFFFF086;
	s6 =	sadd.s32 @!p0 s3, s7;
	s7 =	simm.s32 @!p0 $0x108  }
0x21: {  	s3 =	sadd.s32 s3, s9;
	s6 =	sadd.s32 @!p0 $0x88, s6;
	s7 =	simm.s32 @p2 $0x1082  }
0x22: {  	[simem:s7], [sflag:s8] =	dma.local @!p0 [hbm:s6], $0xF7A  }
0x23: {  	s9 =	sor.u32 $0xD0000000, s2;
	s6 =	simm.s32 $0x108;
	_ =	swait.ge @!p0 [sflag:s8], $0x0  }
0x24: {  	s3 =	sadd.s32 $0x88, s3;
	s6 =	simm.s32 @!p1 $0x1082;
	[sflag:s4] =	ssyncset.s32 $0xFFFFF086  }
0x25: {  	[simem:s6], [sflag:s4] =	dma.local [hbm:s3], $0xF7A  }
0x26: {  	[smem:$0x3F9D] =	sst s1;
	(tag) =	ssettag s2;
	_ =	strace s9  }
0x27: {  	s1 =	sld [smem:$0x3FAD]  }
0x28: {  	s2 =	sld [smem:$0x3FAE]  }
0x29: {  	s4 =	sld [smem:$0x3FB0]  }
0x2a: {  	p0 =	seq.s32 s5, $0x0;
	s5 =	sld [smem:$0x3FB1]  }
0x2b: {  	s6 =	sld [smem:$0x3FB2]  }
0x2c: {  	s7 =	sld [smem:$0x3FB3]  }
0x2d: {  	s3 =	simm.s32 $0x108;
	s8 =	sld [smem:$0x3FB4]  }
0x2e: {  	s3 =	simm.s32 @!p0 $0x1082;
	s9 =	sld [smem:$0x3FB5]  }
0x2f: {  	lr =	sadd.s32 s0, s3;
	s0 =	sld [smem:$0x3FAC]  }
0x30: {  	s3 =	sld [smem:$0x3FAF]  }
0x31: {  	[smem:$0x3FB8] =	sst s10  }
0x32: {  	s10 =	sld [smem:$0x3FB6];
	_ =	sdelay $0x3  }
0x33: {  	p0 =	seq.s32 s10, $0x1;
	s10 =	sld [smem:$0x3FB8];
	_ =	sdelay $0x3  }
0x34: {  	[smem:$0x3FB8] =	sst s10  }
0x35: {  	s10 =	sld [smem:$0x3FB7];
	_ =	sdelay $0x3  }
0x36: {  	p1 =	seq.s32 s10, $0x1;
	s10 =	sld [smem:$0x3FB8];
	_ =	sdelay $0x3  }
0x37: {  	[smem:$0x3FB8] =	sst s10  }
0x38: {  	s10 =	sld [smem:$0x3FB9]  }
0x39: {  	_ = 	snop;
	(pc) =	sbr.ind lr, $3  }
0x3a: {  	_ = 	snop  }
0x3b: {  	_ = 	snop  }
0x3c: {  	p2 =	seq.s32 s10, $0x1;
	s10 =	sld [smem:$0x3FB8]  }
0x3d: {  	_ =	shalt  }
0x3e: {  	_ =	shalt  }
0x3f: {  	_ =	shalt  }
0x40: {  	_ =	shalt  }
0x41: {  	_ =	shalt  }
0x42: {  	_ =	shalt  }
0x43: {  	_ =	shalt  }
0x44: {  	_ =	shalt  }
0x45: {  	_ =	shalt  }
0x46: {  	_ =	shalt  }
0x47: {  	_ =	shalt  }
0x48: {  	_ =	shalt  }
0x49: {  	_ =	shalt  }
0x4a: {  	_ =	shalt  }
0x4b: {  	_ =	shalt  }
0x4c: {  	_ =	shalt  }
0x4d: {  	_ =	shalt  }
0x4e: {  	_ =	shalt  }
0x4f: {  	_ =	shalt  }
0x50: {  	_ =	shalt  }
0x51: {  	_ =	shalt  }
0x52: {  	_ =	shalt  }
0x53: {  	_ =	shalt  }
0x54: {  	_ =	shalt  }
0x55: {  	_ =	shalt  }
0x56: {  	_ =	shalt  }
0x57: {  	_ =	shalt  }
0x58: {  	_ =	shalt  }
0x59: {  	_ =	shalt  }
0x5a: {  	_ =	shalt  }
0x5b: {  	_ =	shalt  }
0x5c: {  	_ =	shalt  }
0x5d: {  	_ =	shalt  }
0x5e: {  	_ =	shalt  }
0x5f: {  	_ =	shalt  }
0x60: {  	_ =	shalt  }
0x61: {  	_ =	shalt  }
0x62: {  	_ =	shalt  }
0x63: {  	_ =	shalt  }
0x64: {  	_ =	shalt  }
0x65: {  	_ =	shalt  }
0x66: {  	_ =	shalt  }
0x67: {  	_ =	shalt  }
0x68: {  	_ =	shalt  }
0x69: {  	_ =	shalt  }
0x6a: {  	_ =	shalt  }
0x6b: {  	_ =	shalt  }
0x6c: {  	_ =	shalt  }
0x6d: {  	_ =	shalt  }
0x6e: {  	_ =	shalt  }
0x6f: {  	_ =	shalt  }
0x70: {  	_ =	shalt  }
0x71: {  	_ =	shalt  }
0x72: {  	_ =	shalt  }
0x73: {  	_ =	shalt  }
0x74: {  	_ =	shalt  }
0x75: {  	_ =	shalt  }
0x76: {  	_ =	shalt  }
0x77: {  	_ =	shalt  }
0x78: {  	_ =	shalt  }
0x79: {  	_ =	shalt  }
0x7a: {  	_ =	shalt  }
0x7b: {  	_ =	shalt  }
0x7c: {  	_ =	shalt  }
0x7d: {  	_ =	shalt  }
0x7e: {  	_ =	shalt  }
0x7f: {  	_ =	shalt  }
0x80: {  	_ =	shalt  }
0x81: {  	_ =	shalt  }
0x82: {  	_ =	shalt  }
0x83: {  	_ =	shalt  }
0x84: {  	_ =	shalt  }
0x85: {  	_ =	shalt  }
0x86: {  	_ =	shalt  }
0x87: {  	_ =	shalt  }
.Lfunc_end0:
.L_simem_size_0:
called_computation_lowered:
.L_overlay_start_0:
0x88: {  	s2 =	sld [smem:$0x3FD9]  }
0x89: {  	s3 =	sld [smem:$0x3FFE];
	_ =	sdelay $0x1  }
0x8a: {  	s1 =	srdreg.scid  }
0x8b: {  	s0 =	sand.u32 $0x1, s1  }
0x8c: {  	s17 =	sshll.u32 s0, $0xA;
	s2 =	sadd.s32 s3, s2  }
0x8d: {  	s2 =	sadd.s32 s2, s17  }
0x8e: {  	[smem:$0x3FC4] =	sst s2  }
0x8f: {  	_ = 	snop  }
0x90: {  	s2 =	sld [smem:$0x3FC8]  }
0x91: {  	s18 =	sld [smem:$0x3FC7];
	(tm) =	ssettm $0x1  }
0x92: {  	s4 =	sld [smem:$0x3FFB];
	_ =	sdelay $0x3  }
0x93: {  	_ =	strace s4  }
0x94: {  	s4 =	sld [smem:$0x3FFC];
	_ =	sdelay $0x3  }
0x95: {  	_ =	strace s4  }
0x96: {  	s4 =	sld [smem:$0x3FFD];
	_ =	sdelay $0x3  }
0x97: {  	_ =	strace s4  }
0x98: {  	_ =	strace $0x8FFFFFFF  }
0x99: {  	s19 =	sld [smem:$0x3FDB];
	_ =	sdelay $0x1  }
0x9a: {  	s5 =	simm.s32 $_scs_section_size  }
0x9b: {  	s6 =	simm.s32 $_size__tile_overlayer_lowered;
	s7 =	simm.s32 $_tile_overlayer_lowered  }
0x9c: {  	s22 =	simm.s32 $0x1BFF;
	s21 =	sshll.u32 s7, $0x1;
	s4 =	sadd.s32 s5, s19  }
0x9d: {  	s8 =	simm.s32 $0x0;
	s20 =	sshll.u32 s6, $0x1;
	s6 =	sadd.s32 s21, s4  }
0x9e: {  	[timem:s8], [sflag:s22] =	dma.local [hbm:s6], s20  }
0x9f: {  	_ =	swait.ge [sflag:s22], s20  }
0xa0: {  	s5 =	ssub.s32 $0x0, s20;
	[sflag:s22] =	ssyncset.done $0x0  }
0xa1: {  	[sflag:s22] =	ssyncadd.s32 s5;
	_ =	sdelay $0x1  }
0xa2: {  	s23 =	simm.s32 $0x1B8B  }
0xa3: {  	_ =	swait.ge [sflag:s23], $0x1  }
0xa4: {  	[sflag:s23] =	ssyncset.done $0x0  }
0xa5: {  	s25 =	simm.s32 $0x1B8E;
	s24 =	sld [smem:$0x3FFE];
	[sflag:s23] =	ssyncadd.s32 $0xFFFFFFFF  }
0xa6: {  	s26 =	simm.s32 $execute0_lowered;
	[smem:$0x3FD2] =	sst s25  }
0xa7: {  	s6 =	sshll.u32 s26, $0x1;
	_ =	strace $0x80000046;
	[dreg:$0x1] =	wrdreg $0xFFFFFFFF  }
0xa8: {  	s28 =	simm.s32 $_size_execute0_lowered;
	s4 =	sadd.s32 s4, s6;
	[dreg:$0x0] =	wrdreg $0x0  }
0xa9: {  	s6 =	sshll.u32 s28, $0x1;
	[dreg:$0x2] =	wrdreg s4  }
0xaa: {  	[dreg:$0x3] =	wrdreg s6  }
0xab: {  	[dreg:$0x4] =	wrdreg $0xC0  }
0xac: {  	_ =	task [dreg:s8], $0x5FFFF  }
0xad: {  	[dreg:$0x1] =	wrdreg $0xFFFFFFFF  }
0xae: {  	[dreg:$0x0] =	wrdreg $0x60  }
0xaf: {  	[dreg:$0x2] =	wrdreg s2  }
0xb0: {  	[dreg:$0x3] =	wrdreg s18  }
0xb1: {  	[dreg:$0x4] =	wrdreg s24  }
0xb2: {  	[dreg:$0x5] =	wrdreg $0x9  }
0xb3: {  	_ =	task.clear_ibuf [dreg:s8], $0x6FFFF;
	_ =	strace $0x90000046  }
0xb4: {  	s29 =	simm.s32 $0x9;
	_ =	strace $0x80000048  }
0xb5: {  	_ =	swait.ge [sflag:s29], $0x1  }
0xb6: {  	[sflag:s29] =	ssyncadd.s32 $0xFFFFFFFF  }
0xb7: {  	_ =	strace $0x90000048  }
0xb8: {  	_ =	sfence  }
0xb9: {  	s30 =	sld [smem:$0x0];
	_ =	sdelay $0x2  }
0xba: {  	s31 =	sshll.u32 s1, $0xD;
	s1 =	sshrl.u32 s1, $0x2  }
0xbb: {  	s3 =	sand.u32 $0x4000, s31;
	s1 =	sadd.s32 s1, s30  }
0xbc: {  	s0 =	sor.u32 s3, s0;
	s1 =	sshll.u32 s1, $0x11  }
0xbd: {  	s0 =	sor.u32 s1, s0  }
0xbe: {  	s0 =	sadd.s32 $0x8F2B, s0  }
0xbf: {  	[sflag:s0] =	ssyncadd.remote.s32 $0x1  }
0xc0: {  	_ =	sfence.sel $0xFFFF  }
0xc1: {  	[dreg:$0x0] =	wrdreg $0xFFFFFFFF;
	(pc) =	sbr.abs _section_cstart, $3  }
0xc2: {  	[dreg:$0x1] =	wrdreg $0xFFFFFFFF  }
0xc3: {  	_ =	task.clear_ibuf [dreg:s8], $0x2FFFF;
	_ =	strace $0x9FFFFFFF  }
0xc4: {  	(tm) =	ssettm $0x7FFFFFFF  }
0xc5: {  	_ =	shalt  }
tec
execute0_lowered:
.L_overlay_start_1:
0x0: {  	(tag) =	ssettag $0x1  }
0x1: {  	s1 =	srdreg.scid  }
0x2: {  	s2 =	rddreg [dreg:$0x0];
	s0 =	stileid.u32;
	s6 =	sand.u32 $0x1, s1  }
0x3: {  	s5 =	rddreg [dreg:$0x1];
	s7 =	sshll.u32 s0, $0x8;
	s3 =	sshll.u32 s6, $0xC  }
0x4: {  	s9 =	rddreg [dreg:$0x2];
	s4 =	simm.s32 $0x0;
	s3 =	sor.u32 s7, s3  }
0x5: {  	s8 =	simm.s32 $0x2;
	[smem:$0x7FF] =	sst s4;
	s10 =	sshrl.u32 s3, $0x3  }
0x6: {  	s1 =	rddreg [dreg:$0x3];
	_ =	strace $0x80000047;
	s7 =	sadd.s32 s2, s10  }
0x7: {  	[tilespmem:s4], [sflag:$0x2] =	stream.linear.gather [hbm4b:s7+s4], $0x100, $0x38;
	[tilespmem:$0x400] =	vst v63  }
0x8: {  	_ =	swait.ge [sflag:s8], $0x100  }
0x9: {  	[sflag:s8] =	ssyncset.done $0x0  }
0xa: {  	s11 =	simm.s32 $0x100;
	s10 =	sadd.s32 s5, s10;
	[sflag:s8] =	ssyncadd.s32 $0xFFFFFF00  }
0xb: {  	[tilespmem:s11], [sflag:$0x2] =	stream.linear.gather [hbm4b:s10+s4], $0x100, $0x38;
	[tilespmem:$0x400] =	vst v63  }
0xc: {  	_ =	swait.ge [sflag:s8], $0x100  }
0xd: {  	v17 =	vlaneseq.u32;
	[sflag:s8] =	ssyncset.done $0x0  }
0xe: {  	v0 =	vor.u32 s3, v17;
	s17 =	sor.u32 $0x10, s3;
	[sflag:s8] =	ssyncadd.s32 $0xFFFFFF00  }
0xf: {  	s18 =	sor.u32 $0x20, s3;
	v1 =	vor.u32 s17, v17;
	[tilespmem:$0x300] =	vst v0;
	v2 =	vld [tilespmem:$0xB0]  }
0x10: {  	s19 =	sor.u32 $0x30, s3;
	v3 =	vor.u32 s18, v17;
	[tilespmem:$0x310] =	vst v1;
	v8 =	vld [tilespmem:$0x1B0]  }
0x11: {  	s20 =	sor.u32 $0x40, s3;
	v4 =	vor.u32 s19, v17;
	[tilespmem:$0x320] =	vst v3;
	v11 =	vld [tilespmem:$0xA0]  }
0x12: {  	s21 =	sor.u32 $0x50, s3;
	v5 =	vor.u32 s20, v17;
	[tilespmem:$0x330] =	vst v4;
	v15 =	vld [tilespmem:$0x1A0]  }
0x13: {  	s25 =	ssub.s32 $0x2, s6;
	s22 =	sor.u32 $0x60, s3;
	v6 =	vor.u32 s21, v17;
	[tilespmem:$0x340] =	vst v5;
	v21 =	vld [tilespmem:$0x60]  }
0x14: {  	s28 =	sshrl.u32 s25, $0x1;
	s23 =	sor.u32 $0x70, s3;
	v7 =	vor.u32 s22, v17;
	v24 =	vld [tilespmem:$0x50];
	[tilespmem:$0x350] =	vst v6  }
0x15: {  	s24 =	sor.u32 $0x80, s3;
	v9 =	vor.u32 s23, v17;
	s5 =	ssub.s32 s25, s28;
	[tilespmem:$0x360] =	vst v7;
	v23 =	vld [tilespmem:$0x170]  }
0x16: {  	s26 =	sor.u32 $0x90, s3;
	v10 =	vor.u32 s24, v17;
	s15 =	smax.u32 s5, $0x1;
	v22 =	vld [tilespmem:$0x70];
	[tilespmem:$0x370] =	vst v9  }
0x17: {  	s29 =	sor.u32 $0xA0, s3;
	v12 =	vor.u32 s26, v17;
	p0 =	sne.s32 s15, $0x1;
	v27 =	vld [tilespmem:$0x160];
	[tilespmem:$0x380] =	vst v10  }
.Ltmp0:
0x18: {  	s30 =	sor.u32 $0xB0, s3;
	v13 =	vor.u32 s29, v17;
	v20 =	vld [tilespmem:$0x20];
	[tilespmem:$0x390] =	vst v12;
	(pc) =	sbr.rel @!p0 .LBB2_2-.Ltmp0, $4  }
0x19: {  	s6 =	simm.s32 $0x200;
	s31 =	sor.u32 $0xC0, s3;
	s12 =	sor.u32 $0xD0, s3;
	v14 =	vor.u32 s30, v17;
	v28 =	vld [tilespmem:$0x150];
	[tilespmem:$0x3A0] =	vst v13  }
0x1a: {  	s13 =	sor.u32 $0xE0, s3;
	s14 =	sor.u32 $0xF0, s3;
	s3 =	simm.s32 $0x80;
	v16 =	vor.u32 s31, v17;
	v25 =	vld [tilespmem:$0x10];
	[tilespmem:$0x3B0] =	vst v14  }
0x1b: {  	s2 =	sadd.s32 $0x1000, s9;
	v19 =	vor.u32 s12, v17;
	s9 =	simm.s32 $0x300;
	s12 =	simm.s32 $0x280;
	v26 =	vld [tilespmem:$0x120];
	[tilespmem:$0x3C0] =	vst v16  }
0x1c: {  	v18 =	vor.u32 s13, v17;
	v17 =	vor.u32 s14, v17;
	s13 =	simm.s32 $0x380;
	s5 =	simm.s32 $0x1;
	s14 =	sadd.s32 $0xFFFFFFFF, s15;
	v29 =	vld [tilespmem:$0x40];
	[tilespmem:$0x3D0] =	vst v19  }
.LBB2_1:
0x1d: {  	p0 =	sne.s32 s14, $0x1;
	s14 =	sadd.s32 $0xFFFFFFFF, s14;
	v30 =	vld [tilespmem:$0x110];
	[tilespmem:$0x3E0] =	vst v18  }
0x1e: {  	v31 =	vld [tilespmem:$0xE0];
	[tilespmem:$0x3F0] =	vst v17  }
0x1f: {  	v32 =	vld [tilespmem:$0x30]  }
0x20: {  	v33 =	vld [tilespmem:$0x140]  }
0x21: {  	v34 =	vld [tilespmem:$0xF0]  }
0x22: {  	v28 =	vshll.u32 v28, $0xB;
	v35 =	vld [tilespmem:$0x0]  }
0x23: {  	v24 =	vadd.s32 v24, v28;
	v36 =	vld [tilespmem:$0x130]  }
0x24: {  	v27 =	vshll.u32 v27, $0xB;
	v28 =	vld [tilespmem:$0x1F0]  }
0x25: {  	v21 =	vadd.s32 v21, v27;
	v37 =	vld [tilespmem:$0x100];
	v33 =	vshll.u32 v33, $0xB;
	[tilespmem:$0x250] =	vst v24  }
0x26: {  	v23 =	vshll.u32 v23, $0xB;
	v24 =	vadd.s32 v29, v33;
	v27 =	vld [tilespmem:$0x1E0]  }
0x27: {  	v29 =	vshll.u32 v30, $0xB;
	[tilespmem:$0x260] =	vst v21;
	v21 =	vadd.s32 v22, v23;
	v22 =	vld [tilespmem:$0x1C0]  }
0x28: {  	v23 =	vadd.s32 v25, v29;
	v25 =	vshll.u32 v36, $0xB;
	[tilespmem:$0x240] =	vst v24;
	v24 =	vld [tilespmem:$0x180]  }
0x29: {  	v26 =	vshll.u32 v26, $0xB;
	v25 =	vadd.s32 v32, v25;
	[tilespmem:$0x270] =	vst v21;
	v21 =	vld [tilespmem:$0x80]  }
0x2a: {  	v20 =	vadd.s32 v20, v26;
	v26 =	vshll.u32 v28, $0xB;
	v29 =	vshll.u32 v37, $0xB;
	[tilespmem:$0x210] =	vst v23;
	v23 =	vld [tilespmem:$0xC0]  }
0x2b: {  	v15 =	vshll.u32 v15, $0xB;
	[tilespmem:$0x230] =	vst v25;
	v25 =	vld [tilespmem:$0x1D0];
	v27 =	vshll.u32 v27, $0xB  }
0x2c: {  	v8 =	vshll.u32 v8, $0xB;
	v11 =	vadd.s32 v11, v15;
	[tilespmem:$0x220] =	vst v20;
	v15 =	vld [tilespmem:$0xD0];
	v20 =	vadd.s32 v34, v26  }
0x2d: {  	v2 =	vadd.s32 v2, v8;
	v26 =	vadd.s32 v35, v29;
	v24 =	vshll.u32 v24, $0xB;
	v28 =	vld [tilespmem:$0x190];
	[tilespmem:$0x2F0] =	vst v20  }
0x2e: {  	[tilespmem:$0x200] =	vst v26;
	v8 =	vadd.s32 v21, v24;
	v20 =	vld [tilespmem:$0x90];
	v21 =	vshll.u32 v22, $0xB;
	v22 =	vadd.s32 v31, v27  }
0x2f: {  	v21 =	vadd.s32 v23, v21;
	[tilespmem:$0x2E0] =	vst v22  }
0x30: {  	[tilespmem:$0x2C0] =	vst v21;
	v21 =	vshll.u32 v25, $0xB  }
0x31: {  	[tilespmem:$0x2A0] =	vst v11;
	v11 =	vadd.s32 v15, v21  }
0x32: {  	v15 =	vshll.u32 v28, $0xB;
	[tilespmem:$0x2D0] =	vst v11  }
0x33: {  	v11 =	vadd.s32 v20, v15;
	[tilespmem:$0x2B0] =	vst v2  }
0x34: {  	[tilespmem:$0x290] =	vst v11  }
0x35: {  	[tilespmem:$0x280] =	vst v8  }
0x36: {  	[hbm4b:s2+s3] =	stream.indirect.scatter [tilespmem:s9], [sflag:$0x1], $0x1, s6, s3, $0xb8;
	[tilespmem:$0x400] =	vst v63  }
0x37: {  	_ =	swait.ge [sflag:s5], $0x80  }
0x38: {  	[sflag:s5] =	ssyncset.done $0x0  }
0x39: {  	[sflag:s5] =	ssyncadd.s32 $0xFFFFFF80  }
0x3a: {  	[hbm4b:s2+s3] =	stream.indirect.scatter [tilespmem:s13], [sflag:$0x1], $0x1, s12, s3, $0xb8;
	[tilespmem:$0x400] =	vst v63  }
0x3b: {  	_ =	swait.ge [sflag:s5], $0x80  }
0x3c: {  	[sflag:s5] =	ssyncset.done $0x0  }
0x3d: {  	[sflag:s5] =	ssyncadd.s32 $0xFFFFFF80  }
0x3e: {  	[tilespmem:s4], [sflag:$0x2] =	stream.linear.gather [hbm4b:s7+s4], $0x100, $0x38;
	[tilespmem:$0x400] =	vst v63  }
0x3f: {  	_ =	swait.ge [sflag:s8], $0x100  }
0x40: {  	[sflag:s8] =	ssyncset.done $0x0  }
0x41: {  	[sflag:s8] =	ssyncadd.s32 $0xFFFFFF00  }
0x42: {  	[tilespmem:s11], [sflag:$0x2] =	stream.linear.gather [hbm4b:s10+s4], $0x100, $0x38;
	[tilespmem:$0x400] =	vst v63  }
0x43: {  	_ =	swait.ge [sflag:s8], $0x100  }
0x44: {  	[sflag:s8] =	ssyncset.done $0x0  }
0x45: {  	[sflag:s8] =	ssyncadd.s32 $0xFFFFFF00  }
0x46: {  	[tilespmem:$0x300] =	vst v0;
	v2 =	vld [tilespmem:$0xB0]  }
0x47: {  	[tilespmem:$0x310] =	vst v1;
	v8 =	vld [tilespmem:$0x1B0]  }
0x48: {  	[tilespmem:$0x320] =	vst v3;
	v11 =	vld [tilespmem:$0xA0]  }
0x49: {  	[tilespmem:$0x330] =	vst v4;
	v15 =	vld [tilespmem:$0x1A0]  }
0x4a: {  	[tilespmem:$0x340] =	vst v5;
	v21 =	vld [tilespmem:$0x60]  }
0x4b: {  	v24 =	vld [tilespmem:$0x50];
	[tilespmem:$0x350] =	vst v6  }
0x4c: {  	[tilespmem:$0x360] =	vst v7;
	v23 =	vld [tilespmem:$0x170]  }
0x4d: {  	v22 =	vld [tilespmem:$0x70];
	[tilespmem:$0x370] =	vst v9  }
0x4e: {  	v27 =	vld [tilespmem:$0x160];
	[tilespmem:$0x380] =	vst v10  }
.Ltmp1:
0x4f: {  	v20 =	vld [tilespmem:$0x20];
	[tilespmem:$0x390] =	vst v12;
	(pc) =	sbr.rel @p0 .LBB2_1-.Ltmp1, $4  }
0x50: {  	v28 =	vld [tilespmem:$0x150];
	[tilespmem:$0x3A0] =	vst v13  }
0x51: {  	v25 =	vld [tilespmem:$0x10];
	[tilespmem:$0x3B0] =	vst v14  }
0x52: {  	v26 =	vld [tilespmem:$0x120];
	[tilespmem:$0x3C0] =	vst v16  }
0x53: {  	v29 =	vld [tilespmem:$0x40];
	[tilespmem:$0x3D0] =	vst v19  }
.LBB2_2:
0x54: {  	v0 =	vld [tilespmem:$0x110]  }
0x55: {  	v1 =	vld [tilespmem:$0xE0]  }
0x56: {  	v3 =	vld [tilespmem:$0x30]  }
0x57: {  	v4 =	vld [tilespmem:$0x140]  }
0x58: {  	v5 =	vld [tilespmem:$0xF0]  }
0x59: {  	v6 =	vld [tilespmem:$0x0]  }
0x5a: {  	[tilespmem:$0x3E0] =	vst v18;
	v9 =	vld [tilespmem:$0x130];
	v10 =	vshll.u32 v27, $0xB  }
0x5b: {  	[tilespmem:$0x3F0] =	vst v17;
	v12 =	vld [tilespmem:$0x1F0];
	v40 =	vshll.u32 v23, $0xB;
	v39 =	vadd.s32 v21, v10  }
0x5c: {  	v13 =	vld [tilespmem:$0x100];
	v57 =	vshll.u32 v15, $0xB;
	v41 =	vadd.s32 v22, v40;
	[tilespmem:$0x260] =	vst v39  }
0x5d: {  	v14 =	vld [tilespmem:$0x1E0];
	v60 =	vshll.u32 v8, $0xB;
	v58 =	vadd.s32 v11, v57;
	[tilespmem:$0x270] =	vst v41  }
0x5e: {  	v42 =	vld [tilespmem:$0x1C0];
	v7 =	vshll.u32 v28, $0xB;
	v61 =	vadd.s32 v2, v60;
	[tilespmem:$0x2A0] =	vst v58  }
0x5f: {  	v44 =	vld [tilespmem:$0x180];
	v7 =	vadd.s32 v24, v7;
	[tilespmem:$0x2B0] =	vst v61;
	v45 =	vshll.u32 v26, $0xB  }
0x60: {  	v46 =	vld [tilespmem:$0xC0];
	[tilespmem:$0x250] =	vst v7;
	v47 =	vadd.s32 v20, v45;
	v4 =	vshll.u32 v4, $0xB  }
0x61: {  	v53 =	vld [tilespmem:$0x190];
	v0 =	vshll.u32 v0, $0xB;
	[tilespmem:$0x220] =	vst v47;
	v4 =	vadd.s32 v29, v4  }
0x62: {  	v54 =	vld [tilespmem:$0x90];
	v43 =	vshll.u32 v9, $0xB;
	v0 =	vadd.s32 v25, v0;
	[tilespmem:$0x240] =	vst v4  }
0x63: {  	v49 =	vld [tilespmem:$0x1D0];
	v48 =	vshll.u32 v12, $0xB;
	v3 =	vadd.s32 v3, v43;
	[tilespmem:$0x210] =	vst v0  }
0x64: {  	v51 =	vld [tilespmem:$0xD0];
	v50 =	vshll.u32 v13, $0xB;
	v5 =	vadd.s32 v5, v48;
	[tilespmem:$0x230] =	vst v3  }
0x65: {  	v56 =	vld [tilespmem:$0x80];
	v52 =	vshll.u32 v14, $0xB;
	v6 =	vadd.s32 v6, v50;
	[tilespmem:$0x2F0] =	vst v5  }
0x66: {  	v62 =	vshll.u32 v53, $0xB;
	v1 =	vadd.s32 v1, v52;
	[tilespmem:$0x200] =	vst v6  }
0x67: {  	v55 =	vshll.u32 v42, $0xB;
	v2 =	vadd.s32 v54, v62;
	[tilespmem:$0x2E0] =	vst v1  }
0x68: {  	v59 =	vshll.u32 v49, $0xB;
	v0 =	vadd.s32 v46, v55;
	[tilespmem:$0x290] =	vst v2  }
0x69: {  	v63 =	vshll.u32 v44, $0xB;
	[tilespmem:$0x2C0] =	vst v0;
	v0 =	vadd.s32 v51, v59  }
0x6a: {  	[tilespmem:$0x2D0] =	vst v0;
	v0 =	vadd.s32 v56, v63  }
0x6b: {  	[tilespmem:$0x280] =	vst v0  }
0x6c: {  	[hbm4b:s2+s3] =	stream.indirect.scatter [tilespmem:s9], [sflag:$0x1], $0x1, s6, s3, $0xb8;
	[tilespmem:$0x400] =	vst v63  }
0x6d: {  	_ =	swait.ge [sflag:s5], $0x80  }
0x6e: {  	[sflag:s5] =	ssyncset.done $0x0  }
0x6f: {  	[sflag:s5] =	ssyncadd.s32 $0xFFFFFF80  }
0x70: {  	[hbm4b:s2+s3] =	stream.indirect.scatter [tilespmem:s13], [sflag:$0x1], $0x1, s12, s3, $0xb8;
	[tilespmem:$0x400] =	vst v63  }
0x71: {  	_ =	swait.ge [sflag:s5], $0x80  }
0x72: {  	[sflag:s5] =	ssyncset.done $0x0  }
0x73: {  	[sflag:s5] =	ssyncadd.s32 $0xFFFFFF80  }
0x74: {  	_ =	sfence.sel $0x180000  }
0x75: {  	[bflag:$0x0] =	sbarrier.arrive $0xFFFF  }
0x76: {  	p0 =	sne.s32 s0, $0x0;
	_ =	strace $0x90000047  }
0x77: {  	s0 =	sadd.s32 @!p0 $0x100000, s1;
	[bflag:$0x2] =	sbarrier.arrive $0xFFFF  }
0x78: {  	[sflag:s0] =	ssyncadd.tile.s32 @!p0 $0x1;
	_ =	shalt  }
.Lfunc_end2:
_tile_overlayer_lowered:
.L_overlay_start_2:
0x79: {  	(tag) =	ssettag $0x2  }
0x7a: {  	s0 =	rddreg [dreg:$0x0];
	s2 =	stileid.u32  }
0x7b: {  	s1 =	rddreg [dreg:$0x1];
	p0 =	sne.s32 s2, $0x0  }
0x7c: {  	s3 =	rddreg [dreg:$0x2];
	[bflag:$0x3] =	sbarrier.arrive $0xFFFF;
	s2 =	simm.s32 @!p0 $0x1C02  }
0x7d: {  	[timem:s3], [sflag:s2] =	dma.local @!p0 [hbm:s0], s1  }
0x7e: {  	s0 =	simm.s32 @!p0 $0x2  }
0x7f: {  	_ =	swait.ge @!p0 [sflag:s0], s1  }
0x80: {  	s1 =	ssub.s32 @!p0 $0x0, s1;
	[sflag:s0] =	ssyncset.done @!p0 $0x0  }
0x81: {  	[sflag:s0] =	ssyncadd.s32 @!p0 s1  }
0x82: {  	[bflag:$0x3] =	sbarrier.arrive $0xFFFF  }
0x83: {  	_ =	shalt  }

// kernel: kernel.9.cloned.1.call-start
scs
__scs_entry_jumppad:
0x0: {  	(pc) =	sbr.rel $0x88, $3  }
0x1: {  	(tag) =	ssettag $0x0;
	lr =	simm.s32 $0x1  }
0x2: {  	[smem:$0x3F9D] =	sst lr;
	_ =	strace $0xD0000000  }
0x3: {  	_ = 	snop  }
0x4: {  	_ = 	snop  }
0x5: {  	_ = 	snop  }
0x6: {  	_ = 	snop  }
0x7: {  	_ = 	snop  }
__scs_overlays_trampoline_lowered:
0x8: {  	[smem:$0x3FAC] =	sst s0  }
0x9: {  	[smem:$0x3FAD] =	sst s1  }
0xa: {  	[smem:$0x3FAE] =	sst s2  }
0xb: {  	[smem:$0x3FAF] =	sst s3  }
0xc: {  	[smem:$0x3FB0] =	sst s4  }
0xd: {  	[smem:$0x3FB1] =	sst s5  }
0xe: {  	[smem:$0x3FB2] =	sst s6  }
0xf: {  	[smem:$0x3FB3] =	sst s7  }
0x10: {  	[smem:$0x3FB4] =	sst s8  }
0x11: {  	[smem:$0x3FB5] =	sst s9;
	s0 =	simm.s32 @!p0 $0x0  }
0x12: {  	s1 =	sld [smem:$0x3F9B];
	s0 =	simm.s32 @p0 $0x1  }
0x13: {  	[smem:$0x3FB6] =	sst s0;
	s0 =	simm.s32 @!p1 $0x0  }
0x14: {  	s2 =	sld [smem:$0x3F9A];
	s0 =	simm.s32 @p1 $0x1  }
0x15: {  	[smem:$0x3FB7] =	sst s0;
	s0 =	simm.s32 @!p2 $0x0  }
0x16: {  	s3 =	sld [smem:$0x3FDB];
	s0 =	simm.s32 @p2 $0x1  }
0x17: {  	s4 =	simm.s32 $0x1BF5;
	[smem:$0x3FB9] =	sst s0  }
0x18: {  	s0 =	sld [smem:$0x3F9C];
	_ =	swait.ge [sflag:s4], $0x0  }
0x19: {  	s7 =	sld [smem:$0x3F9D]  }
0x1a: {  	s8 =	sadd.s32 $0xFFFFE003, lr  }
0x1b: {  	s9 =	sadd.s32 $0xFFFFFEF7, lr;
	s5 =	simm.s32 $0xFFFFFFFF;
	p2 =	slt.u32 s8, $0xFFFFF086  }
0x1c: {  	p1 =	slt.u32 s9, $0xF7A;
	s5 =	simm.s32 @!p2 $0x0  }
0x1d: {  	s5 =	simm.s32 @p1 $0x1;
	p0 =	seq.s32 s7, s2  }
0x1e: {  	s7 =	smul.u32 @!p0 $0xF7A, s2;
	p2 =	seq.s32 @!p0 s5, $0x0  }
0x1f: {  	s9 =	smul.u32 $0xF7A, s1;
	s8 =	simm.s32 @!p0 $0x1BF5;
	p2 =	por !p2, p0  }
0x20: {  	[sflag:s8] =	ssyncset.s32 @!p0 $0xFFFFF086;
	s6 =	sadd.s32 @!p0 s3, s7;
	s7 =	simm.s32 @!p0 $0x108  }
0x21: {  	s3 =	sadd.s32 s3, s9;
	s6 =	sadd.s32 @!p0 $0x88, s6;
	s7 =	simm.s32 @p2 $0x1082  }
0x22: {  	[simem:s7], [sflag:s8] =	dma.local @!p0 [hbm:s6], $0xF7A  }
0x23: {  	s9 =	sor.u32 $0xD0000000, s2;
	s6 =	simm.s32 $0x108;
	_ =	swait.ge @!p0 [sflag:s8], $0x0  }
0x24: {  	s3 =	sadd.s32 $0x88, s3;
	s6 =	simm.s32 @!p1 $0x1082;
	[sflag:s4] =	ssyncset.s32 $0xFFFFF086  }
0x25: {  	[simem:s6], [sflag:s4] =	dma.local [hbm:s3], $0xF7A  }
0x26: {  	[smem:$0x3F9D] =	sst s1;
	(tag) =	ssettag s2;
	_ =	strace s9  }
0x27: {  	s1 =	sld [smem:$0x3FAD]  }
0x28: {  	s2 =	sld [smem:$0x3FAE]  }
0x29: {  	s4 =	sld [smem:$0x3FB0]  }
0x2a: {  	p0 =	seq.s32 s5, $0x0;
	s5 =	sld [smem:$0x3FB1]  }
0x2b: {  	s6 =	sld [smem:$0x3FB2]  }
0x2c: {  	s7 =	sld [smem:$0x3FB3]  }
0x2d: {  	s3 =	simm.s32 $0x108;
	s8 =	sld [smem:$0x3FB4]  }
0x2e: {  	s3 =	simm.s32 @!p0 $0x1082;
	s9 =	sld [smem:$0x3FB5]  }
0x2f: {  	lr =	sadd.s32 s0, s3;
	s0 =	sld [smem:$0x3FAC]  }
0x30: {  	s3 =	sld [smem:$0x3FAF]  }
0x31: {  	[smem:$0x3FB8] =	sst s10  }
0x32: {  	s10 =	sld [smem:$0x3FB6];
	_ =	sdelay $0x3  }
0x33: {  	p0 =	seq.s32 s10, $0x1;
	s10 =	sld [smem:$0x3FB8];
	_ =	sdelay $0x3  }
0x34: {  	[smem:$0x3FB8] =	sst s10  }
0x35: {  	s10 =	sld [smem:$0x3FB7];
	_ =	sdelay $0x3  }
0x36: {  	p1 =	seq.s32 s10, $0x1;
	s10 =	sld [smem:$0x3FB8];
	_ =	sdelay $0x3  }
0x37: {  	[smem:$0x3FB8] =	sst s10  }
0x38: {  	s10 =	sld [smem:$0x3FB9]  }
0x39: {  	_ = 	snop;
	(pc) =	sbr.ind lr, $3  }
0x3a: {  	_ = 	snop  }
0x3b: {  	_ = 	snop  }
0x3c: {  	p2 =	seq.s32 s10, $0x1;
	s10 =	sld [smem:$0x3FB8]  }
0x3d: {  	_ =	shalt  }
0x3e: {  	_ =	shalt  }
0x3f: {  	_ =	shalt  }
0x40: {  	_ =	shalt  }
0x41: {  	_ =	shalt  }
0x42: {  	_ =	shalt  }
0x43: {  	_ =	shalt  }
0x44: {  	_ =	shalt  }
0x45: {  	_ =	shalt  }
0x46: {  	_ =	shalt  }
0x47: {  	_ =	shalt  }
0x48: {  	_ =	shalt  }
0x49: {  	_ =	shalt  }
0x4a: {  	_ =	shalt  }
0x4b: {  	_ =	shalt  }
0x4c: {  	_ =	shalt  }
0x4d: {  	_ =	shalt  }
0x4e: {  	_ =	shalt  }
0x4f: {  	_ =	shalt  }
0x50: {  	_ =	shalt  }
0x51: {  	_ =	shalt  }
0x52: {  	_ =	shalt  }
0x53: {  	_ =	shalt  }
0x54: {  	_ =	shalt  }
0x55: {  	_ =	shalt  }
0x56: {  	_ =	shalt  }
0x57: {  	_ =	shalt  }
0x58: {  	_ =	shalt  }
0x59: {  	_ =	shalt  }
0x5a: {  	_ =	shalt  }
0x5b: {  	_ =	shalt  }
0x5c: {  	_ =	shalt  }
0x5d: {  	_ =	shalt  }
0x5e: {  	_ =	shalt  }
0x5f: {  	_ =	shalt  }
0x60: {  	_ =	shalt  }
0x61: {  	_ =	shalt  }
0x62: {  	_ =	shalt  }
0x63: {  	_ =	shalt  }
0x64: {  	_ =	shalt  }
0x65: {  	_ =	shalt  }
0x66: {  	_ =	shalt  }
0x67: {  	_ =	shalt  }
0x68: {  	_ =	shalt  }
0x69: {  	_ =	shalt  }
0x6a: {  	_ =	shalt  }
0x6b: {  	_ =	shalt  }
0x6c: {  	_ =	shalt  }
0x6d: {  	_ =	shalt  }
0x6e: {  	_ =	shalt  }
0x6f: {  	_ =	shalt  }
0x70: {  	_ =	shalt  }
0x71: {  	_ =	shalt  }
0x72: {  	_ =	shalt  }
0x73: {  	_ =	shalt  }
0x74: {  	_ =	shalt  }
0x75: {  	_ =	shalt  }
0x76: {  	_ =	shalt  }
0x77: {  	_ =	shalt  }
0x78: {  	_ =	shalt  }
0x79: {  	_ =	shalt  }
0x7a: {  	_ =	shalt  }
0x7b: {  	_ =	shalt  }
0x7c: {  	_ =	shalt  }
0x7d: {  	_ =	shalt  }
0x7e: {  	_ =	shalt  }
0x7f: {  	_ =	shalt  }
0x80: {  	_ =	shalt  }
0x81: {  	_ =	shalt  }
0x82: {  	_ =	shalt  }
0x83: {  	_ =	shalt  }
0x84: {  	_ =	shalt  }
0x85: {  	_ =	shalt  }
0x86: {  	_ =	shalt  }
0x87: {  	_ =	shalt  }
.Lfunc_end0:
.L_simem_size_0:
called_computation.1_lowered:
.L_overlay_start_0:
0x88: {  	s2 =	sld [smem:$0x3FD9]  }
0x89: {  	s3 =	sld [smem:$0x3FFE];
	_ =	sdelay $0x1  }
0x8a: {  	s1 =	srdreg.scid  }
0x8b: {  	s0 =	sand.u32 $0x1, s1  }
0x8c: {  	s17 =	sshll.u32 s0, $0xA;
	s2 =	sadd.s32 s3, s2  }
0x8d: {  	s2 =	sadd.s32 s2, s17  }
0x8e: {  	[smem:$0x3FC4] =	sst s2  }
0x8f: {  	_ = 	snop  }
0x90: {  	s2 =	sld [smem:$0x3FC8]  }
0x91: {  	s18 =	sld [smem:$0x3FC7]  }
0x92: {  	s4 =	sld [smem:$0x3FD0];
	(tm) =	ssettm $0x1  }
0x93: {  	s5 =	sld [smem:$0x3FFB];
	_ =	sdelay $0x3  }
0x94: {  	_ =	strace s5  }
0x95: {  	s5 =	sld [smem:$0x3FFC];
	_ =	sdelay $0x3  }
0x96: {  	_ =	strace s5  }
0x97: {  	s5 =	sld [smem:$0x3FFD];
	_ =	sdelay $0x3  }
0x98: {  	_ =	strace s5  }
0x99: {  	_ =	strace $0x8FFFFFFF  }
0x9a: {  	s19 =	sld [smem:$0x3FDB];
	_ =	sdelay $0x1  }
0x9b: {  	s6 =	simm.s32 $_scs_section_size  }
0x9c: {  	s7 =	simm.s32 $_size__tile_overlayer_lowered;
	s8 =	simm.s32 $_tile_overlayer_lowered  }
0x9d: {  	s22 =	simm.s32 $0x1BFF;
	s21 =	sshll.u32 s8, $0x1;
	s5 =	sadd.s32 s6, s19  }
0x9e: {  	s9 =	simm.s32 $0x0;
	s20 =	sshll.u32 s7, $0x1;
	s7 =	sadd.s32 s21, s5  }
0x9f: {  	[timem:s9], [sflag:s22] =	dma.local [hbm:s7], s20  }
0xa0: {  	_ =	swait.ge [sflag:s22], s20  }
0xa1: {  	s6 =	ssub.s32 $0x0, s20;
	[sflag:s22] =	ssyncset.done $0x0  }
0xa2: {  	[sflag:s22] =	ssyncadd.s32 s6;
	_ =	sdelay $0x1  }
0xa3: {  	s23 =	simm.s32 $0x1B8B  }
0xa4: {  	_ =	swait.ge [sflag:s23], $0x1  }
0xa5: {  	[sflag:s23] =	ssyncset.done $0x0  }
0xa6: {  	s25 =	simm.s32 $0x1B8E;
	s24 =	sld [smem:$0x3FFE];
	[sflag:s23] =	ssyncadd.s32 $0xFFFFFFFF  }
0xa7: {  	s26 =	simm.s32 $execute0_lowered;
	[smem:$0x3FD2] =	sst s25  }
0xa8: {  	s7 =	sshll.u32 s26, $0x1;
	_ =	strace $0x80000049;
	[dreg:$0x1] =	wrdreg $0xFFFFFFFF  }
0xa9: {  	s28 =	simm.s32 $_size_execute0_lowered;
	s5 =	sadd.s32 s5, s7;
	[dreg:$0x0] =	wrdreg $0x0  }
0xaa: {  	s7 =	sshll.u32 s28, $0x1;
	[dreg:$0x2] =	wrdreg s5  }
0xab: {  	[dreg:$0x3] =	wrdreg s7  }
0xac: {  	[dreg:$0x4] =	wrdreg $0xC0  }
0xad: {  	_ =	task [dreg:s9], $0x5FFFF  }
0xae: {  	[dreg:$0x1] =	wrdreg $0xFFFFFFFF  }
0xaf: {  	[dreg:$0x0] =	wrdreg $0x60  }
0xb0: {  	[dreg:$0x2] =	wrdreg s4  }
0xb1: {  	[dreg:$0x3] =	wrdreg s2  }
0xb2: {  	[dreg:$0x4] =	wrdreg s18  }
0xb3: {  	[dreg:$0x5] =	wrdreg s24  }
0xb4: {  	[dreg:$0x6] =	wrdreg $0x164000  }
0xb5: {  	[dreg:$0x7] =	wrdreg $0x9  }
0xb6: {  	_ =	task.clear_ibuf [dreg:s9], $0x8FFFF;
	_ =	strace $0x90000049  }
0xb7: {  	s29 =	simm.s32 $0x9;
	_ =	strace $0x8000004B  }
0xb8: {  	_ =	swait.ge [sflag:s29], $0x1  }
0xb9: {  	[sflag:s29] =	ssyncadd.s32 $0xFFFFFFFF  }
0xba: {  	_ =	strace $0x9000004B  }
0xbb: {  	_ =	sfence  }
0xbc: {  	s30 =	sld [smem:$0x0];
	_ =	sdelay $0x2  }
0xbd: {  	s31 =	sshll.u32 s1, $0xD;
	s1 =	sshrl.u32 s1, $0x2  }
0xbe: {  	s3 =	sand.u32 $0x4000, s31;
	s1 =	sadd.s32 s1, s30  }
0xbf: {  	s0 =	sor.u32 s3, s0;
	s1 =	sshll.u32 s1, $0x11  }
0xc0: {  	s0 =	sor.u32 s1, s0  }
0xc1: {  	s0 =	sadd.s32 $0x8F2B, s0  }
0xc2: {  	[sflag:s0] =	ssyncadd.remote.s32 $0x1  }
0xc3: {  	_ =	sfence.sel $0xFFFF  }
0xc4: {  	[dreg:$0x0] =	wrdreg $0xFFFFFFFF;
	(pc) =	sbr.abs _section_cstart, $3  }
0xc5: {  	[dreg:$0x1] =	wrdreg $0xFFFFFFFF  }
0xc6: {  	_ =	task.clear_ibuf [dreg:s9], $0x2FFFF;
	_ =	strace $0x9FFFFFFF  }
0xc7: {  	(tm) =	ssettm $0x7FFFFFFF  }
tec
execute0_lowered:
.L_overlay_start_1:
0x0: {  	(tag) =	ssettag $0x1  }
0x1: {  	s0 =	rddreg [dreg:$0x0]  }
0x2: {  	s1 =	rddreg [dreg:$0x3]  }
0x3: {  	s11 =	rddreg [dreg:$0x4];
	s5 =	stileid.u32  }
0x4: {  	s6 =	simm.s32 $0x0;
	s3 =	sshll.u32 s5, $0xF;
	s5 =	sshll.u32 s5, $0x9  }
0x5: {  	s2 =	srdreg.scid;
	[smem:$0x7FF] =	sst s6;
	s6 =	sor.u32 $0x20, s5  }
0x6: {  	_ =	strace $0x8000004A;
	s8 =	sor.u32 $0x30, s5;
	[dreg:$0x8] =	wrdreg s6  }
0x7: {  	s28 =	simm.s32 $0x400;
	s9 =	sor.u32 $0x40, s5;
	[dreg:$0x9] =	wrdreg s8  }
0x8: {  	s29 =	simm.s32 $0x4000;
	s10 =	sor.u32 $0x50, s5;
	[dreg:$0xa] =	wrdreg s9  }
0x9: {  	s2 =	sand.u32 $0x1, s2;
	s12 =	sor.u32 $0x60, s5;
	[dreg:$0xb] =	wrdreg s10  }
0xa: {  	s7 =	sadd.s32 $0x1000, s1;
	s13 =	sor.u32 $0x70, s5;
	[dreg:$0xc] =	wrdreg s12  }
0xb: {  	s4 =	sshll.u32 s2, $0x13;
	s14 =	sor.u32 $0x80, s5;
	[dreg:$0xd] =	wrdreg s13  }
0xc: {  	s3 =	sand.u32 $0x70000, s3;
	s15 =	sor.u32 $0x90, s5;
	[dreg:$0xe] =	wrdreg s14  }
0xd: {  	s25 =	sand.u32 $0x200, s5;
	s16 =	sor.u32 $0xA0, s5;
	[dreg:$0xf] =	wrdreg s15  }
0xe: {  	s2 =	ssub.s32 $0x2, s2;
	s17 =	sor.u32 $0xB0, s5;
	[dreg:$0x10] =	wrdreg s16  }
0xf: {  	s18 =	sor.u32 $0xC0, s5;
	s19 =	sor.u32 $0xD0, s5;
	[dreg:$0x11] =	wrdreg s17  }
0x10: {  	s20 =	sor.u32 $0xE0, s5;
	s21 =	sor.u32 $0xF0, s5;
	[dreg:$0x12] =	wrdreg s18  }
0x11: {  	s24 =	sor.u32 $0x100, s5;
	s30 =	sor.u32 $0x130, s5;
	[dreg:$0x13] =	wrdreg s19  }
0x12: {  	s31 =	sor.u32 $0x140, s5;
	s11 =	sadd.s32 s5, s11;
	[dreg:$0x14] =	wrdreg s20  }
0x13: {  	s3 =	sor.u32 s4, s3;
	s26 =	sshrl.u32 s2, $0x1;
	[dreg:$0x15] =	wrdreg s21  }
0x14: {  	s4 =	sor.u32 $0x10, s5;
	[dreg:$0x18] =	wrdreg s24;
	s6 =	sor.u32 $0x1A0, s5  }
0x15: {  	s8 =	sor.u32 $0x1B0, s5;
	s24 =	sor.u32 $0x1C0, s5;
	s9 =	sor.u32 $0x1E0, s5  }
0x16: {  	s10 =	sor.u32 $0x1F0, s5;
	[dreg:$0x1a] =	wrdreg s11;
	s11 =	simm.s32 $0x2  }
0x17: {  	s12 =	simm.s32 $0x80;
	s13 =	simm.s32 $0x1;
	s14 =	simm.s32 $0xC000  }
0x18: {  	s15 =	simm.s32 $0xE000;
	s16 =	simm.s32 $0xC800;
	s17 =	simm.s32 $0x10000  }
0x19: {  	s18 =	simm.s32 $0xD000;
	s19 =	simm.s32 $0x12000;
	s20 =	simm.s32 $0xD800  }
0x1a: {  	s21 =	simm.s32 $0x14000;
	s3 =	sor.u32 s25, s3;
	s2 =	ssub.s32 s2, s26  }
0x1b: {  	[dreg:$0x7] =	wrdreg s4;
	s25 =	sor.u32 $0x110, s5;
	s26 =	sor.u32 $0x120, s5  }
0x1c: {  	s4 =	sor.u32 $0x180, s5;
	s3 =	sshrl.u32 s3, $0x3;
	[dreg:$0x19] =	wrdreg s25  }
0x1d: {  	s23 =	smax.u32 s2, $0x1;
	[dreg:$0x1b] =	wrdreg s26;
	s2 =	sor.u32 $0x160, s5  }
0x1e: {  	s25 =	sor.u32 $0x1D0, s5;
	s26 =	simm.s32 $0x200;
	s1 =	sadd.s32 s3, s1  }
0x1f: {  	s0 =	sadd.s32 s0, s3;
	[dreg:$0x17] =	wrdreg s23;
	s3 =	sor.u32 $0x170, s5  }
0x20: {  	[dreg:$0x6] =	wrdreg s0;
	s22 =	sadd.s32 $0x81000, s1;
	s0 =	sor.u32 $0x150, s5  }
0x21: {  	v0 =	vimm.f32 $0.0e+00;
	s1 =	sor.u32 $0x190, s5;
	[dreg:$0x16] =	wrdreg s22;
	s22 =	simm.s32 $0x0  }
.LBB2_1:
0x22: {  	s23 =	rddreg [dreg:$0x6]  }
0x23: {  	[tilespmem:s29], [sflag:$0x1] =	stream.strided.gather [hbm4b:s23+s26], $0x8000, s28, s26, $0x38;
	[tilespmem:$0x16600] =	vst v63  }
0x24: {  	s28 =	rddreg [dreg:$0x2];
	s26 =	simm.s32 $0x0  }
0x25: {  	[tilespmem:s26], [sflag:$0x2] =	stream.linear.gather [hbm4b:s28+s26], $0x2000, $0x38;
	[tilespmem:$0x16600] =	vst v63  }
0x26: {  	_ =	swait.ge [sflag:s11], $0x2000  }
0x27: {  	[sflag:s11] =	ssyncset.done $0x0  }
0x28: {  	[sflag:s11] =	ssyncadd.s32 $0xFFFFE000  }
0x29: {  	s29 =	simm.s32 $0x2000;
	s23 =	rddreg [dreg:$0x1]  }
0x2a: {  	[tilespmem:s29], [sflag:$0x2] =	stream.linear.gather [hbm4b:s23+s26], $0x2000, $0x38;
	[tilespmem:$0x16600] =	vst v63  }
0x2b: {  	_ =	swait.ge [sflag:s11], $0x2000  }
0x2c: {  	[sflag:s11] =	ssyncset.done $0x0  }
0x2d: {  	[sflag:s11] =	ssyncadd.s32 $0xFFFFE000  }
0x2e: {  	v1 =	vld [tilespmem:s5+$0x0]  }
0x2f: {  	v2 =	vld [tilespmem:s5+$0x2000];
	_ =	sdelay $0x3  }
0x30: {  	v1 =	vshll.u32 v1, $0xB  }
0x31: {  	v1 =	vadd.s32 v2, v1  }
0x32: {  	s28 =	rddreg [dreg:$0x7];
	[tilespmem:$0x16000] =	vst v1  }
0x33: {  	v1 =	vld [tilespmem:s28+$0x0]  }
0x34: {  	v2 =	vld [tilespmem:s28+$0x2000];
	_ =	sdelay $0x3  }
0x35: {  	v1 =	vshll.u32 v1, $0xB  }
0x36: {  	v1 =	vadd.s32 v2, v1  }
0x37: {  	s29 =	rddreg [dreg:$0x8];
	[tilespmem:$0x16010] =	vst v1  }
0x38: {  	v1 =	vld [tilespmem:s29+$0x0]  }
0x39: {  	v2 =	vld [tilespmem:s29+$0x2000];
	_ =	sdelay $0x3  }
0x3a: {  	v1 =	vshll.u32 v1, $0xB  }
0x3b: {  	v1 =	vadd.s32 v2, v1  }
0x3c: {  	s26 =	rddreg [dreg:$0x9];
	[tilespmem:$0x16020] =	vst v1  }
0x3d: {  	v1 =	vld [tilespmem:s26+$0x0]  }
0x3e: {  	v2 =	vld [tilespmem:s26+$0x2000];
	_ =	sdelay $0x3  }
0x3f: {  	v1 =	vshll.u32 v1, $0xB  }
0x40: {  	v1 =	vadd.s32 v2, v1  }
0x41: {  	s28 =	rddreg [dreg:$0xa];
	[tilespmem:$0x16030] =	vst v1  }
0x42: {  	v1 =	vld [tilespmem:s28+$0x0]  }
0x43: {  	v2 =	vld [tilespmem:s28+$0x2000];
	_ =	sdelay $0x3  }
0x44: {  	v1 =	vshll.u32 v1, $0xB  }
0x45: {  	v1 =	vadd.s32 v2, v1  }
0x46: {  	s29 =	rddreg [dreg:$0xb];
	[tilespmem:$0x16040] =	vst v1  }
0x47: {  	v1 =	vld [tilespmem:s29+$0x0]  }
0x48: {  	v2 =	vld [tilespmem:s29+$0x2000];
	_ =	sdelay $0x3  }
0x49: {  	v1 =	vshll.u32 v1, $0xB  }
0x4a: {  	v1 =	vadd.s32 v2, v1  }
0x4b: {  	s26 =	rddreg [dreg:$0xc];
	[tilespmem:$0x16050] =	vst v1  }
0x4c: {  	v1 =	vld [tilespmem:s26+$0x0]  }
0x4d: {  	v2 =	vld [tilespmem:s26+$0x2000];
	_ =	sdelay $0x3  }
0x4e: {  	v1 =	vshll.u32 v1, $0xB  }
0x4f: {  	v1 =	vadd.s32 v2, v1  }
0x50: {  	s28 =	rddreg [dreg:$0xd];
	[tilespmem:$0x16060] =	vst v1  }
0x51: {  	v1 =	vld [tilespmem:s28+$0x0]  }
0x52: {  	v2 =	vld [tilespmem:s28+$0x2000];
	_ =	sdelay $0x3  }
0x53: {  	v1 =	vshll.u32 v1, $0xB  }
0x54: {  	v1 =	vadd.s32 v2, v1  }
0x55: {  	s29 =	rddreg [dreg:$0xe];
	[tilespmem:$0x16070] =	vst v1  }
0x56: {  	v1 =	vld [tilespmem:s29+$0x0]  }
0x57: {  	v2 =	vld [tilespmem:s29+$0x2000];
	_ =	sdelay $0x3  }
0x58: {  	v1 =	vshll.u32 v1, $0xB  }
0x59: {  	v1 =	vadd.s32 v2, v1  }
0x5a: {  	s26 =	rddreg [dreg:$0xf];
	[tilespmem:$0x16080] =	vst v1  }
0x5b: {  	v1 =	vld [tilespmem:s26+$0x0]  }
0x5c: {  	v2 =	vld [tilespmem:s26+$0x2000];
	_ =	sdelay $0x3  }
0x5d: {  	v1 =	vshll.u32 v1, $0xB  }
0x5e: {  	v1 =	vadd.s32 v2, v1  }
0x5f: {  	s28 =	rddreg [dreg:$0x10];
	[tilespmem:$0x16090] =	vst v1  }
0x60: {  	v1 =	vld [tilespmem:s28+$0x0]  }
0x61: {  	v2 =	vld [tilespmem:s28+$0x2000];
	_ =	sdelay $0x3  }
0x62: {  	v1 =	vshll.u32 v1, $0xB  }
0x63: {  	v1 =	vadd.s32 v2, v1  }
0x64: {  	s29 =	rddreg [dreg:$0x11];
	[tilespmem:$0x160A0] =	vst v1  }
0x65: {  	v1 =	vld [tilespmem:s29+$0x0]  }
0x66: {  	v2 =	vld [tilespmem:s29+$0x2000];
	_ =	sdelay $0x3  }
0x67: {  	v1 =	vshll.u32 v1, $0xB  }
0x68: {  	v1 =	vadd.s32 v2, v1  }
0x69: {  	s26 =	rddreg [dreg:$0x12];
	[tilespmem:$0x160B0] =	vst v1  }
0x6a: {  	v1 =	vld [tilespmem:s26+$0x0]  }
0x6b: {  	v2 =	vld [tilespmem:s26+$0x2000];
	_ =	sdelay $0x3  }
0x6c: {  	v1 =	vshll.u32 v1, $0xB  }
0x6d: {  	v1 =	vadd.s32 v2, v1  }
0x6e: {  	s28 =	rddreg [dreg:$0x13];
	[tilespmem:$0x160C0] =	vst v1  }
0x6f: {  	v1 =	vld [tilespmem:s28+$0x0]  }
0x70: {  	v2 =	vld [tilespmem:s28+$0x2000];
	_ =	sdelay $0x3  }
0x71: {  	v1 =	vshll.u32 v1, $0xB  }
0x72: {  	v1 =	vadd.s32 v2, v1  }
0x73: {  	s29 =	rddreg [dreg:$0x14];
	[tilespmem:$0x160D0] =	vst v1  }
0x74: {  	v1 =	vld [tilespmem:s29+$0x0]  }
0x75: {  	v2 =	vld [tilespmem:s29+$0x2000];
	_ =	sdelay $0x3  }
0x76: {  	v1 =	vshll.u32 v1, $0xB  }
0x77: {  	v1 =	vadd.s32 v2, v1  }
0x78: {  	s26 =	rddreg [dreg:$0x15];
	[tilespmem:$0x160E0] =	vst v1  }
0x79: {  	v1 =	vld [tilespmem:s26+$0x0]  }
0x7a: {  	v2 =	vld [tilespmem:s26+$0x2000];
	_ =	sdelay $0x3  }
0x7b: {  	v1 =	vshll.u32 v1, $0xB  }
0x7c: {  	v1 =	vadd.s32 v2, v1  }
0x7d: {  	s28 =	rddreg [dreg:$0x18];
	[tilespmem:$0x160F0] =	vst v1  }
0x7e: {  	v1 =	vld [tilespmem:s28+$0x0]  }
0x7f: {  	v2 =	vld [tilespmem:s28+$0x2000];
	_ =	sdelay $0x3  }
0x80: {  	v1 =	vshll.u32 v1, $0xB  }
0x81: {  	v1 =	vadd.s32 v2, v1  }
0x82: {  	s29 =	rddreg [dreg:$0x19];
	[tilespmem:$0x16100] =	vst v1  }
0x83: {  	v1 =	vld [tilespmem:s29+$0x0]  }
0x84: {  	v2 =	vld [tilespmem:s29+$0x2000];
	_ =	sdelay $0x3  }
0x85: {  	v1 =	vshll.u32 v1, $0xB  }
0x86: {  	v1 =	vadd.s32 v2, v1  }
0x87: {  	s26 =	rddreg [dreg:$0x1b];
	[tilespmem:$0x16110] =	vst v1  }
0x88: {  	v1 =	vld [tilespmem:s26+$0x0]  }
0x89: {  	v2 =	vld [tilespmem:s26+$0x2000];
	_ =	sdelay $0x3  }
0x8a: {  	v1 =	vshll.u32 v1, $0xB  }
0x8b: {  	v1 =	vadd.s32 v2, v1  }
0x8c: {  	[tilespmem:$0x16120] =	vst v1  }
0x8d: {  	v1 =	vld [tilespmem:s30+$0x0]  }
0x8e: {  	v2 =	vld [tilespmem:s30+$0x2000];
	_ =	sdelay $0x3  }
0x8f: {  	v1 =	vshll.u32 v1, $0xB  }
0x90: {  	v1 =	vadd.s32 v2, v1  }
0x91: {  	[tilespmem:$0x16130] =	vst v1  }
0x92: {  	v1 =	vld [tilespmem:s31+$0x0]  }
0x93: {  	v2 =	vld [tilespmem:s31+$0x2000];
	_ =	sdelay $0x3  }
0x94: {  	v1 =	vshll.u32 v1, $0xB  }
0x95: {  	v1 =	vadd.s32 v2, v1  }
0x96: {  	[tilespmem:$0x16140] =	vst v1  }
0x97: {  	v1 =	vld [tilespmem:s0+$0x0]  }
0x98: {  	v2 =	vld [tilespmem:s0+$0x2000];
	_ =	sdelay $0x3  }
0x99: {  	v1 =	vshll.u32 v1, $0xB  }
0x9a: {  	v1 =	vadd.s32 v2, v1  }
0x9b: {  	[tilespmem:$0x16150] =	vst v1  }
0x9c: {  	v1 =	vld [tilespmem:s2+$0x0]  }
0x9d: {  	v2 =	vld [tilespmem:s2+$0x2000];
	_ =	sdelay $0x3  }
0x9e: {  	v1 =	vshll.u32 v1, $0xB  }
0x9f: {  	v1 =	vadd.s32 v2, v1  }
0xa0: {  	[tilespmem:$0x16160] =	vst v1  }
0xa1: {  	v1 =	vld [tilespmem:s3+$0x0]  }
0xa2: {  	v2 =	vld [tilespmem:s3+$0x2000];
	_ =	sdelay $0x3  }
0xa3: {  	v1 =	vshll.u32 v1, $0xB  }
0xa4: {  	v1 =	vadd.s32 v2, v1  }
0xa5: {  	[tilespmem:$0x16170] =	vst v1  }
0xa6: {  	v1 =	vld [tilespmem:s4+$0x0]  }
0xa7: {  	v2 =	vld [tilespmem:s4+$0x2000];
	_ =	sdelay $0x3  }
0xa8: {  	v1 =	vshll.u32 v1, $0xB  }
0xa9: {  	v1 =	vadd.s32 v2, v1  }
0xaa: {  	[tilespmem:$0x16180] =	vst v1  }
0xab: {  	v1 =	vld [tilespmem:s1+$0x0]  }
0xac: {  	v2 =	vld [tilespmem:s1+$0x2000];
	_ =	sdelay $0x3  }
0xad: {  	v1 =	vshll.u32 v1, $0xB  }
0xae: {  	v1 =	vadd.s32 v2, v1  }
0xaf: {  	[tilespmem:$0x16190] =	vst v1  }
0xb0: {  	v1 =	vld [tilespmem:s6+$0x0]  }
0xb1: {  	v2 =	vld [tilespmem:s6+$0x2000];
	_ =	sdelay $0x3  }
0xb2: {  	v1 =	vshll.u32 v1, $0xB  }
0xb3: {  	v1 =	vadd.s32 v2, v1  }
0xb4: {  	[tilespmem:$0x161A0] =	vst v1  }
0xb5: {  	v1 =	vld [tilespmem:s8+$0x0]  }
0xb6: {  	v2 =	vld [tilespmem:s8+$0x2000];
	_ =	sdelay $0x3  }
0xb7: {  	v1 =	vshll.u32 v1, $0xB  }
0xb8: {  	v1 =	vadd.s32 v2, v1  }
0xb9: {  	[tilespmem:$0x161B0] =	vst v1  }
0xba: {  	v1 =	vld [tilespmem:s24+$0x0]  }
0xbb: {  	v2 =	vld [tilespmem:s24+$0x2000];
	_ =	sdelay $0x3  }
0xbc: {  	v1 =	vshll.u32 v1, $0xB  }
0xbd: {  	v1 =	vadd.s32 v2, v1  }
0xbe: {  	[tilespmem:$0x161C0] =	vst v1  }
0xbf: {  	v1 =	vld [tilespmem:s25+$0x0]  }
0xc0: {  	v2 =	vld [tilespmem:s25+$0x2000];
	_ =	sdelay $0x3  }
0xc1: {  	v1 =	vshll.u32 v1, $0xB  }
0xc2: {  	v1 =	vadd.s32 v2, v1  }
0xc3: {  	[tilespmem:$0x161D0] =	vst v1  }
0xc4: {  	v1 =	vld [tilespmem:s9+$0x0]  }
0xc5: {  	v2 =	vld [tilespmem:s9+$0x2000];
	_ =	sdelay $0x3  }
0xc6: {  	v1 =	vshll.u32 v1, $0xB  }
0xc7: {  	v1 =	vadd.s32 v2, v1  }
0xc8: {  	[tilespmem:$0x161E0] =	vst v1  }
0xc9: {  	v1 =	vld [tilespmem:s10+$0x0]  }
0xca: {  	v2 =	vld [tilespmem:s10+$0x2000];
	_ =	sdelay $0x3  }
0xcb: {  	v1 =	vshll.u32 v1, $0xB  }
0xcc: {  	v1 =	vadd.s32 v2, v1  }
0xcd: {  	s28 =	simm.s32 $0x16000;
	s29 =	simm.s32 $0x16200;
	[tilespmem:$0x161F0] =	vst v1  }
0xce: {  	[tilespmem:s29], [sflag:$0x1] =	stream.indirect.gather [hbm4b:s7+s12], $0x1, s28, s12, $0xb8;
	[tilespmem:$0x16600] =	vst v63  }
0xcf: {  	s28 =	simm.s32 $0x16080;
	s29 =	simm.s32 $0x16280  }
0xd0: {  	[tilespmem:s29], [sflag:$0x1] =	stream.indirect.gather [hbm4b:s7+s12], $0x1, s28, s12, $0xb8;
	[tilespmem:$0x16600] =	vst v63  }
0xd1: {  	s28 =	simm.s32 $0x16100;
	s29 =	simm.s32 $0x16300  }
0xd2: {  	[tilespmem:s29], [sflag:$0x1] =	stream.indirect.gather [hbm4b:s7+s12], $0x1, s28, s12, $0xb8;
	[tilespmem:$0x16600] =	vst v63  }
0xd3: {  	s23 =	simm.s32 $0x0;
	s28 =	simm.s32 $0x16180;
	s29 =	simm.s32 $0x16380  }
0xd4: {  	[tilespmem:s29], [sflag:$0x1] =	stream.indirect.gather [hbm4b:s7+s12], $0x1, s28, s12, $0xb8;
	[tilespmem:$0x16600] =	vst v63  }
.LBB2_2:
0xd5: {  	p0 =	sne.s32 s23, $0x7FC0  }
.Ltmp0:
0xd6: {  	s26 =	sshra.s32 s23, $0x2;
	(pc) =	sbr.rel @p0 .LBB2_2-.Ltmp0, $4  }
0xd7: {  	[tilespmem:s26+$0xE000] =	vst v0  }
0xd8: {  	[tilespmem:s26+$0x10000] =	vst v0  }
0xd9: {  	[tilespmem:s26+$0x12000] =	vst v0  }
0xda: {  	s23 =	sadd.s32 $0x40, s23;
	[tilespmem:s26+$0x14000] =	vst v0  }
0xdb: {  	s26 =	simm.s32 $0x40;
	s23 =	simm.s32 $0x0  }
.LBB2_4:
0xdc: {  	p0 =	sne.s32 s26, $0x1FC0;
	[tilespmem:s23+$0xD800] =	vst v0;
	s28 =	smov.u32 s26;
	s26 =	sadd.s32 $0x40, s26  }
.Ltmp1:
0xdd: {  	[tilespmem:s23+$0xD000] =	vst v0;
	(pc) =	sbr.rel @p0 .LBB2_4-.Ltmp1, $3  }
0xde: {  	[tilespmem:s23+$0xC000] =	vst v0  }
0xdf: {  	[tilespmem:s23+$0xC800] =	vst v0;
	_ =	sdelay $0x1  }
0xe0: {  	s23 =	sshra.s32 s28, $0x2  }
0xe1: {  	[tilespmem:s23+$0xD800] =	vst v0  }
0xe2: {  	[tilespmem:s23+$0xD000] =	vst v0  }
0xe3: {  	[tilespmem:s23+$0xC000] =	vst v0  }
0xe4: {  	[tilespmem:s23+$0xC800] =	vst v0  }
0xe5: {  	_ =	swait.ge [sflag:s13], $0x80  }
0xe6: {  	[sflag:s13] =	ssyncset.done $0x0  }
0xe7: {  	[sflag:s13] =	ssyncadd.s32 $0xFFFFFF80  }
0xe8: {  	_ =	swait.ge [sflag:s13], $0x80  }
0xe9: {  	[sflag:s13] =	ssyncset.done $0x0  }
0xea: {  	[sflag:s13] =	ssyncadd.s32 $0xFFFFFF80  }
0xeb: {  	_ =	swait.ge [sflag:s13], $0x80  }
0xec: {  	[sflag:s13] =	ssyncset.done $0x0  }
0xed: {  	[sflag:s13] =	ssyncadd.s32 $0xFFFFFF80  }
0xee: {  	_ =	swait.ge [sflag:s13], $0x80  }
0xef: {  	[sflag:s13] =	ssyncset.done $0x0  }
0xf0: {  	s26 =	simm.s32 $0x16200;
	s29 =	rddreg [dreg:$0x1a];
	[sflag:s13] =	ssyncadd.s32 $0xFFFFFF80  }
0xf1: {  	[spmem:s29] =	stream.linear.scatter [tilespmem:s26], [sflag:$0x2], $0x200, $0x38;
	[tilespmem:$0x16600] =	vst v63  }
0xf2: {  	_ =	swait.ge [sflag:s11], $0x200  }
0xf3: {  	[sflag:s11] =	ssyncset.done $0x0  }
0xf4: {  	[sflag:s11] =	ssyncadd.s32 $0xFFFFFE00  }
0xf5: {  	[bflag:$0x0] =	sbarrier.arrive $0xFFFF  }
0xf6: {  	s29 =	simm.s32 $0x2000;
	s28 =	rddreg [dreg:$0x4]  }
0xf7: {  	[tilespmem:s29], [sflag:$0x2] =	stream.linear.gather [spmem:s28], $0x2000, $0x38;
	[tilespmem:$0x16600] =	vst v63  }
0xf8: {  	_ =	swait.ge [sflag:s11], $0x2000  }
0xf9: {  	[sflag:s11] =	ssyncset.done $0x0  }
0xfa: {  	[sflag:s11] =	ssyncadd.s32 $0xFFFFE000  }
0xfb: {  	_ =	swait.ge [sflag:s13], $0x8000  }
0xfc: {  	[sflag:s13] =	ssyncset.done $0x0  }
0xfd: {  	s23 =	simm.s32 $0x0;
	s26 =	simm.s32 $0x4100;
	[sflag:s13] =	ssyncadd.s32 $0xFFFF8000  }
.LBB2_6:
0xfe: {  	s28 =	sshra.s32 s23, $0x2  }
0xff: {  	v1 =	vld [tilespmem:s28+$0x0]  }
0x100: {  	v2 =	vld [tilespmem:s28+$0x2000];
	_ =	sdelay $0x1  }
0x101: {  	v3 =	vld [tilespmem:s26+$0xFFFFFF00];
	_ =	sdelay $0x4  }
0x102: {  	[tilespmem:v1+s14+$0x0] =	vst.idx.add.f32.msk $0xffff, v3  }
0x103: {  	[tilespmem:v2+s15+$0x0] =	vst.idx.add.f32.msk $0xffff, v3  }
0x104: {  	v3 =	vld [tilespmem:s26+$0xFFFFFF80];
	_ =	sdelay $0x4  }
0x105: {  	[tilespmem:v1+s16+$0x0] =	vst.idx.add.f32.msk $0xffff, v3  }
0x106: {  	[tilespmem:v2+s17+$0x0] =	vst.idx.add.f32.msk $0xffff, v3  }
0x107: {  	v3 =	vld [tilespmem:s26+$0x0];
	_ =	sdelay $0x4  }
0x108: {  	[tilespmem:v1+s18+$0x0] =	vst.idx.add.f32.msk $0xffff, v3  }
0x109: {  	[tilespmem:v2+s19+$0x0] =	vst.idx.add.f32.msk $0xffff, v3  }
0x10a: {  	v3 =	vld [tilespmem:s26+$0x80];
	_ =	sdelay $0x4  }
0x10b: {  	[tilespmem:v1+s20+$0x0] =	vst.idx.add.f32.msk $0xffff, v3  }
0x10c: {  	[tilespmem:v2+s21+$0x0] =	vst.idx.add.f32.msk $0xffff, v3  }
0x10d: {  	v1 =	vld [tilespmem:s28+$0x10]  }
0x10e: {  	v2 =	vld [tilespmem:s28+$0x2010];
	_ =	sdelay $0x1  }
0x10f: {  	v3 =	vld [tilespmem:s26+$0xFFFFFF10];
	_ =	sdelay $0x4  }
0x110: {  	[tilespmem:v1+s14+$0x0] =	vst.idx.add.f32.msk $0xffff, v3  }
0x111: {  	[tilespmem:v2+s15+$0x0] =	vst.idx.add.f32.msk $0xffff, v3  }
0x112: {  	v3 =	vld [tilespmem:s26+$0xFFFFFF90];
	_ =	sdelay $0x4  }
0x113: {  	[tilespmem:v1+s16+$0x0] =	vst.idx.add.f32.msk $0xffff, v3  }
0x114: {  	[tilespmem:v2+s17+$0x0] =	vst.idx.add.f32.msk $0xffff, v3  }
0x115: {  	v3 =	vld [tilespmem:s26+$0x10];
	_ =	sdelay $0x4  }
0x116: {  	[tilespmem:v1+s18+$0x0] =	vst.idx.add.f32.msk $0xffff, v3  }
0x117: {  	[tilespmem:v2+s19+$0x0] =	vst.idx.add.f32.msk $0xffff, v3  }
0x118: {  	v3 =	vld [tilespmem:s26+$0x90];
	_ =	sdelay $0x4  }
0x119: {  	[tilespmem:v1+s20+$0x0] =	vst.idx.add.f32.msk $0xffff, v3  }
0x11a: {  	[tilespmem:v2+s21+$0x0] =	vst.idx.add.f32.msk $0xffff, v3  }
0x11b: {  	v1 =	vld [tilespmem:s28+$0x20]  }
0x11c: {  	v2 =	vld [tilespmem:s28+$0x2020];
	_ =	sdelay $0x1  }
0x11d: {  	v3 =	vld [tilespmem:s26+$0xFFFFFF20];
	_ =	sdelay $0x4  }
0x11e: {  	[tilespmem:v1+s14+$0x0] =	vst.idx.add.f32.msk $0xffff, v3  }
0x11f: {  	[tilespmem:v2+s15+$0x0] =	vst.idx.add.f32.msk $0xffff, v3  }
0x120: {  	v3 =	vld [tilespmem:s26+$0xFFFFFFA0];
	_ =	sdelay $0x4  }
0x121: {  	[tilespmem:v1+s16+$0x0] =	vst.idx.add.f32.msk $0xffff, v3  }
0x122: {  	[tilespmem:v2+s17+$0x0] =	vst.idx.add.f32.msk $0xffff, v3  }
0x123: {  	v3 =	vld [tilespmem:s26+$0x20];
	_ =	sdelay $0x4  }
0x124: {  	[tilespmem:v1+s18+$0x0] =	vst.idx.add.f32.msk $0xffff, v3  }
0x125: {  	[tilespmem:v2+s19+$0x0] =	vst.idx.add.f32.msk $0xffff, v3  }
0x126: {  	v3 =	vld [tilespmem:s26+$0xA0];
	_ =	sdelay $0x4  }
0x127: {  	[tilespmem:v1+s20+$0x0] =	vst.idx.add.f32.msk $0xffff, v3  }
0x128: {  	[tilespmem:v2+s21+$0x0] =	vst.idx.add.f32.msk $0xffff, v3  }
0x129: {  	v1 =	vld [tilespmem:s28+$0x30]  }
0x12a: {  	v2 =	vld [tilespmem:s28+$0x2030];
	_ =	sdelay $0x1  }
0x12b: {  	v3 =	vld [tilespmem:s26+$0xFFFFFF30];
	_ =	sdelay $0x4  }
0x12c: {  	[tilespmem:v1+s14+$0x0] =	vst.idx.add.f32.msk $0xffff, v3  }
0x12d: {  	[tilespmem:v2+s15+$0x0] =	vst.idx.add.f32.msk $0xffff, v3  }
0x12e: {  	v3 =	vld [tilespmem:s26+$0xFFFFFFB0];
	_ =	sdelay $0x4  }
0x12f: {  	[tilespmem:v1+s16+$0x0] =	vst.idx.add.f32.msk $0xffff, v3  }
0x130: {  	[tilespmem:v2+s17+$0x0] =	vst.idx.add.f32.msk $0xffff, v3  }
0x131: {  	v3 =	vld [tilespmem:s26+$0x30];
	_ =	sdelay $0x4  }
0x132: {  	[tilespmem:v1+s18+$0x0] =	vst.idx.add.f32.msk $0xffff, v3  }
0x133: {  	[tilespmem:v2+s19+$0x0] =	vst.idx.add.f32.msk $0xffff, v3  }
0x134: {  	v3 =	vld [tilespmem:s26+$0xB0];
	_ =	sdelay $0x4  }
0x135: {  	[tilespmem:v1+s20+$0x0] =	vst.idx.add.f32.msk $0xffff, v3  }
0x136: {  	[tilespmem:v2+s21+$0x0] =	vst.idx.add.f32.msk $0xffff, v3  }
0x137: {  	v1 =	vld [tilespmem:s28+$0x40]  }
0x138: {  	v2 =	vld [tilespmem:s28+$0x2040];
	_ =	sdelay $0x1  }
0x139: {  	v3 =	vld [tilespmem:s26+$0xFFFFFF40];
	_ =	sdelay $0x4  }
0x13a: {  	[tilespmem:v1+s14+$0x0] =	vst.idx.add.f32.msk $0xffff, v3  }
0x13b: {  	[tilespmem:v2+s15+$0x0] =	vst.idx.add.f32.msk $0xffff, v3  }
0x13c: {  	v3 =	vld [tilespmem:s26+$0xFFFFFFC0];
	_ =	sdelay $0x4  }
0x13d: {  	[tilespmem:v1+s16+$0x0] =	vst.idx.add.f32.msk $0xffff, v3  }
0x13e: {  	[tilespmem:v2+s17+$0x0] =	vst.idx.add.f32.msk $0xffff, v3  }
0x13f: {  	v3 =	vld [tilespmem:s26+$0x40];
	_ =	sdelay $0x4  }
0x140: {  	[tilespmem:v1+s18+$0x0] =	vst.idx.add.f32.msk $0xffff, v3  }
0x141: {  	[tilespmem:v2+s19+$0x0] =	vst.idx.add.f32.msk $0xffff, v3  }
0x142: {  	v3 =	vld [tilespmem:s26+$0xC0];
	_ =	sdelay $0x4  }
0x143: {  	[tilespmem:v1+s20+$0x0] =	vst.idx.add.f32.msk $0xffff, v3  }
0x144: {  	[tilespmem:v2+s21+$0x0] =	vst.idx.add.f32.msk $0xffff, v3  }
0x145: {  	v1 =	vld [tilespmem:s28+$0x50]  }
0x146: {  	v2 =	vld [tilespmem:s28+$0x2050];
	_ =	sdelay $0x1  }
0x147: {  	v3 =	vld [tilespmem:s26+$0xFFFFFF50];
	_ =	sdelay $0x4  }
0x148: {  	[tilespmem:v1+s14+$0x0] =	vst.idx.add.f32.msk $0xffff, v3  }
0x149: {  	[tilespmem:v2+s15+$0x0] =	vst.idx.add.f32.msk $0xffff, v3  }
0x14a: {  	v3 =	vld [tilespmem:s26+$0xFFFFFFD0];
	_ =	sdelay $0x4  }
0x14b: {  	[tilespmem:v1+s16+$0x0] =	vst.idx.add.f32.msk $0xffff, v3  }
0x14c: {  	[tilespmem:v2+s17+$0x0] =	vst.idx.add.f32.msk $0xffff, v3  }
0x14d: {  	v3 =	vld [tilespmem:s26+$0x50];
	_ =	sdelay $0x4  }
0x14e: {  	[tilespmem:v1+s18+$0x0] =	vst.idx.add.f32.msk $0xffff, v3  }
0x14f: {  	[tilespmem:v2+s19+$0x0] =	vst.idx.add.f32.msk $0xffff, v3  }
0x150: {  	v3 =	vld [tilespmem:s26+$0xD0];
	_ =	sdelay $0x4  }
0x151: {  	[tilespmem:v1+s20+$0x0] =	vst.idx.add.f32.msk $0xffff, v3  }
0x152: {  	[tilespmem:v2+s21+$0x0] =	vst.idx.add.f32.msk $0xffff, v3  }
0x153: {  	v1 =	vld [tilespmem:s28+$0x60]  }
0x154: {  	v2 =	vld [tilespmem:s28+$0x2060];
	_ =	sdelay $0x1  }
0x155: {  	v3 =	vld [tilespmem:s26+$0xFFFFFF60];
	_ =	sdelay $0x4  }
0x156: {  	[tilespmem:v1+s14+$0x0] =	vst.idx.add.f32.msk $0xffff, v3  }
0x157: {  	[tilespmem:v2+s15+$0x0] =	vst.idx.add.f32.msk $0xffff, v3  }
0x158: {  	v3 =	vld [tilespmem:s26+$0xFFFFFFE0];
	_ =	sdelay $0x4  }
0x159: {  	[tilespmem:v1+s16+$0x0] =	vst.idx.add.f32.msk $0xffff, v3  }
0x15a: {  	[tilespmem:v2+s17+$0x0] =	vst.idx.add.f32.msk $0xffff, v3  }
0x15b: {  	v3 =	vld [tilespmem:s26+$0x60];
	_ =	sdelay $0x4  }
0x15c: {  	[tilespmem:v1+s18+$0x0] =	vst.idx.add.f32.msk $0xffff, v3  }
0x15d: {  	[tilespmem:v2+s19+$0x0] =	vst.idx.add.f32.msk $0xffff, v3  }
0x15e: {  	v3 =	vld [tilespmem:s26+$0xE0];
	_ =	sdelay $0x4  }
0x15f: {  	[tilespmem:v1+s20+$0x0] =	vst.idx.add.f32.msk $0xffff, v3  }
0x160: {  	[tilespmem:v2+s21+$0x0] =	vst.idx.add.f32.msk $0xffff, v3  }
0x161: {  	v1 =	vld [tilespmem:s28+$0x70]  }
0x162: {  	v2 =	vld [tilespmem:s28+$0x2070];
	_ =	sdelay $0x1  }
0x163: {  	v3 =	vld [tilespmem:s26+$0xFFFFFF70];
	_ =	sdelay $0x4  }
0x164: {  	[tilespmem:v1+s14+$0x0] =	vst.idx.add.f32.msk $0xffff, v3  }
0x165: {  	[tilespmem:v2+s15+$0x0] =	vst.idx.add.f32.msk $0xffff, v3  }
0x166: {  	v3 =	vld [tilespmem:s26+$0xFFFFFFF0];
	_ =	sdelay $0x4  }
0x167: {  	[tilespmem:v1+s16+$0x0] =	vst.idx.add.f32.msk $0xffff, v3  }
0x168: {  	[tilespmem:v2+s17+$0x0] =	vst.idx.add.f32.msk $0xffff, v3  }
0x169: {  	v3 =	vld [tilespmem:s26+$0x70];
	_ =	sdelay $0x4  }
0x16a: {  	[tilespmem:v1+s18+$0x0] =	vst.idx.add.f32.msk $0xffff, v3  }
0x16b: {  	[tilespmem:v2+s19+$0x0] =	vst.idx.add.f32.msk $0xffff, v3  }
0x16c: {  	v3 =	vld [tilespmem:s26+$0xF0]  }
0x16d: {  	p0 =	sne.s32 s23, $0x7E00  }
.Ltmp2:
0x16e: {  	_ = 	snop;
	(pc) =	sbr.rel @p0 .LBB2_6-.Ltmp2, $3  }
0x16f: {  	_ =	sdelay $0x1  }
0x170: {  	[tilespmem:v1+s20+$0x0] =	vst.idx.add.f32.msk $0xffff, v3  }
0x171: {  	s23 =	sadd.s32 $0x200, s23;
	s26 =	sadd.s32 $0x200, s26;
	[tilespmem:v2+s21+$0x0] =	vst.idx.add.f32.msk $0xffff, v3  }
0x172: {  	s23 =	simm.s32 $0x0;
	s26 =	rddreg [dreg:$0x1]  }
0x173: {  	[tilespmem:s23], [sflag:$0x2] =	stream.linear.gather [hbm4b:s26+s23], $0x2000, $0x38;
	[tilespmem:$0x16600] =	vst v63  }
0x174: {  	_ =	swait.ge [sflag:s11], $0x2000  }
0x175: {  	[sflag:s11] =	ssyncset.done $0x0  }
0x176: {  	s26 =	simm.s32 $0x4100;
	[sflag:s11] =	ssyncadd.s32 $0xFFFFE000  }
.LBB2_8:
0x177: {  	s28 =	sshra.s32 s23, $0x2  }
0x178: {  	v1 =	vld [tilespmem:s28+$0x0]  }
0x179: {  	v2 =	vld [tilespmem:s28+$0x2000];
	_ =	sdelay $0x6  }
0x17a: {  	v3 =	vld.idx.msk [tilespmem:v1+s14+$0x0], $0xffff  }
0x17b: {  	v4 =	vld.idx.msk [tilespmem:v2+s15+$0x0], $0xffff;
	_ =	sdelay $0x4  }
0x17c: {  	v3 =	vsub.f32 v3, v4;
	_ =	sdelay $0x1  }
0x17d: {  	[tilespmem:s26+$0xFFFFFF00] =	vst v3  }
0x17e: {  	v3 =	vld.idx.msk [tilespmem:v1+s16+$0x0], $0xffff  }
0x17f: {  	v41 =	vld.idx.msk [tilespmem:v2+s17+$0x0], $0xffff;
	_ =	sdelay $0x4  }
0x180: {  	v3 =	vsub.f32 v3, v41;
	_ =	sdelay $0x1  }
0x181: {  	[tilespmem:s26+$0xFFFFFF80] =	vst v3  }
0x182: {  	v3 =	vld.idx.msk [tilespmem:v1+s18+$0x0], $0xffff  }
0x183: {  	v42 =	vld.idx.msk [tilespmem:v2+s19+$0x0], $0xffff;
	_ =	sdelay $0x4  }
0x184: {  	v3 =	vsub.f32 v3, v42;
	_ =	sdelay $0x1  }
0x185: {  	[tilespmem:s26+$0x0] =	vst v3  }
0x186: {  	v1 =	vld.idx.msk [tilespmem:v1+s20+$0x0], $0xffff  }
0x187: {  	v2 =	vld.idx.msk [tilespmem:v2+s21+$0x0], $0xffff;
	_ =	sdelay $0x4  }
0x188: {  	v1 =	vsub.f32 v1, v2;
	_ =	sdelay $0x1  }
0x189: {  	[tilespmem:s26+$0x80] =	vst v1  }
0x18a: {  	v1 =	vld [tilespmem:s28+$0x10]  }
0x18b: {  	v2 =	vld [tilespmem:s28+$0x2010];
	_ =	sdelay $0x6  }
0x18c: {  	v3 =	vld.idx.msk [tilespmem:v1+s14+$0x0], $0xffff  }
0x18d: {  	v43 =	vld.idx.msk [tilespmem:v2+s15+$0x0], $0xffff;
	_ =	sdelay $0x4  }
0x18e: {  	v3 =	vsub.f32 v3, v43;
	_ =	sdelay $0x1  }
0x18f: {  	[tilespmem:s26+$0xFFFFFF10] =	vst v3  }
0x190: {  	v3 =	vld.idx.msk [tilespmem:v1+s16+$0x0], $0xffff  }
0x191: {  	v44 =	vld.idx.msk [tilespmem:v2+s17+$0x0], $0xffff;
	_ =	sdelay $0x4  }
0x192: {  	v3 =	vsub.f32 v3, v44;
	_ =	sdelay $0x1  }
0x193: {  	[tilespmem:s26+$0xFFFFFF90] =	vst v3  }
0x194: {  	v3 =	vld.idx.msk [tilespmem:v1+s18+$0x0], $0xffff  }
0x195: {  	v45 =	vld.idx.msk [tilespmem:v2+s19+$0x0], $0xffff;
	_ =	sdelay $0x4  }
0x196: {  	v3 =	vsub.f32 v3, v45;
	_ =	sdelay $0x1  }
0x197: {  	[tilespmem:s26+$0x10] =	vst v3  }
0x198: {  	v1 =	vld.idx.msk [tilespmem:v1+s20+$0x0], $0xffff  }
0x199: {  	v2 =	vld.idx.msk [tilespmem:v2+s21+$0x0], $0xffff;
	_ =	sdelay $0x4  }
0x19a: {  	v1 =	vsub.f32 v1, v2;
	_ =	sdelay $0x1  }
0x19b: {  	[tilespmem:s26+$0x90] =	vst v1  }
0x19c: {  	v1 =	vld [tilespmem:s28+$0x20]  }
0x19d: {  	v2 =	vld [tilespmem:s28+$0x2020];
	_ =	sdelay $0x6  }
0x19e: {  	v3 =	vld.idx.msk [tilespmem:v1+s14+$0x0], $0xffff  }
0x19f: {  	v46 =	vld.idx.msk [tilespmem:v2+s15+$0x0], $0xffff;
	_ =	sdelay $0x4  }
0x1a0: {  	v3 =	vsub.f32 v3, v46;
	_ =	sdelay $0x1  }
0x1a1: {  	[tilespmem:s26+$0xFFFFFF20] =	vst v3  }
0x1a2: {  	v3 =	vld.idx.msk [tilespmem:v1+s16+$0x0], $0xffff  }
0x1a3: {  	v47 =	vld.idx.msk [tilespmem:v2+s17+$0x0], $0xffff;
	_ =	sdelay $0x4  }
0x1a4: {  	v3 =	vsub.f32 v3, v47;
	_ =	sdelay $0x1  }
0x1a5: {  	[tilespmem:s26+$0xFFFFFFA0] =	vst v3  }
0x1a6: {  	v3 =	vld.idx.msk [tilespmem:v1+s18+$0x0], $0xffff  }
0x1a7: {  	v48 =	vld.idx.msk [tilespmem:v2+s19+$0x0], $0xffff;
	_ =	sdelay $0x4  }
0x1a8: {  	v3 =	vsub.f32 v3, v48;
	_ =	sdelay $0x1  }
0x1a9: {  	[tilespmem:s26+$0x20] =	vst v3  }
0x1aa: {  	v1 =	vld.idx.msk [tilespmem:v1+s20+$0x0], $0xffff  }
0x1ab: {  	v2 =	vld.idx.msk [tilespmem:v2+s21+$0x0], $0xffff;
	_ =	sdelay $0x4  }
0x1ac: {  	v1 =	vsub.f32 v1, v2;
	_ =	sdelay $0x1  }
0x1ad: {  	[tilespmem:s26+$0xA0] =	vst v1  }
0x1ae: {  	v1 =	vld [tilespmem:s28+$0x30]  }
0x1af: {  	v2 =	vld [tilespmem:s28+$0x2030];
	_ =	sdelay $0x6  }
0x1b0: {  	v3 =	vld.idx.msk [tilespmem:v1+s14+$0x0], $0xffff  }
0x1b1: {  	v49 =	vld.idx.msk [tilespmem:v2+s15+$0x0], $0xffff;
	_ =	sdelay $0x4  }
0x1b2: {  	v3 =	vsub.f32 v3, v49;
	_ =	sdelay $0x1  }
0x1b3: {  	[tilespmem:s26+$0xFFFFFF30] =	vst v3  }
0x1b4: {  	v3 =	vld.idx.msk [tilespmem:v1+s16+$0x0], $0xffff  }
0x1b5: {  	v50 =	vld.idx.msk [tilespmem:v2+s17+$0x0], $0xffff;
	_ =	sdelay $0x4  }
0x1b6: {  	v3 =	vsub.f32 v3, v50;
	_ =	sdelay $0x1  }
0x1b7: {  	[tilespmem:s26+$0xFFFFFFB0] =	vst v3  }
0x1b8: {  	v3 =	vld.idx.msk [tilespmem:v1+s18+$0x0], $0xffff  }
0x1b9: {  	v51 =	vld.idx.msk [tilespmem:v2+s19+$0x0], $0xffff;
	_ =	sdelay $0x4  }
0x1ba: {  	v3 =	vsub.f32 v3, v51;
	_ =	sdelay $0x1  }
0x1bb: {  	[tilespmem:s26+$0x30] =	vst v3  }
0x1bc: {  	v1 =	vld.idx.msk [tilespmem:v1+s20+$0x0], $0xffff  }
0x1bd: {  	v2 =	vld.idx.msk [tilespmem:v2+s21+$0x0], $0xffff;
	_ =	sdelay $0x4  }
0x1be: {  	v1 =	vsub.f32 v1, v2;
	_ =	sdelay $0x1  }
0x1bf: {  	[tilespmem:s26+$0xB0] =	vst v1  }
0x1c0: {  	v1 =	vld [tilespmem:s28+$0x40]  }
0x1c1: {  	v2 =	vld [tilespmem:s28+$0x2040];
	_ =	sdelay $0x6  }
0x1c2: {  	v3 =	vld.idx.msk [tilespmem:v1+s14+$0x0], $0xffff  }
0x1c3: {  	v52 =	vld.idx.msk [tilespmem:v2+s15+$0x0], $0xffff;
	_ =	sdelay $0x4  }
0x1c4: {  	v3 =	vsub.f32 v3, v52;
	_ =	sdelay $0x1  }
0x1c5: {  	[tilespmem:s26+$0xFFFFFF40] =	vst v3  }
0x1c6: {  	v3 =	vld.idx.msk [tilespmem:v1+s16+$0x0], $0xffff  }
0x1c7: {  	v53 =	vld.idx.msk [tilespmem:v2+s17+$0x0], $0xffff;
	_ =	sdelay $0x4  }
0x1c8: {  	v3 =	vsub.f32 v3, v53;
	_ =	sdelay $0x1  }
0x1c9: {  	[tilespmem:s26+$0xFFFFFFC0] =	vst v3  }
0x1ca: {  	v3 =	vld.idx.msk [tilespmem:v1+s18+$0x0], $0xffff  }
0x1cb: {  	v54 =	vld.idx.msk [tilespmem:v2+s19+$0x0], $0xffff;
	_ =	sdelay $0x4  }
0x1cc: {  	v3 =	vsub.f32 v3, v54;
	_ =	sdelay $0x1  }
0x1cd: {  	[tilespmem:s26+$0x40] =	vst v3  }
0x1ce: {  	v1 =	vld.idx.msk [tilespmem:v1+s20+$0x0], $0xffff  }
0x1cf: {  	v2 =	vld.idx.msk [tilespmem:v2+s21+$0x0], $0xffff;
	_ =	sdelay $0x4  }
0x1d0: {  	v1 =	vsub.f32 v1, v2;
	_ =	sdelay $0x1  }
0x1d1: {  	[tilespmem:s26+$0xC0] =	vst v1  }
0x1d2: {  	v1 =	vld [tilespmem:s28+$0x50]  }
0x1d3: {  	v2 =	vld [tilespmem:s28+$0x2050];
	_ =	sdelay $0x6  }
0x1d4: {  	v3 =	vld.idx.msk [tilespmem:v1+s14+$0x0], $0xffff  }
0x1d5: {  	v55 =	vld.idx.msk [tilespmem:v2+s15+$0x0], $0xffff;
	_ =	sdelay $0x4  }
0x1d6: {  	v3 =	vsub.f32 v3, v55;
	_ =	sdelay $0x1  }
0x1d7: {  	[tilespmem:s26+$0xFFFFFF50] =	vst v3  }
0x1d8: {  	v3 =	vld.idx.msk [tilespmem:v1+s16+$0x0], $0xffff  }
0x1d9: {  	v56 =	vld.idx.msk [tilespmem:v2+s17+$0x0], $0xffff;
	_ =	sdelay $0x4  }
0x1da: {  	v3 =	vsub.f32 v3, v56;
	_ =	sdelay $0x1  }
0x1db: {  	[tilespmem:s26+$0xFFFFFFD0] =	vst v3  }
0x1dc: {  	v3 =	vld.idx.msk [tilespmem:v1+s18+$0x0], $0xffff  }
0x1dd: {  	v57 =	vld.idx.msk [tilespmem:v2+s19+$0x0], $0xffff;
	_ =	sdelay $0x4  }
0x1de: {  	v3 =	vsub.f32 v3, v57;
	_ =	sdelay $0x1  }
0x1df: {  	[tilespmem:s26+$0x50] =	vst v3  }
0x1e0: {  	v1 =	vld.idx.msk [tilespmem:v1+s20+$0x0], $0xffff  }
0x1e1: {  	v2 =	vld.idx.msk [tilespmem:v2+s21+$0x0], $0xffff;
	_ =	sdelay $0x4  }
0x1e2: {  	v1 =	vsub.f32 v1, v2;
	_ =	sdelay $0x1  }
0x1e3: {  	[tilespmem:s26+$0xD0] =	vst v1  }
0x1e4: {  	v1 =	vld [tilespmem:s28+$0x60]  }
0x1e5: {  	v2 =	vld [tilespmem:s28+$0x2060];
	_ =	sdelay $0x6  }
0x1e6: {  	v3 =	vld.idx.msk [tilespmem:v1+s14+$0x0], $0xffff  }
0x1e7: {  	v58 =	vld.idx.msk [tilespmem:v2+s15+$0x0], $0xffff;
	_ =	sdelay $0x4  }
0x1e8: {  	v3 =	vsub.f32 v3, v58;
	_ =	sdelay $0x1  }
0x1e9: {  	[tilespmem:s26+$0xFFFFFF60] =	vst v3  }
0x1ea: {  	v3 =	vld.idx.msk [tilespmem:v1+s16+$0x0], $0xffff  }
0x1eb: {  	v59 =	vld.idx.msk [tilespmem:v2+s17+$0x0], $0xffff;
	_ =	sdelay $0x4  }
0x1ec: {  	v3 =	vsub.f32 v3, v59;
	_ =	sdelay $0x1  }
0x1ed: {  	[tilespmem:s26+$0xFFFFFFE0] =	vst v3  }
0x1ee: {  	v3 =	vld.idx.msk [tilespmem:v1+s18+$0x0], $0xffff  }
0x1ef: {  	v60 =	vld.idx.msk [tilespmem:v2+s19+$0x0], $0xffff;
	_ =	sdelay $0x4  }
0x1f0: {  	v3 =	vsub.f32 v3, v60;
	_ =	sdelay $0x1  }
0x1f1: {  	[tilespmem:s26+$0x60] =	vst v3  }
0x1f2: {  	v1 =	vld.idx.msk [tilespmem:v1+s20+$0x0], $0xffff  }
0x1f3: {  	v2 =	vld.idx.msk [tilespmem:v2+s21+$0x0], $0xffff;
	_ =	sdelay $0x4  }
0x1f4: {  	v1 =	vsub.f32 v1, v2;
	_ =	sdelay $0x1  }
0x1f5: {  	[tilespmem:s26+$0xE0] =	vst v1  }
0x1f6: {  	v1 =	vld [tilespmem:s28+$0x70]  }
0x1f7: {  	v2 =	vld [tilespmem:s28+$0x2070];
	_ =	sdelay $0x6  }
0x1f8: {  	v3 =	vld.idx.msk [tilespmem:v1+s14+$0x0], $0xffff  }
0x1f9: {  	v61 =	vld.idx.msk [tilespmem:v2+s15+$0x0], $0xffff;
	_ =	sdelay $0x4  }
0x1fa: {  	v3 =	vsub.f32 v3, v61;
	_ =	sdelay $0x1  }
0x1fb: {  	[tilespmem:s26+$0xFFFFFF70] =	vst v3  }
0x1fc: {  	v3 =	vld.idx.msk [tilespmem:v1+s16+$0x0], $0xffff  }
0x1fd: {  	v62 =	vld.idx.msk [tilespmem:v2+s17+$0x0], $0xffff;
	_ =	sdelay $0x4  }
0x1fe: {  	v3 =	vsub.f32 v3, v62;
	_ =	sdelay $0x1  }
0x1ff: {  	[tilespmem:s26+$0xFFFFFFF0] =	vst v3  }
0x200: {  	v3 =	vld.idx.msk [tilespmem:v1+s18+$0x0], $0xffff  }
0x201: {  	v63 =	vld.idx.msk [tilespmem:v2+s19+$0x0], $0xffff;
	_ =	sdelay $0x4  }
0x202: {  	v3 =	vsub.f32 v3, v63;
	_ =	sdelay $0x1  }
0x203: {  	[tilespmem:s26+$0x70] =	vst v3  }
0x204: {  	v1 =	vld.idx.msk [tilespmem:v1+s20+$0x0], $0xffff  }
0x205: {  	v2 =	vld.idx.msk [tilespmem:v2+s21+$0x0], $0xffff;
	_ =	sdelay $0x1  }
0x206: {  	p0 =	sne.s32 s23, $0x7E00  }
.Ltmp3:
0x207: {  	_ = 	snop;
	(pc) =	sbr.rel @p0 .LBB2_8-.Ltmp3, $3  }
0x208: {  	_ = 	snop  }
0x209: {  	v1 =	vsub.f32 v1, v2;
	_ =	sdelay $0x1  }
0x20a: {  	s23 =	sadd.s32 $0x200, s23;
	[tilespmem:s26+$0xF0] =	vst v1;
	s26 =	sadd.s32 $0x200, s26  }
0x20b: {  	s23 =	rddreg [dreg:$0x16]  }
0x20c: {  	s26 =	simm.s32 $0x200;
	s28 =	simm.s32 $0x400;
	s29 =	simm.s32 $0x4000  }
0x20d: {  	[hbm4b:s23+s26] =	stream.strided.scatter [tilespmem:s29], [sflag:$0x2], $0x8000, s28, s26, $0x38;
	[tilespmem:$0x16600] =	vst v63  }
0x20e: {  	_ =	swait.ge [sflag:s11], $0x8000  }
0x20f: {  	s22 =	sadd.s32 $0x1, s22;
	s23 =	rddreg [dreg:$0x17]  }
0x210: {  	p0 =	sne.s32 s22, s23  }
.Ltmp4:
0x211: {  	_ = 	snop;
	(pc) =	sbr.rel @p0 .LBB2_1-.Ltmp4, $3  }
0x212: {  	_ =	sdelay $0x1  }
0x213: {  	[sflag:s11] =	ssyncset.done $0x0  }
0x214: {  	[sflag:s11] =	ssyncadd.s32 $0xFFFF8000  }
0x215: {  	_ =	sfence.sel $0x180000  }
0x216: {  	[bflag:$0x0] =	sbarrier.arrive $0xFFFF  }
0x217: {  	_ =	strace $0x9000004A  }
0x218: {  	s0 =	stileid.u32;
	[bflag:$0x2] =	sbarrier.arrive $0xFFFF  }
0x219: {  	p0 =	sne.s32 s0, $0x0;
	s0 =	rddreg [dreg:$0x5]  }
0x21a: {  	s0 =	sadd.s32 @!p0 $0x100000, s0  }
0x21b: {  	[sflag:s0] =	ssyncadd.tile.s32 @!p0 $0x1;
	_ =	shalt  }
.Lfunc_end2:
_tile_overlayer_lowered:
.L_overlay_start_2:
0x21c: {  	(tag) =	ssettag $0x2  }
0x21d: {  	s0 =	rddreg [dreg:$0x0];
	s2 =	stileid.u32  }
0x21e: {  	s1 =	rddreg [dreg:$0x1];
	p0 =	sne.s32 s2, $0x0  }
0x21f: {  	s3 =	rddreg [dreg:$0x2];
	[bflag:$0x3] =	sbarrier.arrive $0xFFFF;
	s2 =	simm.s32 @!p0 $0x1C02  }
0x220: {  	[timem:s3], [sflag:s2] =	dma.local @!p0 [hbm:s0], s1  }
0x221: {  	s0 =	simm.s32 @!p0 $0x2  }
0x222: {  	_ =	swait.ge @!p0 [sflag:s0], s1  }
0x223: {  	s1 =	ssub.s32 @!p0 $0x0, s1;
	[sflag:s0] =	ssyncset.done @!p0 $0x0  }
0x224: {  	[sflag:s0] =	ssyncadd.s32 @!p0 s1  }
0x225: {  	[bflag:$0x3] =	sbarrier.arrive $0xFFFF  }
0x226: {  	_ =	shalt  }

</sc_bundles>
